<compile_context>
chip_gen: v7x
topology: tpu7x:2x2x1
jax: 0.10.2.dev20260603
libtpu: 0.0.44.dev20260713+nightly
codegen_flags: <defaults>
</compile_context>

<pallas_src>
import functools

import jax
import jax.numpy as jnp
from jax import lax
from jax.experimental import pallas as pl
from jax.experimental.pallas import tpu as pltpu
from jax.experimental.pallas import tpu_sc as plsc

B = 16384
D = 64
L = 16
NC = 2
NS = 16
NW = NC * NS
BPW = B // NW
CHUNK = 128
NCH = BPW // CHUNK


def _sqrt16(x):
    bits = plsc.bitcast(x, jnp.int32)
    y = plsc.bitcast(jnp.int32(0x5F3759DF) - (bits >> 1), jnp.float32)
    for _ in range(3):
        y = y * (1.5 - 0.5 * x * y * y)
    return x * y


@functools.partial(
    pl.kernel,
    mesh=plsc.VectorSubcoreMesh(core_axis_name="c", subcore_axis_name="s"),
    out_type=jax.ShapeDtypeStruct((B,), jnp.float32),
    compiler_params=pltpu.CompilerParams(
        needs_layout_passes=False, use_tc_tiling_on_sc=False),
    scratch_types=[
        pltpu.VMEM((BPW,), jnp.int32),
        pltpu.VMEM((BPW,), jnp.int32),
        pltpu.VMEM((BPW,), jnp.int32),
        pltpu.VMEM((BPW, D), jnp.float32),
        pltpu.VMEM((BPW, D), jnp.float32),
        pltpu.VMEM((BPW, D), jnp.float32),
        pltpu.VMEM((BPW,), jnp.float32),
        pltpu.SemaphoreType.DMA,
    ],
)
def _transe_sc(si_hbm, pi_hbm, oi_hbm, nodes_hbm, rel_hbm, out_hbm,
               si_v, pi_v, oi_v, s_v, p_v, o_v, res_v, sem):
    wid = lax.axis_index("s") * NC + lax.axis_index("c")
    base = wid * BPW

    pltpu.sync_copy(si_hbm.at[pl.ds(base, BPW)], si_v)
    pltpu.sync_copy(pi_hbm.at[pl.ds(base, BPW)], pi_v)
    pltpu.sync_copy(oi_hbm.at[pl.ds(base, BPW)], oi_v)

    copies = []
    for j in range(NCH):
        src = pl.ds(j * CHUNK, CHUNK)
        dst = pl.ds(j * CHUNK, CHUNK)
        copies.append(pltpu.async_copy(nodes_hbm.at[si_v.at[src]], s_v.at[dst], sem))
        copies.append(pltpu.async_copy(rel_hbm.at[pi_v.at[src]], p_v.at[dst], sem))
        copies.append(pltpu.async_copy(nodes_hbm.at[oi_v.at[src]], o_v.at[dst], sem))
    for c in copies:
        c.wait()

    def lanesum(x):
        for shift in (8, 4, 2, 1):
            x = x + x.at[lax.iota(jnp.int32, L) ^ shift].get(
                mode="promise_in_bounds")
        return x

    lane = lax.iota(jnp.int32, L)

    def group_body(g, carry):
        out16 = jnp.zeros((L,), jnp.float32)
        for k in range(L):
            i = g * L + k
            acc = jnp.zeros((L,), jnp.float32)
            for c in range(D // L):
                sl = pl.ds(c * L, L)
                t = s_v[i, sl] + p_v[i, sl] - o_v[i, sl]
                acc = acc + t * t
            out16 = jnp.where(lane == k, lanesum(acc), out16)
        res_v[pl.ds(g * L, L)] = _sqrt16(out16)
        return carry

    lax.fori_loop(0, BPW // L, group_body, 0)

    pltpu.sync_copy(res_v, out_hbm.at[pl.ds(base, BPW)])


@jax.jit
def kernel(triples, nodes, relations):
    t = triples.astype(jnp.int32)
    return _transe_sc(t[:, 0], t[:, 1], t[:, 2], nodes, relations)

# --- scband reference (transcript-rebuilt; emitter-appended) ---
"""Pipeline reference for scband-trans-e-53704271069491 (READ-ONLY COPY).

The authoritative reference and input builder live on the scoring server;
editing this copy changes nothing except your own understanding.
"""

import jax, jax.numpy as jnp
import numpy as np


def setup_inputs(seed: int = 0) -> dict:
    key = jax.random.key(seed)
    k1, k2, k3 = jax.random.split(key, 3)
    triples = jax.random.randint(k1, (16384, 3), 0, 100000, dtype=jnp.int64)
    nodes = jax.random.normal(k2, (100000, 64), dtype=jnp.float32)
    relations = jax.random.normal(k3, (100000, 64), dtype=jnp.float32)
    return {"triples": triples, "nodes": nodes, "relations": relations}


def reference(triples, nodes, relations):
    # forward=True -> a, b = (0, 2)
    si = triples[:, 0]
    pi = triples[:, 1]
    oi = triples[:, 2]
    s = jnp.take(nodes, si, axis=0)
    p = jnp.take(relations, pi, axis=0)
    o = jnp.take(nodes, oi, axis=0)
    return jnp.linalg.norm(s + p - o, ord=2, axis=1)

if __name__ == "__main__":
    import jax
    _d = setup_inputs()
    print(jax.jit(kernel)(*tuple(_d.values())))

</pallas_src>

<mosaic_0001>
#map = affine_map<(d0, d1) -> (0)>
#map1 = affine_map<(d0, d1) -> (0, 0)>
module attributes {stable_mosaic.version = 14 : i64} {
  func.func @_transe_sc(%arg0: i32, %arg1: i32, %arg2: memref<16384xi32, #tpu.memory_space<hbm>>, %arg3: memref<16384xi32, #tpu.memory_space<hbm>>, %arg4: memref<16384xi32, #tpu.memory_space<hbm>>, %arg5: memref<100000x64xf32, #tpu.memory_space<hbm>>, %arg6: memref<100000x64xf32, #tpu.memory_space<hbm>>, %arg7: memref<16384xf32, #tpu.memory_space<hbm>>, %arg8: memref<512xi32, #tpu.memory_space<vmem>>, %arg9: memref<512xi32, #tpu.memory_space<vmem>>, %arg10: memref<512xi32, #tpu.memory_space<vmem>>, %arg11: memref<512x64xf32, #tpu.memory_space<vmem>>, %arg12: memref<512x64xf32, #tpu.memory_space<vmem>>, %arg13: memref<512x64xf32, #tpu.memory_space<vmem>>, %arg14: memref<512xf32, #tpu.memory_space<vmem>>, %arg15: memref<!tpu.dma_semaphore, #tpu.memory_space<semaphore_mem>>) attributes {dimension_semantics = [#tpu.dimension_semantics<core_parallel>, #tpu.dimension_semantics<subcore_parallel>], iteration_bounds = array<i64: 2, 16>, scalar_prefetch = 0 : i64, scratch_operands = 8 : i64, tpu.core_type = #tpu.core_type<sc_vector_subcore>, window_params = [{transform_indices = #map}, {transform_indices = #map}, {transform_indices = #map}, {transform_indices = #map1}, {transform_indices = #map1}, {transform_indices = #map}]} {
    %mul3A = arith.constant 2 : i32
    %mul3A_0 = arith.muli %arg1, %mul3A : i32
    %add3A = arith.addi %mul3A_0, %arg0 : i32
    %mul3A_1 = arith.constant 512 : i32
    %mul3A_2 = arith.muli %add3A, %mul3A_1 : i32
    "tpu.region"() ({
      %run_scoped3A = tpu.sem_alloc : memref<!tpu.dma_semaphore, #tpu.memory_space<semaphore_mem>>
      %dma_start3A_198 = tpu.memref_slice %arg2[%mul3A_2] : memref<16384xi32, #tpu.memory_space<hbm>> -> memref<512xi32, #tpu.memory_space<hbm>>
      %dma_start3A_199 = tpu.memref_slice %arg2[%mul3A_2] : memref<16384xi32, #tpu.memory_space<hbm>> -> memref<512xi32, #tpu.memory_space<hbm>>
      tpu.enqueue_dma source(%dma_start3A_199 : memref<512xi32, #tpu.memory_space<hbm>>) target(%arg8 : memref<512xi32, #tpu.memory_space<vmem>>) target_semaphore(%run_scoped3A : memref<!tpu.dma_semaphore, #tpu.memory_space<semaphore_mem>>)
      %dma_wait3A_200 = tpu.memref_slice %arg2[%mul3A_2] : memref<16384xi32, #tpu.memory_space<hbm>> -> memref<512xi32, #tpu.memory_space<hbm>>
      %dma_wait3A_201 = tpu.memref_slice %arg2[%mul3A_2] : memref<16384xi32, #tpu.memory_space<hbm>> -> memref<512xi32, #tpu.memory_space<hbm>>
      tpu.wait_dma2 semaphore(%run_scoped3A : memref<!tpu.dma_semaphore, #tpu.memory_space<semaphore_mem>>) src(%dma_wait3A_201 : memref<512xi32, #tpu.memory_space<hbm>>) dst(%arg8 : memref<512xi32, #tpu.memory_space<vmem>>)
      tpu.yield
    }) : () -> ()
    "tpu.region"() ({
      %run_scoped3A = tpu.sem_alloc : memref<!tpu.dma_semaphore, #tpu.memory_space<semaphore_mem>>
      %dma_start3A_198 = tpu.memref_slice %arg3[%mul3A_2] : memref<16384xi32, #tpu.memory_space<hbm>> -> memref<512xi32, #tpu.memory_space<hbm>>
      %dma_start3A_199 = tpu.memref_slice %arg3[%mul3A_2] : memref<16384xi32, #tpu.memory_space<hbm>> -> memref<512xi32, #tpu.memory_space<hbm>>
      tpu.enqueue_dma source(%dma_start3A_199 : memref<512xi32, #tpu.memory_space<hbm>>) target(%arg9 : memref<512xi32, #tpu.memory_space<vmem>>) target_semaphore(%run_scoped3A : memref<!tpu.dma_semaphore, #tpu.memory_space<semaphore_mem>>)
      %dma_wait3A_200 = tpu.memref_slice %arg3[%mul3A_2] : memref<16384xi32, #tpu.memory_space<hbm>> -> memref<512xi32, #tpu.memory_space<hbm>>
      %dma_wait3A_201 = tpu.memref_slice %arg3[%mul3A_2] : memref<16384xi32, #tpu.memory_space<hbm>> -> memref<512xi32, #tpu.memory_space<hbm>>
      tpu.wait_dma2 semaphore(%run_scoped3A : memref<!tpu.dma_semaphore, #tpu.memory_space<semaphore_mem>>) src(%dma_wait3A_201 : memref<512xi32, #tpu.memory_space<hbm>>) dst(%arg9 : memref<512xi32, #tpu.memory_space<vmem>>)
      tpu.yield
    }) : () -> ()
    "tpu.region"() ({
      %run_scoped3A = tpu.sem_alloc : memref<!tpu.dma_semaphore, #tpu.memory_space<semaphore_mem>>
      %dma_start3A_198 = tpu.memref_slice %arg4[%mul3A_2] : memref<16384xi32, #tpu.memory_space<hbm>> -> memref<512xi32, #tpu.memory_space<hbm>>
      %dma_start3A_199 = tpu.memref_slice %arg4[%mul3A_2] : memref<16384xi32, #tpu.memory_space<hbm>> -> memref<512xi32, #tpu.memory_space<hbm>>
      tpu.enqueue_dma source(%dma_start3A_199 : memref<512xi32, #tpu.memory_space<hbm>>) target(%arg10 : memref<512xi32, #tpu.memory_space<vmem>>) target_semaphore(%run_scoped3A : memref<!tpu.dma_semaphore, #tpu.memory_space<semaphore_mem>>)
      %dma_wait3A_200 = tpu.memref_slice %arg4[%mul3A_2] : memref<16384xi32, #tpu.memory_space<hbm>> -> memref<512xi32, #tpu.memory_space<hbm>>
      %dma_wait3A_201 = tpu.memref_slice %arg4[%mul3A_2] : memref<16384xi32, #tpu.memory_space<hbm>> -> memref<512xi32, #tpu.memory_space<hbm>>
      tpu.wait_dma2 semaphore(%run_scoped3A : memref<!tpu.dma_semaphore, #tpu.memory_space<semaphore_mem>>) src(%dma_wait3A_201 : memref<512xi32, #tpu.memory_space<hbm>>) dst(%arg10 : memref<512xi32, #tpu.memory_space<vmem>>)
      tpu.yield
    }) : () -> ()
    %dma_start3A = arith.constant 0 : i32
    %dma_start3A_3 = arith.constant 0 : i32
    %dma_start3A_4 = tpu.memref_slice %arg11[%dma_start3A, %dma_start3A_3] : memref<512x64xf32, #tpu.memory_space<vmem>> -> memref<128x64xf32, #tpu.memory_space<vmem>>
    %dma_start3A_5 = arith.constant 0 : i32
    %dma_start3A_6 = tpu.memref_slice %arg8[%dma_start3A_5] : memref<512xi32, #tpu.memory_space<vmem>> -> memref<128xi32, #tpu.memory_space<vmem>>
    %dma_start3A_7 = arith.constant 0 : i32
    %dma_start3A_8 = arith.constant 0 : i32
    %dma_start3A_9 = tpu.memref_slice %arg5[%dma_start3A_7, %dma_start3A_8] : memref<100000x64xf32, #tpu.memory_space<hbm>> -> memref<100000x64xf32, #tpu.memory_space<hbm>>
    tpu.enqueue_indirect_dma source(%dma_start3A_9 : memref<100000x64xf32, #tpu.memory_space<hbm>>) target(%dma_start3A_4 : memref<128x64xf32, #tpu.memory_space<vmem>>) offsets(%dma_start3A_6 : memref<128xi32, #tpu.memory_space<vmem>>) semaphore(%arg15 : memref<!tpu.dma_semaphore, #tpu.memory_space<semaphore_mem>>)
    %dma_start3A_10 = arith.constant 0 : i32
    %dma_start3A_11 = arith.constant 0 : i32
    %dma_start3A_12 = tpu.memref_slice %arg12[%dma_start3A_10, %dma_start3A_11] : memref<512x64xf32, #tpu.memory_space<vmem>> -> memref<128x64xf32, #tpu.memory_space<vmem>>
    %dma_start3A_13 = arith.constant 0 : i32
    %dma_start3A_14 = tpu.memref_slice %arg9[%dma_start3A_13] : memref<512xi32, #tpu.memory_space<vmem>> -> memref<128xi32, #tpu.memory_space<vmem>>
    %dma_start3A_15 = arith.constant 0 : i32
    %dma_start3A_16 = arith.constant 0 : i32
    %dma_start3A_17 = tpu.memref_slice %arg6[%dma_start3A_15, %dma_start3A_16] : memref<100000x64xf32, #tpu.memory_space<hbm>> -> memref<100000x64xf32, #tpu.memory_space<hbm>>
    tpu.enqueue_indirect_dma source(%dma_start3A_17 : memref<100000x64xf32, #tpu.memory_space<hbm>>) target(%dma_start3A_12 : memref<128x64xf32, #tpu.memory_space<vmem>>) offsets(%dma_start3A_14 : memref<128xi32, #tpu.memory_space<vmem>>) semaphore(%arg15 : memref<!tpu.dma_semaphore, #tpu.memory_space<semaphore_mem>>)
    %dma_start3A_18 = arith.constant 0 : i32
    %dma_start3A_19 = arith.constant 0 : i32
    %dma_start3A_20 = tpu.memref_slice %arg13[%dma_start3A_18, %dma_start3A_19] : memref<512x64xf32, #tpu.memory_space<vmem>> -> memref<128x64xf32, #tpu.memory_space<vmem>>
    %dma_start3A_21 = arith.constant 0 : i32
    %dma_start3A_22 = tpu.memref_slice %arg10[%dma_start3A_21] : memref<512xi32, #tpu.memory_space<vmem>> -> memref<128xi32, #tpu.memory_space<vmem>>
    %dma_start3A_23 = arith.constant 0 : i32
    %dma_start3A_24 = arith.constant 0 : i32
    %dma_start3A_25 = tpu.memref_slice %arg5[%dma_start3A_23, %dma_start3A_24] : memref<100000x64xf32, #tpu.memory_space<hbm>> -> memref<100000x64xf32, #tpu.memory_space<hbm>>
    tpu.enqueue_indirect_dma source(%dma_start3A_25 : memref<100000x64xf32, #tpu.memory_space<hbm>>) target(%dma_start3A_20 : memref<128x64xf32, #tpu.memory_space<vmem>>) offsets(%dma_start3A_22 : memref<128xi32, #tpu.memory_space<vmem>>) semaphore(%arg15 : memref<!tpu.dma_semaphore, #tpu.memory_space<semaphore_mem>>)
    %dma_start3A_26 = arith.constant 128 : i32
    %dma_start3A_27 = arith.constant 0 : i32
    %dma_start3A_28 = tpu.memref_slice %arg11[%dma_start3A_26, %dma_start3A_27] : memref<512x64xf32, #tpu.memory_space<vmem>> -> memref<128x64xf32, #tpu.memory_space<vmem>>
    %dma_start3A_29 = arith.constant 128 : i32
    %dma_start3A_30 = tpu.memref_slice %arg8[%dma_start3A_29] : memref<512xi32, #tpu.memory_space<vmem>> -> memref<128xi32, #tpu.memory_space<vmem>>
    %dma_start3A_31 = arith.constant 0 : i32
    %dma_start3A_32 = arith.constant 0 : i32
    %dma_start3A_33 = tpu.memref_slice %arg5[%dma_start3A_31, %dma_start3A_32] : memref<100000x64xf32, #tpu.memory_space<hbm>> -> memref<100000x64xf32, #tpu.memory_space<hbm>>
    tpu.enqueue_indirect_dma source(%dma_start3A_33 : memref<100000x64xf32, #tpu.memory_space<hbm>>) target(%dma_start3A_28 : memref<128x64xf32, #tpu.memory_space<vmem>>) offsets(%dma_start3A_30 : memref<128xi32, #tpu.memory_space<vmem>>) semaphore(%arg15 : memref<!tpu.dma_semaphore, #tpu.memory_space<semaphore_mem>>)
    %dma_start3A_34 = arith.constant 128 : i32
    %dma_start3A_35 = arith.constant 0 : i32
    %dma_start3A_36 = tpu.memref_slice %arg12[%dma_start3A_34, %dma_start3A_35] : memref<512x64xf32, #tpu.memory_space<vmem>> -> memref<128x64xf32, #tpu.memory_space<vmem>>
    %dma_start3A_37 = arith.constant 128 : i32
    %dma_start3A_38 = tpu.memref_slice %arg9[%dma_start3A_37] : memref<512xi32, #tpu.memory_space<vmem>> -> memref<128xi32, #tpu.memory_space<vmem>>
    %dma_start3A_39 = arith.constant 0 : i32
    %dma_start3A_40 = arith.constant 0 : i32
    %dma_start3A_41 = tpu.memref_slice %arg6[%dma_start3A_39, %dma_start3A_40] : memref<100000x64xf32, #tpu.memory_space<hbm>> -> memref<100000x64xf32, #tpu.memory_space<hbm>>
    tpu.enqueue_indirect_dma source(%dma_start3A_41 : memref<100000x64xf32, #tpu.memory_space<hbm>>) target(%dma_start3A_36 : memref<128x64xf32, #tpu.memory_space<vmem>>) offsets(%dma_start3A_38 : memref<128xi32, #tpu.memory_space<vmem>>) semaphore(%arg15 : memref<!tpu.dma_semaphore, #tpu.memory_space<semaphore_mem>>)
    %dma_start3A_42 = arith.constant 128 : i32
    %dma_start3A_43 = arith.constant 0 : i32
    %dma_start3A_44 = tpu.memref_slice %arg13[%dma_start3A_42, %dma_start3A_43] : memref<512x64xf32, #tpu.memory_space<vmem>> -> memref<128x64xf32, #tpu.memory_space<vmem>>
    %dma_start3A_45 = arith.constant 128 : i32
    %dma_start3A_46 = tpu.memref_slice %arg10[%dma_start3A_45] : memref<512xi32, #tpu.memory_space<vmem>> -> memref<128xi32, #tpu.memory_space<vmem>>
    %dma_start3A_47 = arith.constant 0 : i32
    %dma_start3A_48 = arith.constant 0 : i32
    %dma_start3A_49 = tpu.memref_slice %arg5[%dma_start3A_47, %dma_start3A_48] : memref<100000x64xf32, #tpu.memory_space<hbm>> -> memref<100000x64xf32, #tpu.memory_space<hbm>>
    tpu.enqueue_indirect_dma source(%dma_start3A_49 : memref<100000x64xf32, #tpu.memory_space<hbm>>) target(%dma_start3A_44 : memref<128x64xf32, #tpu.memory_space<vmem>>) offsets(%dma_start3A_46 : memref<128xi32, #tpu.memory_space<vmem>>) semaphore(%arg15 : memref<!tpu.dma_semaphore, #tpu.memory_space<semaphore_mem>>)
    %dma_start3A_50 = arith.constant 256 : i32
    %dma_start3A_51 = arith.constant 0 : i32
    %dma_start3A_52 = tpu.memref_slice %arg11[%dma_start3A_50, %dma_start3A_51] : memref<512x64xf32, #tpu.memory_space<vmem>> -> memref<128x64xf32, #tpu.memory_space<vmem>>
    %dma_start3A_53 = arith.constant 256 : i32
    %dma_start3A_54 = tpu.memref_slice %arg8[%dma_start3A_53] : memref<512xi32, #tpu.memory_space<vmem>> -> memref<128xi32, #tpu.memory_space<vmem>>
    %dma_start3A_55 = arith.constant 0 : i32
    %dma_start3A_56 = arith.constant 0 : i32
    %dma_start3A_57 = tpu.memref_slice %arg5[%dma_start3A_55, %dma_start3A_56] : memref<100000x64xf32, #tpu.memory_space<hbm>> -> memref<100000x64xf32, #tpu.memory_space<hbm>>
    tpu.enqueue_indirect_dma source(%dma_start3A_57 : memref<100000x64xf32, #tpu.memory_space<hbm>>) target(%dma_start3A_52 : memref<128x64xf32, #tpu.memory_space<vmem>>) offsets(%dma_start3A_54 : memref<128xi32, #tpu.memory_space<vmem>>) semaphore(%arg15 : memref<!tpu.dma_semaphore, #tpu.memory_space<semaphore_mem>>)
    %dma_start3A_58 = arith.constant 256 : i32
    %dma_start3A_59 = arith.constant 0 : i32
    %dma_start3A_60 = tpu.memref_slice %arg12[%dma_start3A_58, %dma_start3A_59] : memref<512x64xf32, #tpu.memory_space<vmem>> -> memref<128x64xf32, #tpu.memory_space<vmem>>
    %dma_start3A_61 = arith.constant 256 : i32
    %dma_start3A_62 = tpu.memref_slice %arg9[%dma_start3A_61] : memref<512xi32, #tpu.memory_space<vmem>> -> memref<128xi32, #tpu.memory_space<vmem>>
    %dma_start3A_63 = arith.constant 0 : i32
    %dma_start3A_64 = arith.constant 0 : i32
    %dma_start3A_65 = tpu.memref_slice %arg6[%dma_start3A_63, %dma_start3A_64] : memref<100000x64xf32, #tpu.memory_space<hbm>> -> memref<100000x64xf32, #tpu.memory_space<hbm>>
    tpu.enqueue_indirect_dma source(%dma_start3A_65 : memref<100000x64xf32, #tpu.memory_space<hbm>>) target(%dma_start3A_60 : memref<128x64xf32, #tpu.memory_space<vmem>>) offsets(%dma_start3A_62 : memref<128xi32, #tpu.memory_space<vmem>>) semaphore(%arg15 : memref<!tpu.dma_semaphore, #tpu.memory_space<semaphore_mem>>)
    %dma_start3A_66 = arith.constant 256 : i32
    %dma_start3A_67 = arith.constant 0 : i32
    %dma_start3A_68 = tpu.memref_slice %arg13[%dma_start3A_66, %dma_start3A_67] : memref<512x64xf32, #tpu.memory_space<vmem>> -> memref<128x64xf32, #tpu.memory_space<vmem>>
    %dma_start3A_69 = arith.constant 256 : i32
    %dma_start3A_70 = tpu.memref_slice %arg10[%dma_start3A_69] : memref<512xi32, #tpu.memory_space<vmem>> -> memref<128xi32, #tpu.memory_space<vmem>>
    %dma_start3A_71 = arith.constant 0 : i32
    %dma_start3A_72 = arith.constant 0 : i32
    %dma_start3A_73 = tpu.memref_slice %arg5[%dma_start3A_71, %dma_start3A_72] : memref<100000x64xf32, #tpu.memory_space<hbm>> -> memref<100000x64xf32, #tpu.memory_space<hbm>>
    tpu.enqueue_indirect_dma source(%dma_start3A_73 : memref<100000x64xf32, #tpu.memory_space<hbm>>) target(%dma_start3A_68 : memref<128x64xf32, #tpu.memory_space<vmem>>) offsets(%dma_start3A_70 : memref<128xi32, #tpu.memory_space<vmem>>) semaphore(%arg15 : memref<!tpu.dma_semaphore, #tpu.memory_space<semaphore_mem>>)
    %dma_start3A_74 = arith.constant 384 : i32
    %dma_start3A_75 = arith.constant 0 : i32
    %dma_start3A_76 = tpu.memref_slice %arg11[%dma_start3A_74, %dma_start3A_75] : memref<512x64xf32, #tpu.memory_space<vmem>> -> memref<128x64xf32, #tpu.memory_space<vmem>>
    %dma_start3A_77 = arith.constant 384 : i32
    %dma_start3A_78 = tpu.memref_slice %arg8[%dma_start3A_77] : memref<512xi32, #tpu.memory_space<vmem>> -> memref<128xi32, #tpu.memory_space<vmem>>
    %dma_start3A_79 = arith.constant 0 : i32
    %dma_start3A_80 = arith.constant 0 : i32
    %dma_start3A_81 = tpu.memref_slice %arg5[%dma_start3A_79, %dma_start3A_80] : memref<100000x64xf32, #tpu.memory_space<hbm>> -> memref<100000x64xf32, #tpu.memory_space<hbm>>
    tpu.enqueue_indirect_dma source(%dma_start3A_81 : memref<100000x64xf32, #tpu.memory_space<hbm>>) target(%dma_start3A_76 : memref<128x64xf32, #tpu.memory_space<vmem>>) offsets(%dma_start3A_78 : memref<128xi32, #tpu.memory_space<vmem>>) semaphore(%arg15 : memref<!tpu.dma_semaphore, #tpu.memory_space<semaphore_mem>>)
    %dma_start3A_82 = arith.constant 384 : i32
    %dma_start3A_83 = arith.constant 0 : i32
    %dma_start3A_84 = tpu.memref_slice %arg12[%dma_start3A_82, %dma_start3A_83] : memref<512x64xf32, #tpu.memory_space<vmem>> -> memref<128x64xf32, #tpu.memory_space<vmem>>
    %dma_start3A_85 = arith.constant 384 : i32
    %dma_start3A_86 = tpu.memref_slice %arg9[%dma_start3A_85] : memref<512xi32, #tpu.memory_space<vmem>> -> memref<128xi32, #tpu.memory_space<vmem>>
    %dma_start3A_87 = arith.constant 0 : i32
    %dma_start3A_88 = arith.constant 0 : i32
    %dma_start3A_89 = tpu.memref_slice %arg6[%dma_start3A_87, %dma_start3A_88] : memref<100000x64xf32, #tpu.memory_space<hbm>> -> memref<100000x64xf32, #tpu.memory_space<hbm>>
    tpu.enqueue_indirect_dma source(%dma_start3A_89 : memref<100000x64xf32, #tpu.memory_space<hbm>>) target(%dma_start3A_84 : memref<128x64xf32, #tpu.memory_space<vmem>>) offsets(%dma_start3A_86 : memref<128xi32, #tpu.memory_space<vmem>>) semaphore(%arg15 : memref<!tpu.dma_semaphore, #tpu.memory_space<semaphore_mem>>)
    %dma_start3A_90 = arith.constant 384 : i32
    %dma_start3A_91 = arith.constant 0 : i32
    %dma_start3A_92 = tpu.memref_slice %arg13[%dma_start3A_90, %dma_start3A_91] : memref<512x64xf32, #tpu.memory_space<vmem>> -> memref<128x64xf32, #tpu.memory_space<vmem>>
    %dma_start3A_93 = arith.constant 384 : i32
    %dma_start3A_94 = tpu.memref_slice %arg10[%dma_start3A_93] : memref<512xi32, #tpu.memory_space<vmem>> -> memref<128xi32, #tpu.memory_space<vmem>>
    %dma_start3A_95 = arith.constant 0 : i32
    %dma_start3A_96 = arith.constant 0 : i32
    %dma_start3A_97 = tpu.memref_slice %arg5[%dma_start3A_95, %dma_start3A_96] : memref<100000x64xf32, #tpu.memory_space<hbm>> -> memref<100000x64xf32, #tpu.memory_space<hbm>>
    tpu.enqueue_indirect_dma source(%dma_start3A_97 : memref<100000x64xf32, #tpu.memory_space<hbm>>) target(%dma_start3A_92 : memref<128x64xf32, #tpu.memory_space<vmem>>) offsets(%dma_start3A_94 : memref<128xi32, #tpu.memory_space<vmem>>) semaphore(%arg15 : memref<!tpu.dma_semaphore, #tpu.memory_space<semaphore_mem>>)
    %dma_wait3A = arith.constant 0 : i32
    %dma_wait3A_98 = arith.constant 0 : i32
    %dma_wait3A_99 = tpu.memref_slice %arg11[%dma_wait3A, %dma_wait3A_98] : memref<512x64xf32, #tpu.memory_space<vmem>> -> memref<128x64xf32, #tpu.memory_space<vmem>>
    %dma_wait3A_100 = arith.constant 0 : i32
    %dma_wait3A_101 = tpu.memref_slice %arg8[%dma_wait3A_100] : memref<512xi32, #tpu.memory_space<vmem>> -> memref<128xi32, #tpu.memory_space<vmem>>
    %dma_wait3A_102 = arith.constant 0 : i32
    %dma_wait3A_103 = arith.constant 0 : i32
    %dma_wait3A_104 = tpu.memref_slice %arg5[%dma_wait3A_102, %dma_wait3A_103] : memref<100000x64xf32, #tpu.memory_space<hbm>> -> memref<100000x64xf32, #tpu.memory_space<hbm>>
    tpu.wait_indirect_dma semaphore(%arg15 : memref<!tpu.dma_semaphore, #tpu.memory_space<semaphore_mem>>) src(%dma_wait3A_104 : memref<100000x64xf32, #tpu.memory_space<hbm>>) dst(%dma_wait3A_99 : memref<128x64xf32, #tpu.memory_space<vmem>>)
    %dma_wait3A_105 = arith.constant 0 : i32
    %dma_wait3A_106 = arith.constant 0 : i32
    %dma_wait3A_107 = tpu.memref_slice %arg12[%dma_wait3A_105, %dma_wait3A_106] : memref<512x64xf32, #tpu.memory_space<vmem>> -> memref<128x64xf32, #tpu.memory_space<vmem>>
    %dma_wait3A_108 = arith.constant 0 : i32
    %dma_wait3A_109 = tpu.memref_slice %arg9[%dma_wait3A_108] : memref<512xi32, #tpu.memory_space<vmem>> -> memref<128xi32, #tpu.memory_space<vmem>>
    %dma_wait3A_110 = arith.constant 0 : i32
    %dma_wait3A_111 = arith.constant 0 : i32
    %dma_wait3A_112 = tpu.memref_slice %arg6[%dma_wait3A_110, %dma_wait3A_111] : memref<100000x64xf32, #tpu.memory_space<hbm>> -> memref<100000x64xf32, #tpu.memory_space<hbm>>
    tpu.wait_indirect_dma semaphore(%arg15 : memref<!tpu.dma_semaphore, #tpu.memory_space<semaphore_mem>>) src(%dma_wait3A_112 : memref<100000x64xf32, #tpu.memory_space<hbm>>) dst(%dma_wait3A_107 : memref<128x64xf32, #tpu.memory_space<vmem>>)
    %dma_wait3A_113 = arith.constant 0 : i32
    %dma_wait3A_114 = arith.constant 0 : i32
    %dma_wait3A_115 = tpu.memref_slice %arg13[%dma_wait3A_113, %dma_wait3A_114] : memref<512x64xf32, #tpu.memory_space<vmem>> -> memref<128x64xf32, #tpu.memory_space<vmem>>
    %dma_wait3A_116 = arith.constant 0 : i32
    %dma_wait3A_117 = tpu.memref_slice %arg10[%dma_wait3A_116] : memref<512xi32, #tpu.memory_space<vmem>> -> memref<128xi32, #tpu.memory_space<vmem>>
    %dma_wait3A_118 = arith.constant 0 : i32
    %dma_wait3A_119 = arith.constant 0 : i32
    %dma_wait3A_120 = tpu.memref_slice %arg5[%dma_wait3A_118, %dma_wait3A_119] : memref<100000x64xf32, #tpu.memory_space<hbm>> -> memref<100000x64xf32, #tpu.memory_space<hbm>>
    tpu.wait_indirect_dma semaphore(%arg15 : memref<!tpu.dma_semaphore, #tpu.memory_space<semaphore_mem>>) src(%dma_wait3A_120 : memref<100000x64xf32, #tpu.memory_space<hbm>>) dst(%dma_wait3A_115 : memref<128x64xf32, #tpu.memory_space<vmem>>)
    %dma_wait3A_121 = arith.constant 128 : i32
    %dma_wait3A_122 = arith.constant 0 : i32
    %dma_wait3A_123 = tpu.memref_slice %arg11[%dma_wait3A_121, %dma_wait3A_122] : memref<512x64xf32, #tpu.memory_space<vmem>> -> memref<128x64xf32, #tpu.memory_space<vmem>>
    %dma_wait3A_124 = arith.constant 128 : i32
    %dma_wait3A_125 = tpu.memref_slice %arg8[%dma_wait3A_124] : memref<512xi32, #tpu.memory_space<vmem>> -> memref<128xi32, #tpu.memory_space<vmem>>
    %dma_wait3A_126 = arith.constant 0 : i32
    %dma_wait3A_127 = arith.constant 0 : i32
    %dma_wait3A_128 = tpu.memref_slice %arg5[%dma_wait3A_126, %dma_wait3A_127] : memref<100000x64xf32, #tpu.memory_space<hbm>> -> memref<100000x64xf32, #tpu.memory_space<hbm>>
    tpu.wait_indirect_dma semaphore(%arg15 : memref<!tpu.dma_semaphore, #tpu.memory_space<semaphore_mem>>) src(%dma_wait3A_128 : memref<100000x64xf32, #tpu.memory_space<hbm>>) dst(%dma_wait3A_123 : memref<128x64xf32, #tpu.memory_space<vmem>>)
    %dma_wait3A_129 = arith.constant 128 : i32
    %dma_wait3A_130 = arith.constant 0 : i32
    %dma_wait3A_131 = tpu.memref_slice %arg12[%dma_wait3A_129, %dma_wait3A_130] : memref<512x64xf32, #tpu.memory_space<vmem>> -> memref<128x64xf32, #tpu.memory_space<vmem>>
    %dma_wait3A_132 = arith.constant 128 : i32
    %dma_wait3A_133 = tpu.memref_slice %arg9[%dma_wait3A_132] : memref<512xi32, #tpu.memory_space<vmem>> -> memref<128xi32, #tpu.memory_space<vmem>>
    %dma_wait3A_134 = arith.constant 0 : i32
    %dma_wait3A_135 = arith.constant 0 : i32
    %dma_wait3A_136 = tpu.memref_slice %arg6[%dma_wait3A_134, %dma_wait3A_135] : memref<100000x64xf32, #tpu.memory_space<hbm>> -> memref<100000x64xf32, #tpu.memory_space<hbm>>
    tpu.wait_indirect_dma semaphore(%arg15 : memref<!tpu.dma_semaphore, #tpu.memory_space<semaphore_mem>>) src(%dma_wait3A_136 : memref<100000x64xf32, #tpu.memory_space<hbm>>) dst(%dma_wait3A_131 : memref<128x64xf32, #tpu.memory_space<vmem>>)
    %dma_wait3A_137 = arith.constant 128 : i32
    %dma_wait3A_138 = arith.constant 0 : i32
    %dma_wait3A_139 = tpu.memref_slice %arg13[%dma_wait3A_137, %dma_wait3A_138] : memref<512x64xf32, #tpu.memory_space<vmem>> -> memref<128x64xf32, #tpu.memory_space<vmem>>
    %dma_wait3A_140 = arith.constant 128 : i32
    %dma_wait3A_141 = tpu.memref_slice %arg10[%dma_wait3A_140] : memref<512xi32, #tpu.memory_space<vmem>> -> memref<128xi32, #tpu.memory_space<vmem>>
    %dma_wait3A_142 = arith.constant 0 : i32
    %dma_wait3A_143 = arith.constant 0 : i32
    %dma_wait3A_144 = tpu.memref_slice %arg5[%dma_wait3A_142, %dma_wait3A_143] : memref<100000x64xf32, #tpu.memory_space<hbm>> -> memref<100000x64xf32, #tpu.memory_space<hbm>>
    tpu.wait_indirect_dma semaphore(%arg15 : memref<!tpu.dma_semaphore, #tpu.memory_space<semaphore_mem>>) src(%dma_wait3A_144 : memref<100000x64xf32, #tpu.memory_space<hbm>>) dst(%dma_wait3A_139 : memref<128x64xf32, #tpu.memory_space<vmem>>)
    %dma_wait3A_145 = arith.constant 256 : i32
    %dma_wait3A_146 = arith.constant 0 : i32
    %dma_wait3A_147 = tpu.memref_slice %arg11[%dma_wait3A_145, %dma_wait3A_146] : memref<512x64xf32, #tpu.memory_space<vmem>> -> memref<128x64xf32, #tpu.memory_space<vmem>>
    %dma_wait3A_148 = arith.constant 256 : i32
    %dma_wait3A_149 = tpu.memref_slice %arg8[%dma_wait3A_148] : memref<512xi32, #tpu.memory_space<vmem>> -> memref<128xi32, #tpu.memory_space<vmem>>
    %dma_wait3A_150 = arith.constant 0 : i32
    %dma_wait3A_151 = arith.constant 0 : i32
    %dma_wait3A_152 = tpu.memref_slice %arg5[%dma_wait3A_150, %dma_wait3A_151] : memref<100000x64xf32, #tpu.memory_space<hbm>> -> memref<100000x64xf32, #tpu.memory_space<hbm>>
    tpu.wait_indirect_dma semaphore(%arg15 : memref<!tpu.dma_semaphore, #tpu.memory_space<semaphore_mem>>) src(%dma_wait3A_152 : memref<100000x64xf32, #tpu.memory_space<hbm>>) dst(%dma_wait3A_147 : memref<128x64xf32, #tpu.memory_space<vmem>>)
    %dma_wait3A_153 = arith.constant 256 : i32
    %dma_wait3A_154 = arith.constant 0 : i32
    %dma_wait3A_155 = tpu.memref_slice %arg12[%dma_wait3A_153, %dma_wait3A_154] : memref<512x64xf32, #tpu.memory_space<vmem>> -> memref<128x64xf32, #tpu.memory_space<vmem>>
    %dma_wait3A_156 = arith.constant 256 : i32
    %dma_wait3A_157 = tpu.memref_slice %arg9[%dma_wait3A_156] : memref<512xi32, #tpu.memory_space<vmem>> -> memref<128xi32, #tpu.memory_space<vmem>>
    %dma_wait3A_158 = arith.constant 0 : i32
    %dma_wait3A_159 = arith.constant 0 : i32
    %dma_wait3A_160 = tpu.memref_slice %arg6[%dma_wait3A_158, %dma_wait3A_159] : memref<100000x64xf32, #tpu.memory_space<hbm>> -> memref<100000x64xf32, #tpu.memory_space<hbm>>
    tpu.wait_indirect_dma semaphore(%arg15 : memref<!tpu.dma_semaphore, #tpu.memory_space<semaphore_mem>>) src(%dma_wait3A_160 : memref<100000x64xf32, #tpu.memory_space<hbm>>) dst(%dma_wait3A_155 : memref<128x64xf32, #tpu.memory_space<vmem>>)
    %dma_wait3A_161 = arith.constant 256 : i32
    %dma_wait3A_162 = arith.constant 0 : i32
    %dma_wait3A_163 = tpu.memref_slice %arg13[%dma_wait3A_161, %dma_wait3A_162] : memref<512x64xf32, #tpu.memory_space<vmem>> -> memref<128x64xf32, #tpu.memory_space<vmem>>
    %dma_wait3A_164 = arith.constant 256 : i32
    %dma_wait3A_165 = tpu.memref_slice %arg10[%dma_wait3A_164] : memref<512xi32, #tpu.memory_space<vmem>> -> memref<128xi32, #tpu.memory_space<vmem>>
    %dma_wait3A_166 = arith.constant 0 : i32
    %dma_wait3A_167 = arith.constant 0 : i32
    %dma_wait3A_168 = tpu.memref_slice %arg5[%dma_wait3A_166, %dma_wait3A_167] : memref<100000x64xf32, #tpu.memory_space<hbm>> -> memref<100000x64xf32, #tpu.memory_space<hbm>>
    tpu.wait_indirect_dma semaphore(%arg15 : memref<!tpu.dma_semaphore, #tpu.memory_space<semaphore_mem>>) src(%dma_wait3A_168 : memref<100000x64xf32, #tpu.memory_space<hbm>>) dst(%dma_wait3A_163 : memref<128x64xf32, #tpu.memory_space<vmem>>)
    %dma_wait3A_169 = arith.constant 384 : i32
    %dma_wait3A_170 = arith.constant 0 : i32
    %dma_wait3A_171 = tpu.memref_slice %arg11[%dma_wait3A_169, %dma_wait3A_170] : memref<512x64xf32, #tpu.memory_space<vmem>> -> memref<128x64xf32, #tpu.memory_space<vmem>>
    %dma_wait3A_172 = arith.constant 384 : i32
    %dma_wait3A_173 = tpu.memref_slice %arg8[%dma_wait3A_172] : memref<512xi32, #tpu.memory_space<vmem>> -> memref<128xi32, #tpu.memory_space<vmem>>
    %dma_wait3A_174 = arith.constant 0 : i32
    %dma_wait3A_175 = arith.constant 0 : i32
    %dma_wait3A_176 = tpu.memref_slice %arg5[%dma_wait3A_174, %dma_wait3A_175] : memref<100000x64xf32, #tpu.memory_space<hbm>> -> memref<100000x64xf32, #tpu.memory_space<hbm>>
    tpu.wait_indirect_dma semaphore(%arg15 : memref<!tpu.dma_semaphore, #tpu.memory_space<semaphore_mem>>) src(%dma_wait3A_176 : memref<100000x64xf32, #tpu.memory_space<hbm>>) dst(%dma_wait3A_171 : memref<128x64xf32, #tpu.memory_space<vmem>>)
    %dma_wait3A_177 = arith.constant 384 : i32
    %dma_wait3A_178 = arith.constant 0 : i32
    %dma_wait3A_179 = tpu.memref_slice %arg12[%dma_wait3A_177, %dma_wait3A_178] : memref<512x64xf32, #tpu.memory_space<vmem>> -> memref<128x64xf32, #tpu.memory_space<vmem>>
    %dma_wait3A_180 = arith.constant 384 : i32
    %dma_wait3A_181 = tpu.memref_slice %arg9[%dma_wait3A_180] : memref<512xi32, #tpu.memory_space<vmem>> -> memref<128xi32, #tpu.memory_space<vmem>>
    %dma_wait3A_182 = arith.constant 0 : i32
    %dma_wait3A_183 = arith.constant 0 : i32
    %dma_wait3A_184 = tpu.memref_slice %arg6[%dma_wait3A_182, %dma_wait3A_183] : memref<100000x64xf32, #tpu.memory_space<hbm>> -> memref<100000x64xf32, #tpu.memory_space<hbm>>
    tpu.wait_indirect_dma semaphore(%arg15 : memref<!tpu.dma_semaphore, #tpu.memory_space<semaphore_mem>>) src(%dma_wait3A_184 : memref<100000x64xf32, #tpu.memory_space<hbm>>) dst(%dma_wait3A_179 : memref<128x64xf32, #tpu.memory_space<vmem>>)
    %dma_wait3A_185 = arith.constant 384 : i32
    %dma_wait3A_186 = arith.constant 0 : i32
    %dma_wait3A_187 = tpu.memref_slice %arg13[%dma_wait3A_185, %dma_wait3A_186] : memref<512x64xf32, #tpu.memory_space<vmem>> -> memref<128x64xf32, #tpu.memory_space<vmem>>
    %dma_wait3A_188 = arith.constant 384 : i32
    %dma_wait3A_189 = tpu.memref_slice %arg10[%dma_wait3A_188] : memref<512xi32, #tpu.memory_space<vmem>> -> memref<128xi32, #tpu.memory_space<vmem>>
    %dma_wait3A_190 = arith.constant 0 : i32
    %dma_wait3A_191 = arith.constant 0 : i32
    %dma_wait3A_192 = tpu.memref_slice %arg5[%dma_wait3A_190, %dma_wait3A_191] : memref<100000x64xf32, #tpu.memory_space<hbm>> -> memref<100000x64xf32, #tpu.memory_space<hbm>>
    tpu.wait_indirect_dma semaphore(%arg15 : memref<!tpu.dma_semaphore, #tpu.memory_space<semaphore_mem>>) src(%dma_wait3A_192 : memref<100000x64xf32, #tpu.memory_space<hbm>>) dst(%dma_wait3A_187 : memref<128x64xf32, #tpu.memory_space<vmem>>)
    %iota3A = tpu.iota {dimensions = array<i32: 0>} : vector<16xi32>
    %scan3A = arith.constant 0 : i32
    %scan3A_193 = arith.constant 0 : i32
    %scan3A_194 = arith.constant 32 : i32
    %scan3A_195 = arith.addi %scan3A_193, %scan3A_194 : i32
    %scan3A_196 = arith.constant 1 : i32
    scf.for %scan3A_198 = %scan3A_193 to %scan3A_195 step %scan3A_196  : i32 {
      %broadcast_in_dim3A = arith.constant 0.000000e+00 : f32
      %broadcast_in_dim3A_199 = vector.broadcast %broadcast_in_dim3A : f32 to vector<16xf32>
      %mul3A_200 = arith.constant 16 : i32
      %mul3A_201 = arith.muli %scan3A_198, %mul3A_200 : i32
      %add3A_202 = arith.constant 0 : i32
      %add3A_203 = arith.addi %mul3A_201, %add3A_202 : i32
      %broadcast_in_dim3A_204 = arith.constant 0.000000e+00 : f32
      %broadcast_in_dim3A_205 = vector.broadcast %broadcast_in_dim3A_204 : f32 to vector<16xf32>
      %get3A = arith.index_cast %add3A_203 : i32 to index
      %get3A_206 = arith.constant 0 : index
      %get3A_207 = tpu.vector_load %arg11[%get3A, %get3A_206] {strides = array<i32>} : memref<512x64xf32, #tpu.memory_space<vmem>>, vector<16xf32>,
      %get3A_208 = arith.index_cast %add3A_203 : i32 to index
      %get3A_209 = arith.constant 0 : index
      %get3A_210 = tpu.vector_load %arg12[%get3A_208, %get3A_209] {strides = array<i32>} : memref<512x64xf32, #tpu.memory_space<vmem>>, vector<16xf32>,
      %add3A_211 = arith.addf %get3A_207, %get3A_210 : vector<16xf32>
      %get3A_212 = arith.index_cast %add3A_203 : i32 to index
      %get3A_213 = arith.constant 0 : index
      %get3A_214 = tpu.vector_load %arg13[%get3A_212, %get3A_213] {strides = array<i32>} : memref<512x64xf32, #tpu.memory_space<vmem>>, vector<16xf32>,
      %sub3A = arith.subf %add3A_211, %get3A_214 : vector<16xf32>
      %mul3A_215 = arith.mulf %sub3A, %sub3A : vector<16xf32>
      %add3A_216 = arith.addf %broadcast_in_dim3A_205, %mul3A_215 : vector<16xf32>
      %get3A_217 = arith.index_cast %add3A_203 : i32 to index
      %get3A_218 = arith.constant 16 : index
      %get3A_219 = tpu.vector_load %arg11[%get3A_217, %get3A_218] {strides = array<i32>} : memref<512x64xf32, #tpu.memory_space<vmem>>, vector<16xf32>,
      %get3A_220 = arith.index_cast %add3A_203 : i32 to index
      %get3A_221 = arith.constant 16 : index
      %get3A_222 = tpu.vector_load %arg12[%get3A_220, %get3A_221] {strides = array<i32>} : memref<512x64xf32, #tpu.memory_space<vmem>>, vector<16xf32>,
      %add3A_223 = arith.addf %get3A_219, %get3A_222 : vector<16xf32>
      %get3A_224 = arith.index_cast %add3A_203 : i32 to index
      %get3A_225 = arith.constant 16 : index
      %get3A_226 = tpu.vector_load %arg13[%get3A_224, %get3A_225] {strides = array<i32>} : memref<512x64xf32, #tpu.memory_space<vmem>>, vector<16xf32>,
      %sub3A_227 = arith.subf %add3A_223, %get3A_226 : vector<16xf32>
      %mul3A_228 = arith.mulf %sub3A_227, %sub3A_227 : vector<16xf32>
      %add3A_229 = arith.addf %add3A_216, %mul3A_228 : vector<16xf32>
      %get3A_230 = arith.index_cast %add3A_203 : i32 to index
      %get3A_231 = arith.constant 32 : index
      %get3A_232 = tpu.vector_load %arg11[%get3A_230, %get3A_231] {strides = array<i32>} : memref<512x64xf32, #tpu.memory_space<vmem>>, vector<16xf32>,
      %get3A_233 = arith.index_cast %add3A_203 : i32 to index
      %get3A_234 = arith.constant 32 : index
      %get3A_235 = tpu.vector_load %arg12[%get3A_233, %get3A_234] {strides = array<i32>} : memref<512x64xf32, #tpu.memory_space<vmem>>, vector<16xf32>,
      %add3A_236 = arith.addf %get3A_232, %get3A_235 : vector<16xf32>
      %get3A_237 = arith.index_cast %add3A_203 : i32 to index
      %get3A_238 = arith.constant 32 : index
      %get3A_239 = tpu.vector_load %arg13[%get3A_237, %get3A_238] {strides = array<i32>} : memref<512x64xf32, #tpu.memory_space<vmem>>, vector<16xf32>,
      %sub3A_240 = arith.subf %add3A_236, %get3A_239 : vector<16xf32>
      %mul3A_241 = arith.mulf %sub3A_240, %sub3A_240 : vector<16xf32>
      %add3A_242 = arith.addf %add3A_229, %mul3A_241 : vector<16xf32>
      %get3A_243 = arith.index_cast %add3A_203 : i32 to index
      %get3A_244 = arith.constant 48 : index
      %get3A_245 = tpu.vector_load %arg11[%get3A_243, %get3A_244] {strides = array<i32>} : memref<512x64xf32, #tpu.memory_space<vmem>>, vector<16xf32>,
      %get3A_246 = arith.index_cast %add3A_203 : i32 to index
      %get3A_247 = arith.constant 48 : index
      %get3A_248 = tpu.vector_load %arg12[%get3A_246, %get3A_247] {strides = array<i32>} : memref<512x64xf32, #tpu.memory_space<vmem>>, vector<16xf32>,
      %add3A_249 = arith.addf %get3A_245, %get3A_248 : vector<16xf32>
      %get3A_250 = arith.index_cast %add3A_203 : i32 to index
      %get3A_251 = arith.constant 48 : index
      %get3A_252 = tpu.vector_load %arg13[%get3A_250, %get3A_251] {strides = array<i32>} : memref<512x64xf32, #tpu.memory_space<vmem>>, vector<16xf32>,
      %sub3A_253 = arith.subf %add3A_249, %get3A_252 : vector<16xf32>
      %mul3A_254 = arith.mulf %sub3A_253, %sub3A_253 : vector<16xf32>
      %add3A_255 = arith.addf %add3A_242, %mul3A_254 : vector<16xf32>
      %eq3A = arith.constant 0 : i32
      %eq3A_256 = vector.broadcast %eq3A : i32 to vector<16xi32>
      %eq3A_257 = arith.cmpi eq, %iota3A, %eq3A_256 : vector<16xi32>
      %iota3A_258 = tpu.iota {dimensions = array<i32: 0>} : vector<16xi32>
      %xor3A = arith.constant 8 : i32
      %xor3A_259 = vector.broadcast %xor3A : i32 to vector<16xi32>
      %xor3A_260 = arith.xori %iota3A_258, %xor3A_259 : vector<16xi32>
      %lt3A = arith.constant 0 : i32
      %lt3A_261 = vector.broadcast %lt3A : i32 to vector<16xi32>
      %lt3A_262 = arith.cmpi slt, %xor3A_260, %lt3A_261 : vector<16xi32>
      %add3A_263 = arith.constant 16 : i32
      %add3A_264 = vector.broadcast %add3A_263 : i32 to vector<16xi32>
      %add3A_265 = arith.addi %xor3A_260, %add3A_264 : vector<16xi32>
      %select_n3A = arith.select %lt3A_262, %add3A_265, %xor3A_260 : vector<16xi1>, vector<16xi32>
      %broadcast_in_dim3A_266 = vector.shape_cast %select_n3A : vector<16xi32> to vector<16x1xi32>
      %gather3A = vector.shape_cast %broadcast_in_dim3A_266 : vector<16x1xi32> to vector<16xi32>
      %gather3A_267 = tpu.dynamic_gather %add3A_255[%gather3A] in [0] : vector<16xf32>, vector<16xi32> -> vector<16xf32>
      %add3A_268 = arith.addf %add3A_255, %gather3A_267 : vector<16xf32>
      %iota3A_269 = tpu.iota {dimensions = array<i32: 0>} : vector<16xi32>
      %xor3A_270 = arith.constant 4 : i32
      %xor3A_271 = vector.broadcast %xor3A_270 : i32 to vector<16xi32>
      %xor3A_272 = arith.xori %iota3A_269, %xor3A_271 : vector<16xi32>
      %lt3A_273 = arith.constant 0 : i32
      %lt3A_274 = vector.broadcast %lt3A_273 : i32 to vector<16xi32>
      %lt3A_275 = arith.cmpi slt, %xor3A_272, %lt3A_274 : vector<16xi32>
      %add3A_276 = arith.constant 16 : i32
      %add3A_277 = vector.broadcast %add3A_276 : i32 to vector<16xi32>
      %add3A_278 = arith.addi %xor3A_272, %add3A_277 : vector<16xi32>
      %select_n3A_279 = arith.select %lt3A_275, %add3A_278, %xor3A_272 : vector<16xi1>, vector<16xi32>
      %broadcast_in_dim3A_280 = vector.shape_cast %select_n3A_279 : vector<16xi32> to vector<16x1xi32>
      %gather3A_281 = vector.shape_cast %broadcast_in_dim3A_280 : vector<16x1xi32> to vector<16xi32>
      %gather3A_282 = tpu.dynamic_gather %add3A_268[%gather3A_281] in [0] : vector<16xf32>, vector<16xi32> -> vector<16xf32>
      %add3A_283 = arith.addf %add3A_268, %gather3A_282 : vector<16xf32>
      %iota3A_284 = tpu.iota {dimensions = array<i32: 0>} : vector<16xi32>
      %xor3A_285 = arith.constant 2 : i32
      %xor3A_286 = vector.broadcast %xor3A_285 : i32 to vector<16xi32>
      %xor3A_287 = arith.xori %iota3A_284, %xor3A_286 : vector<16xi32>
      %lt3A_288 = arith.constant 0 : i32
      %lt3A_289 = vector.broadcast %lt3A_288 : i32 to vector<16xi32>
      %lt3A_290 = arith.cmpi slt, %xor3A_287, %lt3A_289 : vector<16xi32>
      %add3A_291 = arith.constant 16 : i32
      %add3A_292 = vector.broadcast %add3A_291 : i32 to vector<16xi32>
      %add3A_293 = arith.addi %xor3A_287, %add3A_292 : vector<16xi32>
      %select_n3A_294 = arith.select %lt3A_290, %add3A_293, %xor3A_287 : vector<16xi1>, vector<16xi32>
      %broadcast_in_dim3A_295 = vector.shape_cast %select_n3A_294 : vector<16xi32> to vector<16x1xi32>
      %gather3A_296 = vector.shape_cast %broadcast_in_dim3A_295 : vector<16x1xi32> to vector<16xi32>
      %gather3A_297 = tpu.dynamic_gather %add3A_283[%gather3A_296] in [0] : vector<16xf32>, vector<16xi32> -> vector<16xf32>
      %add3A_298 = arith.addf %add3A_283, %gather3A_297 : vector<16xf32>
      %iota3A_299 = tpu.iota {dimensions = array<i32: 0>} : vector<16xi32>
      %xor3A_300 = arith.constant 1 : i32
      %xor3A_301 = vector.broadcast %xor3A_300 : i32 to vector<16xi32>
      %xor3A_302 = arith.xori %iota3A_299, %xor3A_301 : vector<16xi32>
      %lt3A_303 = arith.constant 0 : i32
      %lt3A_304 = vector.broadcast %lt3A_303 : i32 to vector<16xi32>
      %lt3A_305 = arith.cmpi slt, %xor3A_302, %lt3A_304 : vector<16xi32>
      %add3A_306 = arith.constant 16 : i32
      %add3A_307 = vector.broadcast %add3A_306 : i32 to vector<16xi32>
      %add3A_308 = arith.addi %xor3A_302, %add3A_307 : vector<16xi32>
      %select_n3A_309 = arith.select %lt3A_305, %add3A_308, %xor3A_302 : vector<16xi1>, vector<16xi32>
      %broadcast_in_dim3A_310 = vector.shape_cast %select_n3A_309 : vector<16xi32> to vector<16x1xi32>
      %gather3A_311 = vector.shape_cast %broadcast_in_dim3A_310 : vector<16x1xi32> to vector<16xi32>
      %gather3A_312 = tpu.dynamic_gather %add3A_298[%gather3A_311] in [0] : vector<16xf32>, vector<16xi32> -> vector<16xf32>
      %add3A_313 = arith.addf %add3A_298, %gather3A_312 : vector<16xf32>
      %select_n3A_314 = arith.select %eq3A_257, %add3A_313, %broadcast_in_dim3A_199 : vector<16xi1>, vector<16xf32>
      %mul3A_315 = arith.constant 16 : i32
      %mul3A_316 = arith.muli %scan3A_198, %mul3A_315 : i32
      %add3A_317 = arith.constant 1 : i32
      %add3A_318 = arith.addi %mul3A_316, %add3A_317 : i32
      %broadcast_in_dim3A_319 = arith.constant 0.000000e+00 : f32
      %broadcast_in_dim3A_320 = vector.broadcast %broadcast_in_dim3A_319 : f32 to vector<16xf32>
      %get3A_321 = arith.index_cast %add3A_318 : i32 to index
      %get3A_322 = arith.constant 0 : index
      %get3A_323 = tpu.vector_load %arg11[%get3A_321, %get3A_322] {strides = array<i32>} : memref<512x64xf32, #tpu.memory_space<vmem>>, vector<16xf32>,
      %get3A_324 = arith.index_cast %add3A_318 : i32 to index
      %get3A_325 = arith.constant 0 : index
      %get3A_326 = tpu.vector_load %arg12[%get3A_324, %get3A_325] {strides = array<i32>} : memref<512x64xf32, #tpu.memory_space<vmem>>, vector<16xf32>,
      %add3A_327 = arith.addf %get3A_323, %get3A_326 : vector<16xf32>
      %get3A_328 = arith.index_cast %add3A_318 : i32 to index
      %get3A_329 = arith.constant 0 : index
      %get3A_330 = tpu.vector_load %arg13[%get3A_328, %get3A_329] {strides = array<i32>} : memref<512x64xf32, #tpu.memory_space<vmem>>, vector<16xf32>,
      %sub3A_331 = arith.subf %add3A_327, %get3A_330 : vector<16xf32>
      %mul3A_332 = arith.mulf %sub3A_331, %sub3A_331 : vector<16xf32>
      %add3A_333 = arith.addf %broadcast_in_dim3A_320, %mul3A_332 : vector<16xf32>
      %get3A_334 = arith.index_cast %add3A_318 : i32 to index
      %get3A_335 = arith.constant 16 : index
      %get3A_336 = tpu.vector_load %arg11[%get3A_334, %get3A_335] {strides = array<i32>} : memref<512x64xf32, #tpu.memory_space<vmem>>, vector<16xf32>,
      %get3A_337 = arith.index_cast %add3A_318 : i32 to index
      %get3A_338 = arith.constant 16 : index
      %get3A_339 = tpu.vector_load %arg12[%get3A_337, %get3A_338] {strides = array<i32>} : memref<512x64xf32, #tpu.memory_space<vmem>>, vector<16xf32>,
      %add3A_340 = arith.addf %get3A_336, %get3A_339 : vector<16xf32>
      %get3A_341 = arith.index_cast %add3A_318 : i32 to index
      %get3A_342 = arith.constant 16 : index
      %get3A_343 = tpu.vector_load %arg13[%get3A_341, %get3A_342] {strides = array<i32>} : memref<512x64xf32, #tpu.memory_space<vmem>>, vector<16xf32>,
      %sub3A_344 = arith.subf %add3A_340, %get3A_343 : vector<16xf32>
      %mul3A_345 = arith.mulf %sub3A_344, %sub3A_344 : vector<16xf32>
      %add3A_346 = arith.addf %add3A_333, %mul3A_345 : vector<16xf32>
      %get3A_347 = arith.index_cast %add3A_318 : i32 to index
      %get3A_348 = arith.constant 32 : index
      %get3A_349 = tpu.vector_load %arg11[%get3A_347, %get3A_348] {strides = array<i32>} : memref<512x64xf32, #tpu.memory_space<vmem>>, vector<16xf32>,
      %get3A_350 = arith.index_cast %add3A_318 : i32 to index
      %get3A_351 = arith.constant 32 : index
      %get3A_352 = tpu.vector_load %arg12[%get3A_350, %get3A_351] {strides = array<i32>} : memref<512x64xf32, #tpu.memory_space<vmem>>, vector<16xf32>,
      %add3A_353 = arith.addf %get3A_349, %get3A_352 : vector<16xf32>
      %get3A_354 = arith.index_cast %add3A_318 : i32 to index
      %get3A_355 = arith.constant 32 : index
      %get3A_356 = tpu.vector_load %arg13[%get3A_354, %get3A_355] {strides = array<i32>} : memref<512x64xf32, #tpu.memory_space<vmem>>, vector<16xf32>,
      %sub3A_357 = arith.subf %add3A_353, %get3A_356 : vector<16xf32>
      %mul3A_358 = arith.mulf %sub3A_357, %sub3A_357 : vector<16xf32>
      %add3A_359 = arith.addf %add3A_346, %mul3A_358 : vector<16xf32>
      %get3A_360 = arith.index_cast %add3A_318 : i32 to index
      %get3A_361 = arith.constant 48 : index
      %get3A_362 = tpu.vector_load %arg11[%get3A_360, %get3A_361] {strides = array<i32>} : memref<512x64xf32, #tpu.memory_space<vmem>>, vector<16xf32>,
      %get3A_363 = arith.index_cast %add3A_318 : i32 to index
      %get3A_364 = arith.constant 48 : index
      %get3A_365 = tpu.vector_load %arg12[%get3A_363, %get3A_364] {strides = array<i32>} : memref<512x64xf32, #tpu.memory_space<vmem>>, vector<16xf32>,
      %add3A_366 = arith.addf %get3A_362, %get3A_365 : vector<16xf32>
      %get3A_367 = arith.index_cast %add3A_318 : i32 to index
      %get3A_368 = arith.constant 48 : index
      %get3A_369 = tpu.vector_load %arg13[%get3A_367, %get3A_368] {strides = array<i32>} : memref<512x64xf32, #tpu.memory_space<vmem>>, vector<16xf32>,
      %sub3A_370 = arith.subf %add3A_366, %get3A_369 : vector<16xf32>
      %mul3A_371 = arith.mulf %sub3A_370, %sub3A_370 : vector<16xf32>
      %add3A_372 = arith.addf %add3A_359, %mul3A_371 : vector<16xf32>
      %eq3A_373 = arith.constant 1 : i32
      %eq3A_374 = vector.broadcast %eq3A_373 : i32 to vector<16xi32>
      %eq3A_375 = arith.cmpi eq, %iota3A, %eq3A_374 : vector<16xi32>
      %iota3A_376 = tpu.iota {dimensions = array<i32: 0>} : vector<16xi32>
      %xor3A_377 = arith.constant 8 : i32
      %xor3A_378 = vector.broadcast %xor3A_377 : i32 to vector<16xi32>
      %xor3A_379 = arith.xori %iota3A_376, %xor3A_378 : vector<16xi32>
      %lt3A_380 = arith.constant 0 : i32
      %lt3A_381 = vector.broadcast %lt3A_380 : i32 to vector<16xi32>
      %lt3A_382 = arith.cmpi slt, %xor3A_379, %lt3A_381 : vector<16xi32>
      %add3A_383 = arith.constant 16 : i32
      %add3A_384 = vector.broadcast %add3A_383 : i32 to vector<16xi32>
      %add3A_385 = arith.addi %xor3A_379, %add3A_384 : vector<16xi32>
      %select_n3A_386 = arith.select %lt3A_382, %add3A_385, %xor3A_379 : vector<16xi1>, vector<16xi32>
      %broadcast_in_dim3A_387 = vector.shape_cast %select_n3A_386 : vector<16xi32> to vector<16x1xi32>
      %gather3A_388 = vector.shape_cast %broadcast_in_dim3A_387 : vector<16x1xi32> to vector<16xi32>
      %gather3A_389 = tpu.dynamic_gather %add3A_372[%gather3A_388] in [0] : vector<16xf32>, vector<16xi32> -> vector<16xf32>
      %add3A_390 = arith.addf %add3A_372, %gather3A_389 : vector<16xf32>
      %iota3A_391 = tpu.iota {dimensions = array<i32: 0>} : vector<16xi32>
      %xor3A_392 = arith.constant 4 : i32
      %xor3A_393 = vector.broadcast %xor3A_392 : i32 to vector<16xi32>
      %xor3A_394 = arith.xori %iota3A_391, %xor3A_393 : vector<16xi32>
      %lt3A_395 = arith.constant 0 : i32
      %lt3A_396 = vector.broadcast %lt3A_395 : i32 to vector<16xi32>
      %lt3A_397 = arith.cmpi slt, %xor3A_394, %lt3A_396 : vector<16xi32>
      %add3A_398 = arith.constant 16 : i32
      %add3A_399 = vector.broadcast %add3A_398 : i32 to vector<16xi32>
      %add3A_400 = arith.addi %xor3A_394, %add3A_399 : vector<16xi32>
      %select_n3A_401 = arith.select %lt3A_397, %add3A_400, %xor3A_394 : vector<16xi1>, vector<16xi32>
      %broadcast_in_dim3A_402 = vector.shape_cast %select_n3A_401 : vector<16xi32> to vector<16x1xi32>
      %gather3A_403 = vector.shape_cast %broadcast_in_dim3A_402 : vector<16x1xi32> to vector<16xi32>
      %gather3A_404 = tpu.dynamic_gather %add3A_390[%gather3A_403] in [0] : vector<16xf32>, vector<16xi32> -> vector<16xf32>
      %add3A_405 = arith.addf %add3A_390, %gather3A_404 : vector<16xf32>
      %iota3A_406 = tpu.iota {dimensions = array<i32: 0>} : vector<16xi32>
      %xor3A_407 = arith.constant 2 : i32
      %xor3A_408 = vector.broadcast %xor3A_407 : i32 to vector<16xi32>
      %xor3A_409 = arith.xori %iota3A_406, %xor3A_408 : vector<16xi32>
      %lt3A_410 = arith.constant 0 : i32
      %lt3A_411 = vector.broadcast %lt3A_410 : i32 to vector<16xi32>
      %lt3A_412 = arith.cmpi slt, %xor3A_409, %lt3A_411 : vector<16xi32>
      %add3A_413 = arith.constant 16 : i32
      %add3A_414 = vector.broadcast %add3A_413 : i32 to vector<16xi32>
      %add3A_415 = arith.addi %xor3A_409, %add3A_414 : vector<16xi32>
      %select_n3A_416 = arith.select %lt3A_412, %add3A_415, %xor3A_409 : vector<16xi1>, vector<16xi32>
      %broadcast_in_dim3A_417 = vector.shape_cast %select_n3A_416 : vector<16xi32> to vector<16x1xi32>
      %gather3A_418 = vector.shape_cast %broadcast_in_dim3A_417 : vector<16x1xi32> to vector<16xi32>
      %gather3A_419 = tpu.dynamic_gather %add3A_405[%gather3A_418] in [0] : vector<16xf32>, vector<16xi32> -> vector<16xf32>
      %add3A_420 = arith.addf %add3A_405, %gather3A_419 : vector<16xf32>
      %iota3A_421 = tpu.iota {dimensions = array<i32: 0>} : vector<16xi32>
      %xor3A_422 = arith.constant 1 : i32
      %xor3A_423 = vector.broadcast %xor3A_422 : i32 to vector<16xi32>
      %xor3A_424 = arith.xori %iota3A_421, %xor3A_423 : vector<16xi32>
      %lt3A_425 = arith.constant 0 : i32
      %lt3A_426 = vector.broadcast %lt3A_425 : i32 to vector<16xi32>
      %lt3A_427 = arith.cmpi slt, %xor3A_424, %lt3A_426 : vector<16xi32>
      %add3A_428 = arith.constant 16 : i32
      %add3A_429 = vector.broadcast %add3A_428 : i32 to vector<16xi32>
      %add3A_430 = arith.addi %xor3A_424, %add3A_429 : vector<16xi32>
      %select_n3A_431 = arith.select %lt3A_427, %add3A_430, %xor3A_424 : vector<16xi1>, vector<16xi32>
      %broadcast_in_dim3A_432 = vector.shape_cast %select_n3A_431 : vector<16xi32> to vector<16x1xi32>
      %gather3A_433 = vector.shape_cast %broadcast_in_dim3A_432 : vector<16x1xi32> to vector<16xi32>
      %gather3A_434 = tpu.dynamic_gather %add3A_420[%gather3A_433] in [0] : vector<16xf32>, vector<16xi32> -> vector<16xf32>
      %add3A_435 = arith.addf %add3A_420, %gather3A_434 : vector<16xf32>
      %select_n3A_436 = arith.select %eq3A_375, %add3A_435, %select_n3A_314 : vector<16xi1>, vector<16xf32>
      %mul3A_437 = arith.constant 16 : i32
      %mul3A_438 = arith.muli %scan3A_198, %mul3A_437 : i32
      %add3A_439 = arith.constant 2 : i32
      %add3A_440 = arith.addi %mul3A_438, %add3A_439 : i32
      %broadcast_in_dim3A_441 = arith.constant 0.000000e+00 : f32
      %broadcast_in_dim3A_442 = vector.broadcast %broadcast_in_dim3A_441 : f32 to vector<16xf32>
      %get3A_443 = arith.index_cast %add3A_440 : i32 to index
      %get3A_444 = arith.constant 0 : index
      %get3A_445 = tpu.vector_load %arg11[%get3A_443, %get3A_444] {strides = array<i32>} : memref<512x64xf32, #tpu.memory_space<vmem>>, vector<16xf32>,
      %get3A_446 = arith.index_cast %add3A_440 : i32 to index
      %get3A_447 = arith.constant 0 : index
      %get3A_448 = tpu.vector_load %arg12[%get3A_446, %get3A_447] {strides = array<i32>} : memref<512x64xf32, #tpu.memory_space<vmem>>, vector<16xf32>,
      %add3A_449 = arith.addf %get3A_445, %get3A_448 : vector<16xf32>
      %get3A_450 = arith.index_cast %add3A_440 : i32 to index
      %get3A_451 = arith.constant 0 : index
      %get3A_452 = tpu.vector_load %arg13[%get3A_450, %get3A_451] {strides = array<i32>} : memref<512x64xf32, #tpu.memory_space<vmem>>, vector<16xf32>,
      %sub3A_453 = arith.subf %add3A_449, %get3A_452 : vector<16xf32>
      %mul3A_454 = arith.mulf %sub3A_453, %sub3A_453 : vector<16xf32>
      %add3A_455 = arith.addf %broadcast_in_dim3A_442, %mul3A_454 : vector<16xf32>
      %get3A_456 = arith.index_cast %add3A_440 : i32 to index
      %get3A_457 = arith.constant 16 : index
      %get3A_458 = tpu.vector_load %arg11[%get3A_456, %get3A_457] {strides = array<i32>} : memref<512x64xf32, #tpu.memory_space<vmem>>, vector<16xf32>,
      %get3A_459 = arith.index_cast %add3A_440 : i32 to index
      %get3A_460 = arith.constant 16 : index
      %get3A_461 = tpu.vector_load %arg12[%get3A_459, %get3A_460] {strides = array<i32>} : memref<512x64xf32, #tpu.memory_space<vmem>>, vector<16xf32>,
      %add3A_462 = arith.addf %get3A_458, %get3A_461 : vector<16xf32>
      %get3A_463 = arith.index_cast %add3A_440 : i32 to index
      %get3A_464 = arith.constant 16 : index
      %get3A_465 = tpu.vector_load %arg13[%get3A_463, %get3A_464] {strides = array<i32>} : memref<512x64xf32, #tpu.memory_space<vmem>>, vector<16xf32>,
      %sub3A_466 = arith.subf %add3A_462, %get3A_465 : vector<16xf32>
      %mul3A_467 = arith.mulf %sub3A_466, %sub3A_466 : vector<16xf32>
      %add3A_468 = arith.addf %add3A_455, %mul3A_467 : vector<16xf32>
      %get3A_469 = arith.index_cast %add3A_440 : i32 to index
      %get3A_470 = arith.constant 32 : index
      %get3A_471 = tpu.vector_load %arg11[%get3A_469, %get3A_470] {strides = array<i32>} : memref<512x64xf32, #tpu.memory_space<vmem>>, vector<16xf32>,
      %get3A_472 = arith.index_cast %add3A_440 : i32 to index
      %get3A_473 = arith.constant 32 : index
      %get3A_474 = tpu.vector_load %arg12[%get3A_472, %get3A_473] {strides = array<i32>} : memref<512x64xf32, #tpu.memory_space<vmem>>, vector<16xf32>,
      %add3A_475 = arith.addf %get3A_471, %get3A_474 : vector<16xf32>
      %get3A_476 = arith.index_cast %add3A_440 : i32 to index
      %get3A_477 = arith.constant 32 : index
      %get3A_478 = tpu.vector_load %arg13[%get3A_476, %get3A_477] {strides = array<i32>} : memref<512x64xf32, #tpu.memory_space<vmem>>, vector<16xf32>,
      %sub3A_479 = arith.subf %add3A_475, %get3A_478 : vector<16xf32>
      %mul3A_480 = arith.mulf %sub3A_479, %sub3A_479 : vector<16xf32>
      %add3A_481 = arith.addf %add3A_468, %mul3A_480 : vector<16xf32>
      %get3A_482 = arith.index_cast %add3A_440 : i32 to index
      %get3A_483 = arith.constant 48 : index
      %get3A_484 = tpu.vector_load %arg11[%get3A_482, %get3A_483] {strides = array<i32>} : memref<512x64xf32, #tpu.memory_space<vmem>>, vector<16xf32>,
      %get3A_485 = arith.index_cast %add3A_440 : i32 to index
      %get3A_486 = arith.constant 48 : index
      %get3A_487 = tpu.vector_load %arg12[%get3A_485, %get3A_486] {strides = array<i32>} : memref<512x64xf32, #tpu.memory_space<vmem>>, vector<16xf32>,
      %add3A_488 = arith.addf %get3A_484, %get3A_487 : vector<16xf32>
      %get3A_489 = arith.index_cast %add3A_440 : i32 to index
      %get3A_490 = arith.constant 48 : index
      %get3A_491 = tpu.vector_load %arg13[%get3A_489, %get3A_490] {strides = array<i32>} : memref<512x64xf32, #tpu.memory_space<vmem>>, vector<16xf32>,
      %sub3A_492 = arith.subf %add3A_488, %get3A_491 : vector<16xf32>
      %mul3A_493 = arith.mulf %sub3A_492, %sub3A_492 : vector<16xf32>
      %add3A_494 = arith.addf %add3A_481, %mul3A_493 : vector<16xf32>
      %eq3A_495 = arith.constant 2 : i32
      %eq3A_496 = vector.broadcast %eq3A_495 : i32 to vector<16xi32>
      %eq3A_497 = arith.cmpi eq, %iota3A, %eq3A_496 : vector<16xi32>
      %iota3A_498 = tpu.iota {dimensions = array<i32: 0>} : vector<16xi32>
      %xor3A_499 = arith.constant 8 : i32
      %xor3A_500 = vector.broadcast %xor3A_499 : i32 to vector<16xi32>
      %xor3A_501 = arith.xori %iota3A_498, %xor3A_500 : vector<16xi32>
      %lt3A_502 = arith.constant 0 : i32
      %lt3A_503 = vector.broadcast %lt3A_502 : i32 to vector<16xi32>
      %lt3A_504 = arith.cmpi slt, %xor3A_501, %lt3A_503 : vector<16xi32>
      %add3A_505 = arith.constant 16 : i32
      %add3A_506 = vector.broadcast %add3A_505 : i32 to vector<16xi32>
      %add3A_507 = arith.addi %xor3A_501, %add3A_506 : vector<16xi32>
      %select_n3A_508 = arith.select %lt3A_504, %add3A_507, %xor3A_501 : vector<16xi1>, vector<16xi32>
      %broadcast_in_dim3A_509 = vector.shape_cast %select_n3A_508 : vector<16xi32> to vector<16x1xi32>
      %gather3A_510 = vector.shape_cast %broadcast_in_dim3A_509 : vector<16x1xi32> to vector<16xi32>
      %gather3A_511 = tpu.dynamic_gather %add3A_494[%gather3A_510] in [0] : vector<16xf32>, vector<16xi32> -> vector<16xf32>
      %add3A_512 = arith.addf %add3A_494, %gather3A_511 : vector<16xf32>
      %iota3A_513 = tpu.iota {dimensions = array<i32: 0>} : vector<16xi32>
      %xor3A_514 = arith.constant 4 : i32
      %xor3A_515 = vector.broadcast %xor3A_514 : i32 to vector<16xi32>
      %xor3A_516 = arith.xori %iota3A_513, %xor3A_515 : vector<16xi32>
      %lt3A_517 = arith.constant 0 : i32
      %lt3A_518 = vector.broadcast %lt3A_517 : i32 to vector<16xi32>
      %lt3A_519 = arith.cmpi slt, %xor3A_516, %lt3A_518 : vector<16xi32>
      %add3A_520 = arith.constant 16 : i32
      %add3A_521 = vector.broadcast %add3A_520 : i32 to vector<16xi32>
      %add3A_522 = arith.addi %xor3A_516, %add3A_521 : vector<16xi32>
      %select_n3A_523 = arith.select %lt3A_519, %add3A_522, %xor3A_516 : vector<16xi1>, vector<16xi32>
      %broadcast_in_dim3A_524 = vector.shape_cast %select_n3A_523 : vector<16xi32> to vector<16x1xi32>
      %gather3A_525 = vector.shape_cast %broadcast_in_dim3A_524 : vector<16x1xi32> to vector<16xi32>
      %gather3A_526 = tpu.dynamic_gather %add3A_512[%gather3A_525] in [0] : vector<16xf32>, vector<16xi32> -> vector<16xf32>
      %add3A_527 = arith.addf %add3A_512, %gather3A_526 : vector<16xf32>
      %iota3A_528 = tpu.iota {dimensions = array<i32: 0>} : vector<16xi32>
      %xor3A_529 = arith.constant 2 : i32
      %xor3A_530 = vector.broadcast %xor3A_529 : i32 to vector<16xi32>
      %xor3A_531 = arith.xori %iota3A_528, %xor3A_530 : vector<16xi32>
      %lt3A_532 = arith.constant 0 : i32
      %lt3A_533 = vector.broadcast %lt3A_532 : i32 to vector<16xi32>
      %lt3A_534 = arith.cmpi slt, %xor3A_531, %lt3A_533 : vector<16xi32>
      %add3A_535 = arith.constant 16 : i32
      %add3A_536 = vector.broadcast %add3A_535 : i32 to vector<16xi32>
      %add3A_537 = arith.addi %xor3A_531, %add3A_536 : vector<16xi32>
      %select_n3A_538 = arith.select %lt3A_534, %add3A_537, %xor3A_531 : vector<16xi1>, vector<16xi32>
      %broadcast_in_dim3A_539 = vector.shape_cast %select_n3A_538 : vector<16xi32> to vector<16x1xi32>
      %gather3A_540 = vector.shape_cast %broadcast_in_dim3A_539 : vector<16x1xi32> to vector<16xi32>
      %gather3A_541 = tpu.dynamic_gather %add3A_527[%gather3A_540] in [0] : vector<16xf32>, vector<16xi32> -> vector<16xf32>
      %add3A_542 = arith.addf %add3A_527, %gather3A_541 : vector<16xf32>
      %iota3A_543 = tpu.iota {dimensions = array<i32: 0>} : vector<16xi32>
      %xor3A_544 = arith.constant 1 : i32
      %xor3A_545 = vector.broadcast %xor3A_544 : i32 to vector<16xi32>
      %xor3A_546 = arith.xori %iota3A_543, %xor3A_545 : vector<16xi32>
      %lt3A_547 = arith.constant 0 : i32
      %lt3A_548 = vector.broadcast %lt3A_547 : i32 to vector<16xi32>
      %lt3A_549 = arith.cmpi slt, %xor3A_546, %lt3A_548 : vector<16xi32>
      %add3A_550 = arith.constant 16 : i32
      %add3A_551 = vector.broadcast %add3A_550 : i32 to vector<16xi32>
      %add3A_552 = arith.addi %xor3A_546, %add3A_551 : vector<16xi32>
      %select_n3A_553 = arith.select %lt3A_549, %add3A_552, %xor3A_546 : vector<16xi1>, vector<16xi32>
      %broadcast_in_dim3A_554 = vector.shape_cast %select_n3A_553 : vector<16xi32> to vector<16x1xi32>
      %gather3A_555 = vector.shape_cast %broadcast_in_dim3A_554 : vector<16x1xi32> to vector<16xi32>
      %gather3A_556 = tpu.dynamic_gather %add3A_542[%gather3A_555] in [0] : vector<16xf32>, vector<16xi32> -> vector<16xf32>
      %add3A_557 = arith.addf %add3A_542, %gather3A_556 : vector<16xf32>
      %select_n3A_558 = arith.select %eq3A_497, %add3A_557, %select_n3A_436 : vector<16xi1>, vector<16xf32>
      %mul3A_559 = arith.constant 16 : i32
      %mul3A_560 = arith.muli %scan3A_198, %mul3A_559 : i32
      %add3A_561 = arith.constant 3 : i32
      %add3A_562 = arith.addi %mul3A_560, %add3A_561 : i32
      %broadcast_in_dim3A_563 = arith.constant 0.000000e+00 : f32
      %broadcast_in_dim3A_564 = vector.broadcast %broadcast_in_dim3A_563 : f32 to vector<16xf32>
      %get3A_565 = arith.index_cast %add3A_562 : i32 to index
      %get3A_566 = arith.constant 0 : index
      %get3A_567 = tpu.vector_load %arg11[%get3A_565, %get3A_566] {strides = array<i32>} : memref<512x64xf32, #tpu.memory_space<vmem>>, vector<16xf32>,
      %get3A_568 = arith.index_cast %add3A_562 : i32 to index
      %get3A_569 = arith.constant 0 : index
      %get3A_570 = tpu.vector_load %arg12[%get3A_568, %get3A_569] {strides = array<i32>} : memref<512x64xf32, #tpu.memory_space<vmem>>, vector<16xf32>,
      %add3A_571 = arith.addf %get3A_567, %get3A_570 : vector<16xf32>
      %get3A_572 = arith.index_cast %add3A_562 : i32 to index
      %get3A_573 = arith.constant 0 : index
      %get3A_574 = tpu.vector_load %arg13[%get3A_572, %get3A_573] {strides = array<i32>} : memref<512x64xf32, #tpu.memory_space<vmem>>, vector<16xf32>,
      %sub3A_575 = arith.subf %add3A_571, %get3A_574 : vector<16xf32>
      %mul3A_576 = arith.mulf %sub3A_575, %sub3A_575 : vector<16xf32>
      %add3A_577 = arith.addf %broadcast_in_dim3A_564, %mul3A_576 : vector<16xf32>
      %get3A_578 = arith.index_cast %add3A_562 : i32 to index
      %get3A_579 = arith.constant 16 : index
      %get3A_580 = tpu.vector_load %arg11[%get3A_578, %get3A_579] {strides = array<i32>} : memref<512x64xf32, #tpu.memory_space<vmem>>, vector<16xf32>,
      %get3A_581 = arith.index_cast %add3A_562 : i32 to index
      %get3A_582 = arith.constant 16 : index
      %get3A_583 = tpu.vector_load %arg12[%get3A_581, %get3A_582] {strides = array<i32>} : memref<512x64xf32, #tpu.memory_space<vmem>>, vector<16xf32>,
      %add3A_584 = arith.addf %get3A_580, %get3A_583 : vector<16xf32>
      %get3A_585 = arith.index_cast %add3A_562 : i32 to index
      %get3A_586 = arith.constant 16 : index
      %get3A_587 = tpu.vector_load %arg13[%get3A_585, %get3A_586] {strides = array<i32>} : memref<512x64xf32, #tpu.memory_space<vmem>>, vector<16xf32>,
      %sub3A_588 = arith.subf %add3A_584, %get3A_587 : vector<16xf32>
      %mul3A_589 = arith.mulf %sub3A_588, %sub3A_588 : vector<16xf32>
      %add3A_590 = arith.addf %add3A_577, %mul3A_589 : vector<16xf32>
      %get3A_591 = arith.index_cast %add3A_562 : i32 to index
      %get3A_592 = arith.constant 32 : index
      %get3A_593 = tpu.vector_load %arg11[%get3A_591, %get3A_592] {strides = array<i32>} : memref<512x64xf32, #tpu.memory_space<vmem>>, vector<16xf32>,
      %get3A_594 = arith.index_cast %add3A_562 : i32 to index
      %get3A_595 = arith.constant 32 : index
      %get3A_596 = tpu.vector_load %arg12[%get3A_594, %get3A_595] {strides = array<i32>} : memref<512x64xf32, #tpu.memory_space<vmem>>, vector<16xf32>,
      %add3A_597 = arith.addf %get3A_593, %get3A_596 : vector<16xf32>
      %get3A_598 = arith.index_cast %add3A_562 : i32 to index
      %get3A_599 = arith.constant 32 : index
      %get3A_600 = tpu.vector_load %arg13[%get3A_598, %get3A_599] {strides = array<i32>} : memref<512x64xf32, #tpu.memory_space<vmem>>, vector<16xf32>,
      %sub3A_601 = arith.subf %add3A_597, %get3A_600 : vector<16xf32>
      %mul3A_602 = arith.mulf %sub3A_601, %sub3A_601 : vector<16xf32>
      %add3A_603 = arith.addf %add3A_590, %mul3A_602 : vector<16xf32>
      %get3A_604 = arith.index_cast %add3A_562 : i32 to index
      %get3A_605 = arith.constant 48 : index
      %get3A_606 = tpu.vector_load %arg11[%get3A_604, %get3A_605] {strides = array<i32>} : memref<512x64xf32, #tpu.memory_space<vmem>>, vector<16xf32>,
      %get3A_607 = arith.index_cast %add3A_562 : i32 to index
      %get3A_608 = arith.constant 48 : index
      %get3A_609 = tpu.vector_load %arg12[%get3A_607, %get3A_608] {strides = array<i32>} : memref<512x64xf32, #tpu.memory_space<vmem>>, vector<16xf32>,
      %add3A_610 = arith.addf %get3A_606, %get3A_609 : vector<16xf32>
      %get3A_611 = arith.index_cast %add3A_562 : i32 to index
      %get3A_612 = arith.constant 48 : index
      %get3A_613 = tpu.vector_load %arg13[%get3A_611, %get3A_612] {strides = array<i32>} : memref<512x64xf32, #tpu.memory_space<vmem>>, vector<16xf32>,
      %sub3A_614 = arith.subf %add3A_610, %get3A_613 : vector<16xf32>
      %mul3A_615 = arith.mulf %sub3A_614, %sub3A_614 : vector<16xf32>
      %add3A_616 = arith.addf %add3A_603, %mul3A_615 : vector<16xf32>
      %eq3A_617 = arith.constant 3 : i32
      %eq3A_618 = vector.broadcast %eq3A_617 : i32 to vector<16xi32>
      %eq3A_619 = arith.cmpi eq, %iota3A, %eq3A_618 : vector<16xi32>
      %iota3A_620 = tpu.iota {dimensions = array<i32: 0>} : vector<16xi32>
      %xor3A_621 = arith.constant 8 : i32
      %xor3A_622 = vector.broadcast %xor3A_621 : i32 to vector<16xi32>
      %xor3A_623 = arith.xori %iota3A_620, %xor3A_622 : vector<16xi32>
      %lt3A_624 = arith.constant 0 : i32
      %lt3A_625 = vector.broadcast %lt3A_624 : i32 to vector<16xi32>
      %lt3A_626 = arith.cmpi slt, %xor3A_623, %lt3A_625 : vector<16xi32>
      %add3A_627 = arith.constant 16 : i32
      %add3A_628 = vector.broadcast %add3A_627 : i32 to vector<16xi32>
      %add3A_629 = arith.addi %xor3A_623, %add3A_628 : vector<16xi32>
      %select_n3A_630 = arith.select %lt3A_626, %add3A_629, %xor3A_623 : vector<16xi1>, vector<16xi32>
      %broadcast_in_dim3A_631 = vector.shape_cast %select_n3A_630 : vector<16xi32> to vector<16x1xi32>
      %gather3A_632 = vector.shape_cast %broadcast_in_dim3A_631 : vector<16x1xi32> to vector<16xi32>
      %gather3A_633 = tpu.dynamic_gather %add3A_616[%gather3A_632] in [0] : vector<16xf32>, vector<16xi32> -> vector<16xf32>
      %add3A_634 = arith.addf %add3A_616, %gather3A_633 : vector<16xf32>
      %iota3A_635 = tpu.iota {dimensions = array<i32: 0>} : vector<16xi32>
      %xor3A_636 = arith.constant 4 : i32
      %xor3A_637 = vector.broadcast %xor3A_636 : i32 to vector<16xi32>
      %xor3A_638 = arith.xori %iota3A_635, %xor3A_637 : vector<16xi32>
      %lt3A_639 = arith.constant 0 : i32
      %lt3A_640 = vector.broadcast %lt3A_639 : i32 to vector<16xi32>
      %lt3A_641 = arith.cmpi slt, %xor3A_638, %lt3A_640 : vector<16xi32>
      %add3A_642 = arith.constant 16 : i32
      %add3A_643 = vector.broadcast %add3A_642 : i32 to vector<16xi32>
      %add3A_644 = arith.addi %xor3A_638, %add3A_643 : vector<16xi32>
      %select_n3A_645 = arith.select %lt3A_641, %add3A_644, %xor3A_638 : vector<16xi1>, vector<16xi32>
      %broadcast_in_dim3A_646 = vector.shape_cast %select_n3A_645 : vector<16xi32> to vector<16x1xi32>
      %gather3A_647 = vector.shape_cast %broadcast_in_dim3A_646 : vector<16x1xi32> to vector<16xi32>
      %gather3A_648 = tpu.dynamic_gather %add3A_634[%gather3A_647] in [0] : vector<16xf32>, vector<16xi32> -> vector<16xf32>
      %add3A_649 = arith.addf %add3A_634, %gather3A_648 : vector<16xf32>
      %iota3A_650 = tpu.iota {dimensions = array<i32: 0>} : vector<16xi32>
      %xor3A_651 = arith.constant 2 : i32
      %xor3A_652 = vector.broadcast %xor3A_651 : i32 to vector<16xi32>
      %xor3A_653 = arith.xori %iota3A_650, %xor3A_652 : vector<16xi32>
      %lt3A_654 = arith.constant 0 : i32
      %lt3A_655 = vector.broadcast %lt3A_654 : i32 to vector<16xi32>
      %lt3A_656 = arith.cmpi slt, %xor3A_653, %lt3A_655 : vector<16xi32>
      %add3A_657 = arith.constant 16 : i32
      %add3A_658 = vector.broadcast %add3A_657 : i32 to vector<16xi32>
      %add3A_659 = arith.addi %xor3A_653, %add3A_658 : vector<16xi32>
      %select_n3A_660 = arith.select %lt3A_656, %add3A_659, %xor3A_653 : vector<16xi1>, vector<16xi32>
      %broadcast_in_dim3A_661 = vector.shape_cast %select_n3A_660 : vector<16xi32> to vector<16x1xi32>
      %gather3A_662 = vector.shape_cast %broadcast_in_dim3A_661 : vector<16x1xi32> to vector<16xi32>
      %gather3A_663 = tpu.dynamic_gather %add3A_649[%gather3A_662] in [0] : vector<16xf32>, vector<16xi32> -> vector<16xf32>
      %add3A_664 = arith.addf %add3A_649, %gather3A_663 : vector<16xf32>
      %iota3A_665 = tpu.iota {dimensions = array<i32: 0>} : vector<16xi32>
      %xor3A_666 = arith.constant 1 : i32
      %xor3A_667 = vector.broadcast %xor3A_666 : i32 to vector<16xi32>
      %xor3A_668 = arith.xori %iota3A_665, %xor3A_667 : vector<16xi32>
      %lt3A_669 = arith.constant 0 : i32
      %lt3A_670 = vector.broadcast %lt3A_669 : i32 to vector<16xi32>
      %lt3A_671 = arith.cmpi slt, %xor3A_668, %lt3A_670 : vector<16xi32>
      %add3A_672 = arith.constant 16 : i32
      %add3A_673 = vector.broadcast %add3A_672 : i32 to vector<16xi32>
      %add3A_674 = arith.addi %xor3A_668, %add3A_673 : vector<16xi32>
      %select_n3A_675 = arith.select %lt3A_671, %add3A_674, %xor3A_668 : vector<16xi1>, vector<16xi32>
      %broadcast_in_dim3A_676 = vector.shape_cast %select_n3A_675 : vector<16xi32> to vector<16x1xi32>
      %gather3A_677 = vector.shape_cast %broadcast_in_dim3A_676 : vector<16x1xi32> to vector<16xi32>
      %gather3A_678 = tpu.dynamic_gather %add3A_664[%gather3A_677] in [0] : vector<16xf32>, vector<16xi32> -> vector<16xf32>
      %add3A_679 = arith.addf %add3A_664, %gather3A_678 : vector<16xf32>
      %select_n3A_680 = arith.select %eq3A_619, %add3A_679, %select_n3A_558 : vector<16xi1>, vector<16xf32>
      %mul3A_681 = arith.constant 16 : i32
      %mul3A_682 = arith.muli %scan3A_198, %mul3A_681 : i32
      %add3A_683 = arith.constant 4 : i32
      %add3A_684 = arith.addi %mul3A_682, %add3A_683 : i32
      %broadcast_in_dim3A_685 = arith.constant 0.000000e+00 : f32
      %broadcast_in_dim3A_686 = vector.broadcast %broadcast_in_dim3A_685 : f32 to vector<16xf32>
      %get3A_687 = arith.index_cast %add3A_684 : i32 to index
      %get3A_688 = arith.constant 0 : index
      %get3A_689 = tpu.vector_load %arg11[%get3A_687, %get3A_688] {strides = array<i32>} : memref<512x64xf32, #tpu.memory_space<vmem>>, vector<16xf32>,
      %get3A_690 = arith.index_cast %add3A_684 : i32 to index
      %get3A_691 = arith.constant 0 : index
      %get3A_692 = tpu.vector_load %arg12[%get3A_690, %get3A_691] {strides = array<i32>} : memref<512x64xf32, #tpu.memory_space<vmem>>, vector<16xf32>,
      %add3A_693 = arith.addf %get3A_689, %get3A_692 : vector<16xf32>
      %get3A_694 = arith.index_cast %add3A_684 : i32 to index
      %get3A_695 = arith.constant 0 : index
      %get3A_696 = tpu.vector_load %arg13[%get3A_694, %get3A_695] {strides = array<i32>} : memref<512x64xf32, #tpu.memory_space<vmem>>, vector<16xf32>,
      %sub3A_697 = arith.subf %add3A_693, %get3A_696 : vector<16xf32>
      %mul3A_698 = arith.mulf %sub3A_697, %sub3A_697 : vector<16xf32>
      %add3A_699 = arith.addf %broadcast_in_dim3A_686, %mul3A_698 : vector<16xf32>
      %get3A_700 = arith.index_cast %add3A_684 : i32 to index
      %get3A_701 = arith.constant 16 : index
      %get3A_702 = tpu.vector_load %arg11[%get3A_700, %get3A_701] {strides = array<i32>} : memref<512x64xf32, #tpu.memory_space<vmem>>, vector<16xf32>,
      %get3A_703 = arith.index_cast %add3A_684 : i32 to index
      %get3A_704 = arith.constant 16 : index
      %get3A_705 = tpu.vector_load %arg12[%get3A_703, %get3A_704] {strides = array<i32>} : memref<512x64xf32, #tpu.memory_space<vmem>>, vector<16xf32>,
      %add3A_706 = arith.addf %get3A_702, %get3A_705 : vector<16xf32>
      %get3A_707 = arith.index_cast %add3A_684 : i32 to index
      %get3A_708 = arith.constant 16 : index
      %get3A_709 = tpu.vector_load %arg13[%get3A_707, %get3A_708] {strides = array<i32>} : memref<512x64xf32, #tpu.memory_space<vmem>>, vector<16xf32>,
      %sub3A_710 = arith.subf %add3A_706, %get3A_709 : vector<16xf32>
      %mul3A_711 = arith.mulf %sub3A_710, %sub3A_710 : vector<16xf32>
      %add3A_712 = arith.addf %add3A_699, %mul3A_711 : vector<16xf32>
      %get3A_713 = arith.index_cast %add3A_684 : i32 to index
      %get3A_714 = arith.constant 32 : index
      %get3A_715 = tpu.vector_load %arg11[%get3A_713, %get3A_714] {strides = array<i32>} : memref<512x64xf32, #tpu.memory_space<vmem>>, vector<16xf32>,
      %get3A_716 = arith.index_cast %add3A_684 : i32 to index
      %get3A_717 = arith.constant 32 : index
      %get3A_718 = tpu.vector_load %arg12[%get3A_716, %get3A_717] {strides = array<i32>} : memref<512x64xf32, #tpu.memory_space<vmem>>, vector<16xf32>,
      %add3A_719 = arith.addf %get3A_715, %get3A_718 : vector<16xf32>
      %get3A_720 = arith.index_cast %add3A_684 : i32 to index
      %get3A_721 = arith.constant 32 : index
      %get3A_722 = tpu.vector_load %arg13[%get3A_720, %get3A_721] {strides = array<i32>} : memref<512x64xf32, #tpu.memory_space<vmem>>, vector<16xf32>,
      %sub3A_723 = arith.subf %add3A_719, %get3A_722 : vector<16xf32>
      %mul3A_724 = arith.mulf %sub3A_723, %sub3A_723 : vector<16xf32>
      %add3A_725 = arith.addf %add3A_712, %mul3A_724 : vector<16xf32>
      %get3A_726 = arith.index_cast %add3A_684 : i32 to index
      %get3A_727 = arith.constant 48 : index
      %get3A_728 = tpu.vector_load %arg11[%get3A_726, %get3A_727] {strides = array<i32>} : memref<512x64xf32, #tpu.memory_space<vmem>>, vector<16xf32>,
      %get3A_729 = arith.index_cast %add3A_684 : i32 to index
      %get3A_730 = arith.constant 48 : index
      %get3A_731 = tpu.vector_load %arg12[%get3A_729, %get3A_730] {strides = array<i32>} : memref<512x64xf32, #tpu.memory_space<vmem>>, vector<16xf32>,
      %add3A_732 = arith.addf %get3A_728, %get3A_731 : vector<16xf32>
      %get3A_733 = arith.index_cast %add3A_684 : i32 to index
      %get3A_734 = arith.constant 48 : index
      %get3A_735 = tpu.vector_load %arg13[%get3A_733, %get3A_734] {strides = array<i32>} : memref<512x64xf32, #tpu.memory_space<vmem>>, vector<16xf32>,
      %sub3A_736 = arith.subf %add3A_732, %get3A_735 : vector<16xf32>
      %mul3A_737 = arith.mulf %sub3A_736, %sub3A_736 : vector<16xf32>
      %add3A_738 = arith.addf %add3A_725, %mul3A_737 : vector<16xf32>
      %eq3A_739 = arith.constant 4 : i32
      %eq3A_740 = vector.broadcast %eq3A_739 : i32 to vector<16xi32>
      %eq3A_741 = arith.cmpi eq, %iota3A, %eq3A_740 : vector<16xi32>
      %iota3A_742 = tpu.iota {dimensions = array<i32: 0>} : vector<16xi32>
      %xor3A_743 = arith.constant 8 : i32
      %xor3A_744 = vector.broadcast %xor3A_743 : i32 to vector<16xi32>
      %xor3A_745 = arith.xori %iota3A_742, %xor3A_744 : vector<16xi32>
      %lt3A_746 = arith.constant 0 : i32
      %lt3A_747 = vector.broadcast %lt3A_746 : i32 to vector<16xi32>
      %lt3A_748 = arith.cmpi slt, %xor3A_745, %lt3A_747 : vector<16xi32>
      %add3A_749 = arith.constant 16 : i32
      %add3A_750 = vector.broadcast %add3A_749 : i32 to vector<16xi32>
      %add3A_751 = arith.addi %xor3A_745, %add3A_750 : vector<16xi32>
      %select_n3A_752 = arith.select %lt3A_748, %add3A_751, %xor3A_745 : vector<16xi1>, vector<16xi32>
      %broadcast_in_dim3A_753 = vector.shape_cast %select_n3A_752 : vector<16xi32> to vector<16x1xi32>
      %gather3A_754 = vector.shape_cast %broadcast_in_dim3A_753 : vector<16x1xi32> to vector<16xi32>
      %gather3A_755 = tpu.dynamic_gather %add3A_738[%gather3A_754] in [0] : vector<16xf32>, vector<16xi32> -> vector<16xf32>
      %add3A_756 = arith.addf %add3A_738, %gather3A_755 : vector<16xf32>
      %iota3A_757 = tpu.iota {dimensions = array<i32: 0>} : vector<16xi32>
      %xor3A_758 = arith.constant 4 : i32
      %xor3A_759 = vector.broadcast %xor3A_758 : i32 to vector<16xi32>
      %xor3A_760 = arith.xori %iota3A_757, %xor3A_759 : vector<16xi32>
      %lt3A_761 = arith.constant 0 : i32
      %lt3A_762 = vector.broadcast %lt3A_761 : i32 to vector<16xi32>
      %lt3A_763 = arith.cmpi slt, %xor3A_760, %lt3A_762 : vector<16xi32>
      %add3A_764 = arith.constant 16 : i32
      %add3A_765 = vector.broadcast %add3A_764 : i32 to vector<16xi32>
      %add3A_766 = arith.addi %xor3A_760, %add3A_765 : vector<16xi32>
      %select_n3A_767 = arith.select %lt3A_763, %add3A_766, %xor3A_760 : vector<16xi1>, vector<16xi32>
      %broadcast_in_dim3A_768 = vector.shape_cast %select_n3A_767 : vector<16xi32> to vector<16x1xi32>
      %gather3A_769 = vector.shape_cast %broadcast_in_dim3A_768 : vector<16x1xi32> to vector<16xi32>
      %gather3A_770 = tpu.dynamic_gather %add3A_756[%gather3A_769] in [0] : vector<16xf32>, vector<16xi32> -> vector<16xf32>
      %add3A_771 = arith.addf %add3A_756, %gather3A_770 : vector<16xf32>
      %iota3A_772 = tpu.iota {dimensions = array<i32: 0>} : vector<16xi32>
      %xor3A_773 = arith.constant 2 : i32
      %xor3A_774 = vector.broadcast %xor3A_773 : i32 to vector<16xi32>
      %xor3A_775 = arith.xori %iota3A_772, %xor3A_774 : vector<16xi32>
      %lt3A_776 = arith.constant 0 : i32
      %lt3A_777 = vector.broadcast %lt3A_776 : i32 to vector<16xi32>
      %lt3A_778 = arith.cmpi slt, %xor3A_775, %lt3A_777 : vector<16xi32>
      %add3A_779 = arith.constant 16 : i32
      %add3A_780 = vector.broadcast %add3A_779 : i32 to vector<16xi32>
      %add3A_781 = arith.addi %xor3A_775, %add3A_780 : vector<16xi32>
      %select_n3A_782 = arith.select %lt3A_778, %add3A_781, %xor3A_775 : vector<16xi1>, vector<16xi32>
      %broadcast_in_dim3A_783 = vector.shape_cast %select_n3A_782 : vector<16xi32> to vector<16x1xi32>
      %gather3A_784 = vector.shape_cast %broadcast_in_dim3A_783 : vector<16x1xi32> to vector<16xi32>
      %gather3A_785 = tpu.dynamic_gather %add3A_771[%gather3A_784] in [0] : vector<16xf32>, vector<16xi32> -> vector<16xf32>
      %add3A_786 = arith.addf %add3A_771, %gather3A_785 : vector<16xf32>
      %iota3A_787 = tpu.iota {dimensions = array<i32: 0>} : vector<16xi32>
      %xor3A_788 = arith.constant 1 : i32
      %xor3A_789 = vector.broadcast %xor3A_788 : i32 to vector<16xi32>
      %xor3A_790 = arith.xori %iota3A_787, %xor3A_789 : vector<16xi32>
      %lt3A_791 = arith.constant 0 : i32
      %lt3A_792 = vector.broadcast %lt3A_791 : i32 to vector<16xi32>
      %lt3A_793 = arith.cmpi slt, %xor3A_790, %lt3A_792 : vector<16xi32>
      %add3A_794 = arith.constant 16 : i32
      %add3A_795 = vector.broadcast %add3A_794 : i32 to vector<16xi32>
      %add3A_796 = arith.addi %xor3A_790, %add3A_795 : vector<16xi32>
      %select_n3A_797 = arith.select %lt3A_793, %add3A_796, %xor3A_790 : vector<16xi1>, vector<16xi32>
      %broadcast_in_dim3A_798 = vector.shape_cast %select_n3A_797 : vector<16xi32> to vector<16x1xi32>
      %gather3A_799 = vector.shape_cast %broadcast_in_dim3A_798 : vector<16x1xi32> to vector<16xi32>
      %gather3A_800 = tpu.dynamic_gather %add3A_786[%gather3A_799] in [0] : vector<16xf32>, vector<16xi32> -> vector<16xf32>
      %add3A_801 = arith.addf %add3A_786, %gather3A_800 : vector<16xf32>
      %select_n3A_802 = arith.select %eq3A_741, %add3A_801, %select_n3A_680 : vector<16xi1>, vector<16xf32>
      %mul3A_803 = arith.constant 16 : i32
      %mul3A_804 = arith.muli %scan3A_198, %mul3A_803 : i32
      %add3A_805 = arith.constant 5 : i32
      %add3A_806 = arith.addi %mul3A_804, %add3A_805 : i32
      %broadcast_in_dim3A_807 = arith.constant 0.000000e+00 : f32
      %broadcast_in_dim3A_808 = vector.broadcast %broadcast_in_dim3A_807 : f32 to vector<16xf32>
      %get3A_809 = arith.index_cast %add3A_806 : i32 to index
      %get3A_810 = arith.constant 0 : index
      %get3A_811 = tpu.vector_load %arg11[%get3A_809, %get3A_810] {strides = array<i32>} : memref<512x64xf32, #tpu.memory_space<vmem>>, vector<16xf32>,
      %get3A_812 = arith.index_cast %add3A_806 : i32 to index
      %get3A_813 = arith.constant 0 : index
      %get3A_814 = tpu.vector_load %arg12[%get3A_812, %get3A_813] {strides = array<i32>} : memref<512x64xf32, #tpu.memory_space<vmem>>, vector<16xf32>,
      %add3A_815 = arith.addf %get3A_811, %get3A_814 : vector<16xf32>
      %get3A_816 = arith.index_cast %add3A_806 : i32 to index
      %get3A_817 = arith.constant 0 : index
      %get3A_818 = tpu.vector_load %arg13[%get3A_816, %get3A_817] {strides = array<i32>} : memref<512x64xf32, #tpu.memory_space<vmem>>, vector<16xf32>,
      %sub3A_819 = arith.subf %add3A_815, %get3A_818 : vector<16xf32>
      %mul3A_820 = arith.mulf %sub3A_819, %sub3A_819 : vector<16xf32>
      %add3A_821 = arith.addf %broadcast_in_dim3A_808, %mul3A_820 : vector<16xf32>
      %get3A_822 = arith.index_cast %add3A_806 : i32 to index
      %get3A_823 = arith.constant 16 : index
      %get3A_824 = tpu.vector_load %arg11[%get3A_822, %get3A_823] {strides = array<i32>} : memref<512x64xf32, #tpu.memory_space<vmem>>, vector<16xf32>,
      %get3A_825 = arith.index_cast %add3A_806 : i32 to index
      %get3A_826 = arith.constant 16 : index
      %get3A_827 = tpu.vector_load %arg12[%get3A_825, %get3A_826] {strides = array<i32>} : memref<512x64xf32, #tpu.memory_space<vmem>>, vector<16xf32>,
      %add3A_828 = arith.addf %get3A_824, %get3A_827 : vector<16xf32>
      %get3A_829 = arith.index_cast %add3A_806 : i32 to index
      %get3A_830 = arith.constant 16 : index
      %get3A_831 = tpu.vector_load %arg13[%get3A_829, %get3A_830] {strides = array<i32>} : memref<512x64xf32, #tpu.memory_space<vmem>>, vector<16xf32>,
      %sub3A_832 = arith.subf %add3A_828, %get3A_831 : vector<16xf32>
      %mul3A_833 = arith.mulf %sub3A_832, %sub3A_832 : vector<16xf32>
      %add3A_834 = arith.addf %add3A_821, %mul3A_833 : vector<16xf32>
      %get3A_835 = arith.index_cast %add3A_806 : i32 to index
      %get3A_836 = arith.constant 32 : index
      %get3A_837 = tpu.vector_load %arg11[%get3A_835, %get3A_836] {strides = array<i32>} : memref<512x64xf32, #tpu.memory_space<vmem>>, vector<16xf32>,
      %get3A_838 = arith.index_cast %add3A_806 : i32 to index
      %get3A_839 = arith.constant 32 : index
      %get3A_840 = tpu.vector_load %arg12[%get3A_838, %get3A_839] {strides = array<i32>} : memref<512x64xf32, #tpu.memory_space<vmem>>, vector<16xf32>,
      %add3A_841 = arith.addf %get3A_837, %get3A_840 : vector<16xf32>
      %get3A_842 = arith.index_cast %add3A_806 : i32 to index
      %get3A_843 = arith.constant 32 : index
      %get3A_844 = tpu.vector_load %arg13[%get3A_842, %get3A_843] {strides = array<i32>} : memref<512x64xf32, #tpu.memory_space<vmem>>, vector<16xf32>,
      %sub3A_845 = arith.subf %add3A_841, %get3A_844 : vector<16xf32>
      %mul3A_846 = arith.mulf %sub3A_845, %sub3A_845 : vector<16xf32>
      %add3A_847 = arith.addf %add3A_834, %mul3A_846 : vector<16xf32>
      %get3A_848 = arith.index_cast %add3A_806 : i32 to index
      %get3A_849 = arith.constant 48 : index
      %get3A_850 = tpu.vector_load %arg11[%get3A_848, %get3A_849] {strides = array<i32>} : memref<512x64xf32, #tpu.memory_space<vmem>>, vector<16xf32>,
      %get3A_851 = arith.index_cast %add3A_806 : i32 to index
      %get3A_852 = arith.constant 48 : index
      %get3A_853 = tpu.vector_load %arg12[%get3A_851, %get3A_852] {strides = array<i32>} : memref<512x64xf32, #tpu.memory_space<vmem>>, vector<16xf32>,
      %add3A_854 = arith.addf %get3A_850, %get3A_853 : vector<16xf32>
      %get3A_855 = arith.index_cast %add3A_806 : i32 to index
      %get3A_856 = arith.constant 48 : index
      %get3A_857 = tpu.vector_load %arg13[%get3A_855, %get3A_856] {strides = array<i32>} : memref<512x64xf32, #tpu.memory_space<vmem>>, vector<16xf32>,
      %sub3A_858 = arith.subf %add3A_854, %get3A_857 : vector<16xf32>
      %mul3A_859 = arith.mulf %sub3A_858, %sub3A_858 : vector<16xf32>
      %add3A_860 = arith.addf %add3A_847, %mul3A_859 : vector<16xf32>
      %eq3A_861 = arith.constant 5 : i32
      %eq3A_862 = vector.broadcast %eq3A_861 : i32 to vector<16xi32>
      %eq3A_863 = arith.cmpi eq, %iota3A, %eq3A_862 : vector<16xi32>
      %iota3A_864 = tpu.iota {dimensions = array<i32: 0>} : vector<16xi32>
      %xor3A_865 = arith.constant 8 : i32
      %xor3A_866 = vector.broadcast %xor3A_865 : i32 to vector<16xi32>
      %xor3A_867 = arith.xori %iota3A_864, %xor3A_866 : vector<16xi32>
      %lt3A_868 = arith.constant 0 : i32
      %lt3A_869 = vector.broadcast %lt3A_868 : i32 to vector<16xi32>
      %lt3A_870 = arith.cmpi slt, %xor3A_867, %lt3A_869 : vector<16xi32>
      %add3A_871 = arith.constant 16 : i32
      %add3A_872 = vector.broadcast %add3A_871 : i32 to vector<16xi32>
      %add3A_873 = arith.addi %xor3A_867, %add3A_872 : vector<16xi32>
      %select_n3A_874 = arith.select %lt3A_870, %add3A_873, %xor3A_867 : vector<16xi1>, vector<16xi32>
      %broadcast_in_dim3A_875 = vector.shape_cast %select_n3A_874 : vector<16xi32> to vector<16x1xi32>
      %gather3A_876 = vector.shape_cast %broadcast_in_dim3A_875 : vector<16x1xi32> to vector<16xi32>
      %gather3A_877 = tpu.dynamic_gather %add3A_860[%gather3A_876] in [0] : vector<16xf32>, vector<16xi32> -> vector<16xf32>
      %add3A_878 = arith.addf %add3A_860, %gather3A_877 : vector<16xf32>
      %iota3A_879 = tpu.iota {dimensions = array<i32: 0>} : vector<16xi32>
      %xor3A_880 = arith.constant 4 : i32
      %xor3A_881 = vector.broadcast %xor3A_880 : i32 to vector<16xi32>
      %xor3A_882 = arith.xori %iota3A_879, %xor3A_881 : vector<16xi32>
      %lt3A_883 = arith.constant 0 : i32
      %lt3A_884 = vector.broadcast %lt3A_883 : i32 to vector<16xi32>
      %lt3A_885 = arith.cmpi slt, %xor3A_882, %lt3A_884 : vector<16xi32>
      %add3A_886 = arith.constant 16 : i32
      %add3A_887 = vector.broadcast %add3A_886 : i32 to vector<16xi32>
      %add3A_888 = arith.addi %xor3A_882, %add3A_887 : vector<16xi32>
      %select_n3A_889 = arith.select %lt3A_885, %add3A_888, %xor3A_882 : vector<16xi1>, vector<16xi32>
      %broadcast_in_dim3A_890 = vector.shape_cast %select_n3A_889 : vector<16xi32> to vector<16x1xi32>
      %gather3A_891 = vector.shape_cast %broadcast_in_dim3A_890 : vector<16x1xi32> to vector<16xi32>
      %gather3A_892 = tpu.dynamic_gather %add3A_878[%gather3A_891] in [0] : vector<16xf32>, vector<16xi32> -> vector<16xf32>
      %add3A_893 = arith.addf %add3A_878, %gather3A_892 : vector<16xf32>
      %iota3A_894 = tpu.iota {dimensions = array<i32: 0>} : vector<16xi32>
      %xor3A_895 = arith.constant 2 : i32
      %xor3A_896 = vector.broadcast %xor3A_895 : i32 to vector<16xi32>
      %xor3A_897 = arith.xori %iota3A_894, %xor3A_896 : vector<16xi32>
      %lt3A_898 = arith.constant 0 : i32
      %lt3A_899 = vector.broadcast %lt3A_898 : i32 to vector<16xi32>
      %lt3A_900 = arith.cmpi slt, %xor3A_897, %lt3A_899 : vector<16xi32>
      %add3A_901 = arith.constant 16 : i32
      %add3A_902 = vector.broadcast %add3A_901 : i32 to vector<16xi32>
      %add3A_903 = arith.addi %xor3A_897, %add3A_902 : vector<16xi32>
      %select_n3A_904 = arith.select %lt3A_900, %add3A_903, %xor3A_897 : vector<16xi1>, vector<16xi32>
      %broadcast_in_dim3A_905 = vector.shape_cast %select_n3A_904 : vector<16xi32> to vector<16x1xi32>
      %gather3A_906 = vector.shape_cast %broadcast_in_dim3A_905 : vector<16x1xi32> to vector<16xi32>
      %gather3A_907 = tpu.dynamic_gather %add3A_893[%gather3A_906] in [0] : vector<16xf32>, vector<16xi32> -> vector<16xf32>
      %add3A_908 = arith.addf %add3A_893, %gather3A_907 : vector<16xf32>
      %iota3A_909 = tpu.iota {dimensions = array<i32: 0>} : vector<16xi32>
      %xor3A_910 = arith.constant 1 : i32
      %xor3A_911 = vector.broadcast %xor3A_910 : i32 to vector<16xi32>
      %xor3A_912 = arith.xori %iota3A_909, %xor3A_911 : vector<16xi32>
      %lt3A_913 = arith.constant 0 : i32
      %lt3A_914 = vector.broadcast %lt3A_913 : i32 to vector<16xi32>
      %lt3A_915 = arith.cmpi slt, %xor3A_912, %lt3A_914 : vector<16xi32>
      %add3A_916 = arith.constant 16 : i32
      %add3A_917 = vector.broadcast %add3A_916 : i32 to vector<16xi32>
      %add3A_918 = arith.addi %xor3A_912, %add3A_917 : vector<16xi32>
      %select_n3A_919 = arith.select %lt3A_915, %add3A_918, %xor3A_912 : vector<16xi1>, vector<16xi32>
      %broadcast_in_dim3A_920 = vector.shape_cast %select_n3A_919 : vector<16xi32> to vector<16x1xi32>
      %gather3A_921 = vector.shape_cast %broadcast_in_dim3A_920 : vector<16x1xi32> to vector<16xi32>
      %gather3A_922 = tpu.dynamic_gather %add3A_908[%gather3A_921] in [0] : vector<16xf32>, vector<16xi32> -> vector<16xf32>
      %add3A_923 = arith.addf %add3A_908, %gather3A_922 : vector<16xf32>
      %select_n3A_924 = arith.select %eq3A_863, %add3A_923, %select_n3A_802 : vector<16xi1>, vector<16xf32>
      %mul3A_925 = arith.constant 16 : i32
      %mul3A_926 = arith.muli %scan3A_198, %mul3A_925 : i32
      %add3A_927 = arith.constant 6 : i32
      %add3A_928 = arith.addi %mul3A_926, %add3A_927 : i32
      %broadcast_in_dim3A_929 = arith.constant 0.000000e+00 : f32
      %broadcast_in_dim3A_930 = vector.broadcast %broadcast_in_dim3A_929 : f32 to vector<16xf32>
      %get3A_931 = arith.index_cast %add3A_928 : i32 to index
      %get3A_932 = arith.constant 0 : index
      %get3A_933 = tpu.vector_load %arg11[%get3A_931, %get3A_932] {strides = array<i32>} : memref<512x64xf32, #tpu.memory_space<vmem>>, vector<16xf32>,
      %get3A_934 = arith.index_cast %add3A_928 : i32 to index
      %get3A_935 = arith.constant 0 : index
      %get3A_936 = tpu.vector_load %arg12[%get3A_934, %get3A_935] {strides = array<i32>} : memref<512x64xf32, #tpu.memory_space<vmem>>, vector<16xf32>,
      %add3A_937 = arith.addf %get3A_933, %get3A_936 : vector<16xf32>
      %get3A_938 = arith.index_cast %add3A_928 : i32 to index
      %get3A_939 = arith.constant 0 : index
      %get3A_940 = tpu.vector_load %arg13[%get3A_938, %get3A_939] {strides = array<i32>} : memref<512x64xf32, #tpu.memory_space<vmem>>, vector<16xf32>,
      %sub3A_941 = arith.subf %add3A_937, %get3A_940 : vector<16xf32>
      %mul3A_942 = arith.mulf %sub3A_941, %sub3A_941 : vector<16xf32>
      %add3A_943 = arith.addf %broadcast_in_dim3A_930, %mul3A_942 : vector<16xf32>
      %get3A_944 = arith.index_cast %add3A_928 : i32 to index
      %get3A_945 = arith.constant 16 : index
      %get3A_946 = tpu.vector_load %arg11[%get3A_944, %get3A_945] {strides = array<i32>} : memref<512x64xf32, #tpu.memory_space<vmem>>, vector<16xf32>,
      %get3A_947 = arith.index_cast %add3A_928 : i32 to index
      %get3A_948 = arith.constant 16 : index
      %get3A_949 = tpu.vector_load %arg12[%get3A_947, %get3A_948] {strides = array<i32>} : memref<512x64xf32, #tpu.memory_space<vmem>>, vector<16xf32>,
      %add3A_950 = arith.addf %get3A_946, %get3A_949 : vector<16xf32>
      %get3A_951 = arith.index_cast %add3A_928 : i32 to index
      %get3A_952 = arith.constant 16 : index
      %get3A_953 = tpu.vector_load %arg13[%get3A_951, %get3A_952] {strides = array<i32>} : memref<512x64xf32, #tpu.memory_space<vmem>>, vector<16xf32>,
      %sub3A_954 = arith.subf %add3A_950, %get3A_953 : vector<16xf32>
      %mul3A_955 = arith.mulf %sub3A_954, %sub3A_954 : vector<16xf32>
      %add3A_956 = arith.addf %add3A_943, %mul3A_955 : vector<16xf32>
      %get3A_957 = arith.index_cast %add3A_928 : i32 to index
      %get3A_958 = arith.constant 32 : index
      %get3A_959 = tpu.vector_load %arg11[%get3A_957, %get3A_958] {strides = array<i32>} : memref<512x64xf32, #tpu.memory_space<vmem>>, vector<16xf32>,
      %get3A_960 = arith.index_cast %add3A_928 : i32 to index
      %get3A_961 = arith.constant 32 : index
      %get3A_962 = tpu.vector_load %arg12[%get3A_960, %get3A_961] {strides = array<i32>} : memref<512x64xf32, #tpu.memory_space<vmem>>, vector<16xf32>,
      %add3A_963 = arith.addf %get3A_959, %get3A_962 : vector<16xf32>
      %get3A_964 = arith.index_cast %add3A_928 : i32 to index
      %get3A_965 = arith.constant 32 : index
      %get3A_966 = tpu.vector_load %arg13[%get3A_964, %get3A_965] {strides = array<i32>} : memref<512x64xf32, #tpu.memory_space<vmem>>, vector<16xf32>,
      %sub3A_967 = arith.subf %add3A_963, %get3A_966 : vector<16xf32>
      %mul3A_968 = arith.mulf %sub3A_967, %sub3A_967 : vector<16xf32>
      %add3A_969 = arith.addf %add3A_956, %mul3A_968 : vector<16xf32>
      %get3A_970 = arith.index_cast %add3A_928 : i32 to index
      %get3A_971 = arith.constant 48 : index
      %get3A_972 = tpu.vector_load %arg11[%get3A_970, %get3A_971] {strides = array<i32>} : memref<512x64xf32, #tpu.memory_space<vmem>>, vector<16xf32>,
      %get3A_973 = arith.index_cast %add3A_928 : i32 to index
      %get3A_974 = arith.constant 48 : index
      %get3A_975 = tpu.vector_load %arg12[%get3A_973, %get3A_974] {strides = array<i32>} : memref<512x64xf32, #tpu.memory_space<vmem>>, vector<16xf32>,
      %add3A_976 = arith.addf %get3A_972, %get3A_975 : vector<16xf32>
      %get3A_977 = arith.index_cast %add3A_928 : i32 to index
      %get3A_978 = arith.constant 48 : index
      %get3A_979 = tpu.vector_load %arg13[%get3A_977, %get3A_978] {strides = array<i32>} : memref<512x64xf32, #tpu.memory_space<vmem>>, vector<16xf32>,
      %sub3A_980 = arith.subf %add3A_976, %get3A_979 : vector<16xf32>
      %mul3A_981 = arith.mulf %sub3A_980, %sub3A_980 : vector<16xf32>
      %add3A_982 = arith.addf %add3A_969, %mul3A_981 : vector<16xf32>
      %eq3A_983 = arith.constant 6 : i32
      %eq3A_984 = vector.broadcast %eq3A_983 : i32 to vector<16xi32>
      %eq3A_985 = arith.cmpi eq, %iota3A, %eq3A_984 : vector<16xi32>
      %iota3A_986 = tpu.iota {dimensions = array<i32: 0>} : vector<16xi32>
      %xor3A_987 = arith.constant 8 : i32
      %xor3A_988 = vector.broadcast %xor3A_987 : i32 to vector<16xi32>
      %xor3A_989 = arith.xori %iota3A_986, %xor3A_988 : vector<16xi32>
      %lt3A_990 = arith.constant 0 : i32
      %lt3A_991 = vector.broadcast %lt3A_990 : i32 to vector<16xi32>
      %lt3A_992 = arith.cmpi slt, %xor3A_989, %lt3A_991 : vector<16xi32>
      %add3A_993 = arith.constant 16 : i32
      %add3A_994 = vector.broadcast %add3A_993 : i32 to vector<16xi32>
      %add3A_995 = arith.addi %xor3A_989, %add3A_994 : vector<16xi32>
      %select_n3A_996 = arith.select %lt3A_992, %add3A_995, %xor3A_989 : vector<16xi1>, vector<16xi32>
      %broadcast_in_dim3A_997 = vector.shape_cast %select_n3A_996 : vector<16xi32> to vector<16x1xi32>
      %gather3A_998 = vector.shape_cast %broadcast_in_dim3A_997 : vector<16x1xi32> to vector<16xi32>
      %gather3A_999 = tpu.dynamic_gather %add3A_982[%gather3A_998] in [0] : vector<16xf32>, vector<16xi32> -> vector<16xf32>
      %add3A_1000 = arith.addf %add3A_982, %gather3A_999 : vector<16xf32>
      %iota3A_1001 = tpu.iota {dimensions = array<i32: 0>} : vector<16xi32>
      %xor3A_1002 = arith.constant 4 : i32
      %xor3A_1003 = vector.broadcast %xor3A_1002 : i32 to vector<16xi32>
      %xor3A_1004 = arith.xori %iota3A_1001, %xor3A_1003 : vector<16xi32>
      %lt3A_1005 = arith.constant 0 : i32
      %lt3A_1006 = vector.broadcast %lt3A_1005 : i32 to vector<16xi32>
      %lt3A_1007 = arith.cmpi slt, %xor3A_1004, %lt3A_1006 : vector<16xi32>
      %add3A_1008 = arith.constant 16 : i32
      %add3A_1009 = vector.broadcast %add3A_1008 : i32 to vector<16xi32>
      %add3A_1010 = arith.addi %xor3A_1004, %add3A_1009 : vector<16xi32>
      %select_n3A_1011 = arith.select %lt3A_1007, %add3A_1010, %xor3A_1004 : vector<16xi1>, vector<16xi32>
      %broadcast_in_dim3A_1012 = vector.shape_cast %select_n3A_1011 : vector<16xi32> to vector<16x1xi32>
      %gather3A_1013 = vector.shape_cast %broadcast_in_dim3A_1012 : vector<16x1xi32> to vector<16xi32>
      %gather3A_1014 = tpu.dynamic_gather %add3A_1000[%gather3A_1013] in [0] : vector<16xf32>, vector<16xi32> -> vector<16xf32>
      %add3A_1015 = arith.addf %add3A_1000, %gather3A_1014 : vector<16xf32>
      %iota3A_1016 = tpu.iota {dimensions = array<i32: 0>} : vector<16xi32>
      %xor3A_1017 = arith.constant 2 : i32
      %xor3A_1018 = vector.broadcast %xor3A_1017 : i32 to vector<16xi32>
      %xor3A_1019 = arith.xori %iota3A_1016, %xor3A_1018 : vector<16xi32>
      %lt3A_1020 = arith.constant 0 : i32
      %lt3A_1021 = vector.broadcast %lt3A_1020 : i32 to vector<16xi32>
      %lt3A_1022 = arith.cmpi slt, %xor3A_1019, %lt3A_1021 : vector<16xi32>
      %add3A_1023 = arith.constant 16 : i32
      %add3A_1024 = vector.broadcast %add3A_1023 : i32 to vector<16xi32>
      %add3A_1025 = arith.addi %xor3A_1019, %add3A_1024 : vector<16xi32>
      %select_n3A_1026 = arith.select %lt3A_1022, %add3A_1025, %xor3A_1019 : vector<16xi1>, vector<16xi32>
      %broadcast_in_dim3A_1027 = vector.shape_cast %select_n3A_1026 : vector<16xi32> to vector<16x1xi32>
      %gather3A_1028 = vector.shape_cast %broadcast_in_dim3A_1027 : vector<16x1xi32> to vector<16xi32>
      %gather3A_1029 = tpu.dynamic_gather %add3A_1015[%gather3A_1028] in [0] : vector<16xf32>, vector<16xi32> -> vector<16xf32>
      %add3A_1030 = arith.addf %add3A_1015, %gather3A_1029 : vector<16xf32>
      %iota3A_1031 = tpu.iota {dimensions = array<i32: 0>} : vector<16xi32>
      %xor3A_1032 = arith.constant 1 : i32
      %xor3A_1033 = vector.broadcast %xor3A_1032 : i32 to vector<16xi32>
      %xor3A_1034 = arith.xori %iota3A_1031, %xor3A_1033 : vector<16xi32>
      %lt3A_1035 = arith.constant 0 : i32
      %lt3A_1036 = vector.broadcast %lt3A_1035 : i32 to vector<16xi32>
      %lt3A_1037 = arith.cmpi slt, %xor3A_1034, %lt3A_1036 : vector<16xi32>
      %add3A_1038 = arith.constant 16 : i32
      %add3A_1039 = vector.broadcast %add3A_1038 : i32 to vector<16xi32>
      %add3A_1040 = arith.addi %xor3A_1034, %add3A_1039 : vector<16xi32>
      %select_n3A_1041 = arith.select %lt3A_1037, %add3A_1040, %xor3A_1034 : vector<16xi1>, vector<16xi32>
      %broadcast_in_dim3A_1042 = vector.shape_cast %select_n3A_1041 : vector<16xi32> to vector<16x1xi32>
      %gather3A_1043 = vector.shape_cast %broadcast_in_dim3A_1042 : vector<16x1xi32> to vector<16xi32>
      %gather3A_1044 = tpu.dynamic_gather %add3A_1030[%gather3A_1043] in [0] : vector<16xf32>, vector<16xi32> -> vector<16xf32>
      %add3A_1045 = arith.addf %add3A_1030, %gather3A_1044 : vector<16xf32>
      %select_n3A_1046 = arith.select %eq3A_985, %add3A_1045, %select_n3A_924 : vector<16xi1>, vector<16xf32>
      %mul3A_1047 = arith.constant 16 : i32
      %mul3A_1048 = arith.muli %scan3A_198, %mul3A_1047 : i32
      %add3A_1049 = arith.constant 7 : i32
      %add3A_1050 = arith.addi %mul3A_1048, %add3A_1049 : i32
      %broadcast_in_dim3A_1051 = arith.constant 0.000000e+00 : f32
      %broadcast_in_dim3A_1052 = vector.broadcast %broadcast_in_dim3A_1051 : f32 to vector<16xf32>
      %get3A_1053 = arith.index_cast %add3A_1050 : i32 to index
      %get3A_1054 = arith.constant 0 : index
      %get3A_1055 = tpu.vector_load %arg11[%get3A_1053, %get3A_1054] {strides = array<i32>} : memref<512x64xf32, #tpu.memory_space<vmem>>, vector<16xf32>,
      %get3A_1056 = arith.index_cast %add3A_1050 : i32 to index
      %get3A_1057 = arith.constant 0 : index
      %get3A_1058 = tpu.vector_load %arg12[%get3A_1056, %get3A_1057] {strides = array<i32>} : memref<512x64xf32, #tpu.memory_space<vmem>>, vector<16xf32>,
      %add3A_1059 = arith.addf %get3A_1055, %get3A_1058 : vector<16xf32>
      %get3A_1060 = arith.index_cast %add3A_1050 : i32 to index
      %get3A_1061 = arith.constant 0 : index
      %get3A_1062 = tpu.vector_load %arg13[%get3A_1060, %get3A_1061] {strides = array<i32>} : memref<512x64xf32, #tpu.memory_space<vmem>>, vector<16xf32>,
      %sub3A_1063 = arith.subf %add3A_1059, %get3A_1062 : vector<16xf32>
      %mul3A_1064 = arith.mulf %sub3A_1063, %sub3A_1063 : vector<16xf32>
      %add3A_1065 = arith.addf %broadcast_in_dim3A_1052, %mul3A_1064 : vector<16xf32>
      %get3A_1066 = arith.index_cast %add3A_1050 : i32 to index
      %get3A_1067 = arith.constant 16 : index
      %get3A_1068 = tpu.vector_load %arg11[%get3A_1066, %get3A_1067] {strides = array<i32>} : memref<512x64xf32, #tpu.memory_space<vmem>>, vector<16xf32>,
      %get3A_1069 = arith.index_cast %add3A_1050 : i32 to index
      %get3A_1070 = arith.constant 16 : index
      %get3A_1071 = tpu.vector_load %arg12[%get3A_1069, %get3A_1070] {strides = array<i32>} : memref<512x64xf32, #tpu.memory_space<vmem>>, vector<16xf32>,
      %add3A_1072 = arith.addf %get3A_1068, %get3A_1071 : vector<16xf32>
      %get3A_1073 = arith.index_cast %add3A_1050 : i32 to index
      %get3A_1074 = arith.constant 16 : index
      %get3A_1075 = tpu.vector_load %arg13[%get3A_1073, %get3A_1074] {strides = array<i32>} : memref<512x64xf32, #tpu.memory_space<vmem>>, vector<16xf32>,
      %sub3A_1076 = arith.subf %add3A_1072, %get3A_1075 : vector<16xf32>
      %mul3A_1077 = arith.mulf %sub3A_1076, %sub3A_1076 : vector<16xf32>
      %add3A_1078 = arith.addf %add3A_1065, %mul3A_1077 : vector<16xf32>
      %get3A_1079 = arith.index_cast %add3A_1050 : i32 to index
      %get3A_1080 = arith.constant 32 : index
      %get3A_1081 = tpu.vector_load %arg11[%get3A_1079, %get3A_1080] {strides = array<i32>} : memref<512x64xf32, #tpu.memory_space<vmem>>, vector<16xf32>,
      %get3A_1082 = arith.index_cast %add3A_1050 : i32 to index
      %get3A_1083 = arith.constant 32 : index
      %get3A_1084 = tpu.vector_load %arg12[%get3A_1082, %get3A_1083] {strides = array<i32>} : memref<512x64xf32, #tpu.memory_space<vmem>>, vector<16xf32>,
      %add3A_1085 = arith.addf %get3A_1081, %get3A_1084 : vector<16xf32>
      %get3A_1086 = arith.index_cast %add3A_1050 : i32 to index
      %get3A_1087 = arith.constant 32 : index
      %get3A_1088 = tpu.vector_load %arg13[%get3A_1086, %get3A_1087] {strides = array<i32>} : memref<512x64xf32, #tpu.memory_space<vmem>>, vector<16xf32>,
      %sub3A_1089 = arith.subf %add3A_1085, %get3A_1088 : vector<16xf32>
      %mul3A_1090 = arith.mulf %sub3A_1089, %sub3A_1089 : vector<16xf32>
      %add3A_1091 = arith.addf %add3A_1078, %mul3A_1090 : vector<16xf32>
      %get3A_1092 = arith.index_cast %add3A_1050 : i32 to index
      %get3A_1093 = arith.constant 48 : index
      %get3A_1094 = tpu.vector_load %arg11[%get3A_1092, %get3A_1093] {strides = array<i32>} : memref<512x64xf32, #tpu.memory_space<vmem>>, vector<16xf32>,
      %get3A_1095 = arith.index_cast %add3A_1050 : i32 to index
      %get3A_1096 = arith.constant 48 : index
      %get3A_1097 = tpu.vector_load %arg12[%get3A_1095, %get3A_1096] {strides = array<i32>} : memref<512x64xf32, #tpu.memory_space<vmem>>, vector<16xf32>,
      %add3A_1098 = arith.addf %get3A_1094, %get3A_1097 : vector<16xf32>
      %get3A_1099 = arith.index_cast %add3A_1050 : i32 to index
      %get3A_1100 = arith.constant 48 : index
      %get3A_1101 = tpu.vector_load %arg13[%get3A_1099, %get3A_1100] {strides = array<i32>} : memref<512x64xf32, #tpu.memory_space<vmem>>, vector<16xf32>,
      %sub3A_1102 = arith.subf %add3A_1098, %get3A_1101 : vector<16xf32>
      %mul3A_1103 = arith.mulf %sub3A_1102, %sub3A_1102 : vector<16xf32>
      %add3A_1104 = arith.addf %add3A_1091, %mul3A_1103 : vector<16xf32>
      %eq3A_1105 = arith.constant 7 : i32
      %eq3A_1106 = vector.broadcast %eq3A_1105 : i32 to vector<16xi32>
      %eq3A_1107 = arith.cmpi eq, %iota3A, %eq3A_1106 : vector<16xi32>
      %iota3A_1108 = tpu.iota {dimensions = array<i32: 0>} : vector<16xi32>
      %xor3A_1109 = arith.constant 8 : i32
      %xor3A_1110 = vector.broadcast %xor3A_1109 : i32 to vector<16xi32>
      %xor3A_1111 = arith.xori %iota3A_1108, %xor3A_1110 : vector<16xi32>
      %lt3A_1112 = arith.constant 0 : i32
      %lt3A_1113 = vector.broadcast %lt3A_1112 : i32 to vector<16xi32>
      %lt3A_1114 = arith.cmpi slt, %xor3A_1111, %lt3A_1113 : vector<16xi32>
      %add3A_1115 = arith.constant 16 : i32
      %add3A_1116 = vector.broadcast %add3A_1115 : i32 to vector<16xi32>
      %add3A_1117 = arith.addi %xor3A_1111, %add3A_1116 : vector<16xi32>
      %select_n3A_1118 = arith.select %lt3A_1114, %add3A_1117, %xor3A_1111 : vector<16xi1>, vector<16xi32>
      %broadcast_in_dim3A_1119 = vector.shape_cast %select_n3A_1118 : vector<16xi32> to vector<16x1xi32>
      %gather3A_1120 = vector.shape_cast %broadcast_in_dim3A_1119 : vector<16x1xi32> to vector<16xi32>
      %gather3A_1121 = tpu.dynamic_gather %add3A_1104[%gather3A_1120] in [0] : vector<16xf32>, vector<16xi32> -> vector<16xf32>
      %add3A_1122 = arith.addf %add3A_1104, %gather3A_1121 : vector<16xf32>
      %iota3A_1123 = tpu.iota {dimensions = array<i32: 0>} : vector<16xi32>
      %xor3A_1124 = arith.constant 4 : i32
      %xor3A_1125 = vector.broadcast %xor3A_1124 : i32 to vector<16xi32>
      %xor3A_1126 = arith.xori %iota3A_1123, %xor3A_1125 : vector<16xi32>
      %lt3A_1127 = arith.constant 0 : i32
      %lt3A_1128 = vector.broadcast %lt3A_1127 : i32 to vector<16xi32>
      %lt3A_1129 = arith.cmpi slt, %xor3A_1126, %lt3A_1128 : vector<16xi32>
      %add3A_1130 = arith.constant 16 : i32
      %add3A_1131 = vector.broadcast %add3A_1130 : i32 to vector<16xi32>
      %add3A_1132 = arith.addi %xor3A_1126, %add3A_1131 : vector<16xi32>
      %select_n3A_1133 = arith.select %lt3A_1129, %add3A_1132, %xor3A_1126 : vector<16xi1>, vector<16xi32>
      %broadcast_in_dim3A_1134 = vector.shape_cast %select_n3A_1133 : vector<16xi32> to vector<16x1xi32>
      %gather3A_1135 = vector.shape_cast %broadcast_in_dim3A_1134 : vector<16x1xi32> to vector<16xi32>
      %gather3A_1136 = tpu.dynamic_gather %add3A_1122[%gather3A_1135] in [0] : vector<16xf32>, vector<16xi32> -> vector<16xf32>
      %add3A_1137 = arith.addf %add3A_1122, %gather3A_1136 : vector<16xf32>
      %iota3A_1138 = tpu.iota {dimensions = array<i32: 0>} : vector<16xi32>
      %xor3A_1139 = arith.constant 2 : i32
      %xor3A_1140 = vector.broadcast %xor3A_1139 : i32 to vector<16xi32>
      %xor3A_1141 = arith.xori %iota3A_1138, %xor3A_1140 : vector<16xi32>
      %lt3A_1142 = arith.constant 0 : i32
      %lt3A_1143 = vector.broadcast %lt3A_1142 : i32 to vector<16xi32>
      %lt3A_1144 = arith.cmpi slt, %xor3A_1141, %lt3A_1143 : vector<16xi32>
      %add3A_1145 = arith.constant 16 : i32
      %add3A_1146 = vector.broadcast %add3A_1145 : i32 to vector<16xi32>
      %add3A_1147 = arith.addi %xor3A_1141, %add3A_1146 : vector<16xi32>
      %select_n3A_1148 = arith.select %lt3A_1144, %add3A_1147, %xor3A_1141 : vector<16xi1>, vector<16xi32>
      %broadcast_in_dim3A_1149 = vector.shape_cast %select_n3A_1148 : vector<16xi32> to vector<16x1xi32>
      %gather3A_1150 = vector.shape_cast %broadcast_in_dim3A_1149 : vector<16x1xi32> to vector<16xi32>
      %gather3A_1151 = tpu.dynamic_gather %add3A_1137[%gather3A_1150] in [0] : vector<16xf32>, vector<16xi32> -> vector<16xf32>
      %add3A_1152 = arith.addf %add3A_1137, %gather3A_1151 : vector<16xf32>
      %iota3A_1153 = tpu.iota {dimensions = array<i32: 0>} : vector<16xi32>
      %xor3A_1154 = arith.constant 1 : i32
      %xor3A_1155 = vector.broadcast %xor3A_1154 : i32 to vector<16xi32>
      %xor3A_1156 = arith.xori %iota3A_1153, %xor3A_1155 : vector<16xi32>
      %lt3A_1157 = arith.constant 0 : i32
      %lt3A_1158 = vector.broadcast %lt3A_1157 : i32 to vector<16xi32>
      %lt3A_1159 = arith.cmpi slt, %xor3A_1156, %lt3A_1158 : vector<16xi32>
      %add3A_1160 = arith.constant 16 : i32
      %add3A_1161 = vector.broadcast %add3A_1160 : i32 to vector<16xi32>
      %add3A_1162 = arith.addi %xor3A_1156, %add3A_1161 : vector<16xi32>
      %select_n3A_1163 = arith.select %lt3A_1159, %add3A_1162, %xor3A_1156 : vector<16xi1>, vector<16xi32>
      %broadcast_in_dim3A_1164 = vector.shape_cast %select_n3A_1163 : vector<16xi32> to vector<16x1xi32>
      %gather3A_1165 = vector.shape_cast %broadcast_in_dim3A_1164 : vector<16x1xi32> to vector<16xi32>
      %gather3A_1166 = tpu.dynamic_gather %add3A_1152[%gather3A_1165] in [0] : vector<16xf32>, vector<16xi32> -> vector<16xf32>
      %add3A_1167 = arith.addf %add3A_1152, %gather3A_1166 : vector<16xf32>
      %select_n3A_1168 = arith.select %eq3A_1107, %add3A_1167, %select_n3A_1046 : vector<16xi1>, vector<16xf32>
      %mul3A_1169 = arith.constant 16 : i32
      %mul3A_1170 = arith.muli %scan3A_198, %mul3A_1169 : i32
      %add3A_1171 = arith.constant 8 : i32
      %add3A_1172 = arith.addi %mul3A_1170, %add3A_1171 : i32
      %broadcast_in_dim3A_1173 = arith.constant 0.000000e+00 : f32
      %broadcast_in_dim3A_1174 = vector.broadcast %broadcast_in_dim3A_1173 : f32 to vector<16xf32>
      %get3A_1175 = arith.index_cast %add3A_1172 : i32 to index
      %get3A_1176 = arith.constant 0 : index
      %get3A_1177 = tpu.vector_load %arg11[%get3A_1175, %get3A_1176] {strides = array<i32>} : memref<512x64xf32, #tpu.memory_space<vmem>>, vector<16xf32>,
      %get3A_1178 = arith.index_cast %add3A_1172 : i32 to index
      %get3A_1179 = arith.constant 0 : index
      %get3A_1180 = tpu.vector_load %arg12[%get3A_1178, %get3A_1179] {strides = array<i32>} : memref<512x64xf32, #tpu.memory_space<vmem>>, vector<16xf32>,
      %add3A_1181 = arith.addf %get3A_1177, %get3A_1180 : vector<16xf32>
      %get3A_1182 = arith.index_cast %add3A_1172 : i32 to index
      %get3A_1183 = arith.constant 0 : index
      %get3A_1184 = tpu.vector_load %arg13[%get3A_1182, %get3A_1183] {strides = array<i32>} : memref<512x64xf32, #tpu.memory_space<vmem>>, vector<16xf32>,
      %sub3A_1185 = arith.subf %add3A_1181, %get3A_1184 : vector<16xf32>
      %mul3A_1186 = arith.mulf %sub3A_1185, %sub3A_1185 : vector<16xf32>
      %add3A_1187 = arith.addf %broadcast_in_dim3A_1174, %mul3A_1186 : vector<16xf32>
      %get3A_1188 = arith.index_cast %add3A_1172 : i32 to index
      %get3A_1189 = arith.constant 16 : index
      %get3A_1190 = tpu.vector_load %arg11[%get3A_1188, %get3A_1189] {strides = array<i32>} : memref<512x64xf32, #tpu.memory_space<vmem>>, vector<16xf32>,
      %get3A_1191 = arith.index_cast %add3A_1172 : i32 to index
      %get3A_1192 = arith.constant 16 : index
      %get3A_1193 = tpu.vector_load %arg12[%get3A_1191, %get3A_1192] {strides = array<i32>} : memref<512x64xf32, #tpu.memory_space<vmem>>, vector<16xf32>,
      %add3A_1194 = arith.addf %get3A_1190, %get3A_1193 : vector<16xf32>
      %get3A_1195 = arith.index_cast %add3A_1172 : i32 to index
      %get3A_1196 = arith.constant 16 : index
      %get3A_1197 = tpu.vector_load %arg13[%get3A_1195, %get3A_1196] {strides = array<i32>} : memref<512x64xf32, #tpu.memory_space<vmem>>, vector<16xf32>,
      %sub3A_1198 = arith.subf %add3A_1194, %get3A_1197 : vector<16xf32>
      %mul3A_1199 = arith.mulf %sub3A_1198, %sub3A_1198 : vector<16xf32>
      %add3A_1200 = arith.addf %add3A_1187, %mul3A_1199 : vector<16xf32>
      %get3A_1201 = arith.index_cast %add3A_1172 : i32 to index
      %get3A_1202 = arith.constant 32 : index
      %get3A_1203 = tpu.vector_load %arg11[%get3A_1201, %get3A_1202] {strides = array<i32>} : memref<512x64xf32, #tpu.memory_space<vmem>>, vector<16xf32>,
      %get3A_1204 = arith.index_cast %add3A_1172 : i32 to index
      %get3A_1205 = arith.constant 32 : index
      %get3A_1206 = tpu.vector_load %arg12[%get3A_1204, %get3A_1205] {strides = array<i32>} : memref<512x64xf32, #tpu.memory_space<vmem>>, vector<16xf32>,
      %add3A_1207 = arith.addf %get3A_1203, %get3A_1206 : vector<16xf32>
      %get3A_1208 = arith.index_cast %add3A_1172 : i32 to index
      %get3A_1209 = arith.constant 32 : index
      %get3A_1210 = tpu.vector_load %arg13[%get3A_1208, %get3A_1209] {strides = array<i32>} : memref<512x64xf32, #tpu.memory_space<vmem>>, vector<16xf32>,
      %sub3A_1211 = arith.subf %add3A_1207, %get3A_1210 : vector<16xf32>
      %mul3A_1212 = arith.mulf %sub3A_1211, %sub3A_1211 : vector<16xf32>
      %add3A_1213 = arith.addf %add3A_1200, %mul3A_1212 : vector<16xf32>
      %get3A_1214 = arith.index_cast %add3A_1172 : i32 to index
      %get3A_1215 = arith.constant 48 : index
      %get3A_1216 = tpu.vector_load %arg11[%get3A_1214, %get3A_1215] {strides = array<i32>} : memref<512x64xf32, #tpu.memory_space<vmem>>, vector<16xf32>,
      %get3A_1217 = arith.index_cast %add3A_1172 : i32 to index
      %get3A_1218 = arith.constant 48 : index
      %get3A_1219 = tpu.vector_load %arg12[%get3A_1217, %get3A_1218] {strides = array<i32>} : memref<512x64xf32, #tpu.memory_space<vmem>>, vector<16xf32>,
      %add3A_1220 = arith.addf %get3A_1216, %get3A_1219 : vector<16xf32>
      %get3A_1221 = arith.index_cast %add3A_1172 : i32 to index
      %get3A_1222 = arith.constant 48 : index
      %get3A_1223 = tpu.vector_load %arg13[%get3A_1221, %get3A_1222] {strides = array<i32>} : memref<512x64xf32, #tpu.memory_space<vmem>>, vector<16xf32>,
      %sub3A_1224 = arith.subf %add3A_1220, %get3A_1223 : vector<16xf32>
      %mul3A_1225 = arith.mulf %sub3A_1224, %sub3A_1224 : vector<16xf32>
      %add3A_1226 = arith.addf %add3A_1213, %mul3A_1225 : vector<16xf32>
      %eq3A_1227 = arith.constant 8 : i32
      %eq3A_1228 = vector.broadcast %eq3A_1227 : i32 to vector<16xi32>
      %eq3A_1229 = arith.cmpi eq, %iota3A, %eq3A_1228 : vector<16xi32>
      %iota3A_1230 = tpu.iota {dimensions = array<i32: 0>} : vector<16xi32>
      %xor3A_1231 = arith.constant 8 : i32
      %xor3A_1232 = vector.broadcast %xor3A_1231 : i32 to vector<16xi32>
      %xor3A_1233 = arith.xori %iota3A_1230, %xor3A_1232 : vector<16xi32>
      %lt3A_1234 = arith.constant 0 : i32
      %lt3A_1235 = vector.broadcast %lt3A_1234 : i32 to vector<16xi32>
      %lt3A_1236 = arith.cmpi slt, %xor3A_1233, %lt3A_1235 : vector<16xi32>
      %add3A_1237 = arith.constant 16 : i32
      %add3A_1238 = vector.broadcast %add3A_1237 : i32 to vector<16xi32>
      %add3A_1239 = arith.addi %xor3A_1233, %add3A_1238 : vector<16xi32>
      %select_n3A_1240 = arith.select %lt3A_1236, %add3A_1239, %xor3A_1233 : vector<16xi1>, vector<16xi32>
      %broadcast_in_dim3A_1241 = vector.shape_cast %select_n3A_1240 : vector<16xi32> to vector<16x1xi32>
      %gather3A_1242 = vector.shape_cast %broadcast_in_dim3A_1241 : vector<16x1xi32> to vector<16xi32>
      %gather3A_1243 = tpu.dynamic_gather %add3A_1226[%gather3A_1242] in [0] : vector<16xf32>, vector<16xi32> -> vector<16xf32>
      %add3A_1244 = arith.addf %add3A_1226, %gather3A_1243 : vector<16xf32>
      %iota3A_1245 = tpu.iota {dimensions = array<i32: 0>} : vector<16xi32>
      %xor3A_1246 = arith.constant 4 : i32
      %xor3A_1247 = vector.broadcast %xor3A_1246 : i32 to vector<16xi32>
      %xor3A_1248 = arith.xori %iota3A_1245, %xor3A_1247 : vector<16xi32>
      %lt3A_1249 = arith.constant 0 : i32
      %lt3A_1250 = vector.broadcast %lt3A_1249 : i32 to vector<16xi32>
      %lt3A_1251 = arith.cmpi slt, %xor3A_1248, %lt3A_1250 : vector<16xi32>
      %add3A_1252 = arith.constant 16 : i32
      %add3A_1253 = vector.broadcast %add3A_1252 : i32 to vector<16xi32>
      %add3A_1254 = arith.addi %xor3A_1248, %add3A_1253 : vector<16xi32>
      %select_n3A_1255 = arith.select %lt3A_1251, %add3A_1254, %xor3A_1248 : vector<16xi1>, vector<16xi32>
      %broadcast_in_dim3A_1256 = vector.shape_cast %select_n3A_1255 : vector<16xi32> to vector<16x1xi32>
      %gather3A_1257 = vector.shape_cast %broadcast_in_dim3A_1256 : vector<16x1xi32> to vector<16xi32>
      %gather3A_1258 = tpu.dynamic_gather %add3A_1244[%gather3A_1257] in [0] : vector<16xf32>, vector<16xi32> -> vector<16xf32>
      %add3A_1259 = arith.addf %add3A_1244, %gather3A_1258 : vector<16xf32>
      %iota3A_1260 = tpu.iota {dimensions = array<i32: 0>} : vector<16xi32>
      %xor3A_1261 = arith.constant 2 : i32
      %xor3A_1262 = vector.broadcast %xor3A_1261 : i32 to vector<16xi32>
      %xor3A_1263 = arith.xori %iota3A_1260, %xor3A_1262 : vector<16xi32>
      %lt3A_1264 = arith.constant 0 : i32
      %lt3A_1265 = vector.broadcast %lt3A_1264 : i32 to vector<16xi32>
      %lt3A_1266 = arith.cmpi slt, %xor3A_1263, %lt3A_1265 : vector<16xi32>
      %add3A_1267 = arith.constant 16 : i32
      %add3A_1268 = vector.broadcast %add3A_1267 : i32 to vector<16xi32>
      %add3A_1269 = arith.addi %xor3A_1263, %add3A_1268 : vector<16xi32>
      %select_n3A_1270 = arith.select %lt3A_1266, %add3A_1269, %xor3A_1263 : vector<16xi1>, vector<16xi32>
      %broadcast_in_dim3A_1271 = vector.shape_cast %select_n3A_1270 : vector<16xi32> to vector<16x1xi32>
      %gather3A_1272 = vector.shape_cast %broadcast_in_dim3A_1271 : vector<16x1xi32> to vector<16xi32>
      %gather3A_1273 = tpu.dynamic_gather %add3A_1259[%gather3A_1272] in [0] : vector<16xf32>, vector<16xi32> -> vector<16xf32>
      %add3A_1274 = arith.addf %add3A_1259, %gather3A_1273 : vector<16xf32>
      %iota3A_1275 = tpu.iota {dimensions = array<i32: 0>} : vector<16xi32>
      %xor3A_1276 = arith.constant 1 : i32
      %xor3A_1277 = vector.broadcast %xor3A_1276 : i32 to vector<16xi32>
      %xor3A_1278 = arith.xori %iota3A_1275, %xor3A_1277 : vector<16xi32>
      %lt3A_1279 = arith.constant 0 : i32
      %lt3A_1280 = vector.broadcast %lt3A_1279 : i32 to vector<16xi32>
      %lt3A_1281 = arith.cmpi slt, %xor3A_1278, %lt3A_1280 : vector<16xi32>
      %add3A_1282 = arith.constant 16 : i32
      %add3A_1283 = vector.broadcast %add3A_1282 : i32 to vector<16xi32>
      %add3A_1284 = arith.addi %xor3A_1278, %add3A_1283 : vector<16xi32>
      %select_n3A_1285 = arith.select %lt3A_1281, %add3A_1284, %xor3A_1278 : vector<16xi1>, vector<16xi32>
      %broadcast_in_dim3A_1286 = vector.shape_cast %select_n3A_1285 : vector<16xi32> to vector<16x1xi32>
      %gather3A_1287 = vector.shape_cast %broadcast_in_dim3A_1286 : vector<16x1xi32> to vector<16xi32>
      %gather3A_1288 = tpu.dynamic_gather %add3A_1274[%gather3A_1287] in [0] : vector<16xf32>, vector<16xi32> -> vector<16xf32>
      %add3A_1289 = arith.addf %add3A_1274, %gather3A_1288 : vector<16xf32>
      %select_n3A_1290 = arith.select %eq3A_1229, %add3A_1289, %select_n3A_1168 : vector<16xi1>, vector<16xf32>
      %mul3A_1291 = arith.constant 16 : i32
      %mul3A_1292 = arith.muli %scan3A_198, %mul3A_1291 : i32
      %add3A_1293 = arith.constant 9 : i32
      %add3A_1294 = arith.addi %mul3A_1292, %add3A_1293 : i32
      %broadcast_in_dim3A_1295 = arith.constant 0.000000e+00 : f32
      %broadcast_in_dim3A_1296 = vector.broadcast %broadcast_in_dim3A_1295 : f32 to vector<16xf32>
      %get3A_1297 = arith.index_cast %add3A_1294 : i32 to index
      %get3A_1298 = arith.constant 0 : index
      %get3A_1299 = tpu.vector_load %arg11[%get3A_1297, %get3A_1298] {strides = array<i32>} : memref<512x64xf32, #tpu.memory_space<vmem>>, vector<16xf32>,
      %get3A_1300 = arith.index_cast %add3A_1294 : i32 to index
      %get3A_1301 = arith.constant 0 : index
      %get3A_1302 = tpu.vector_load %arg12[%get3A_1300, %get3A_1301] {strides = array<i32>} : memref<512x64xf32, #tpu.memory_space<vmem>>, vector<16xf32>,
      %add3A_1303 = arith.addf %get3A_1299, %get3A_1302 : vector<16xf32>
      %get3A_1304 = arith.index_cast %add3A_1294 : i32 to index
      %get3A_1305 = arith.constant 0 : index
      %get3A_1306 = tpu.vector_load %arg13[%get3A_1304, %get3A_1305] {strides = array<i32>} : memref<512x64xf32, #tpu.memory_space<vmem>>, vector<16xf32>,
      %sub3A_1307 = arith.subf %add3A_1303, %get3A_1306 : vector<16xf32>
      %mul3A_1308 = arith.mulf %sub3A_1307, %sub3A_1307 : vector<16xf32>
      %add3A_1309 = arith.addf %broadcast_in_dim3A_1296, %mul3A_1308 : vector<16xf32>
      %get3A_1310 = arith.index_cast %add3A_1294 : i32 to index
      %get3A_1311 = arith.constant 16 : index
      %get3A_1312 = tpu.vector_load %arg11[%get3A_1310, %get3A_1311] {strides = array<i32>} : memref<512x64xf32, #tpu.memory_space<vmem>>, vector<16xf32>,
      %get3A_1313 = arith.index_cast %add3A_1294 : i32 to index
      %get3A_1314 = arith.constant 16 : index
      %get3A_1315 = tpu.vector_load %arg12[%get3A_1313, %get3A_1314] {strides = array<i32>} : memref<512x64xf32, #tpu.memory_space<vmem>>, vector<16xf32>,
      %add3A_1316 = arith.addf %get3A_1312, %get3A_1315 : vector<16xf32>
      %get3A_1317 = arith.index_cast %add3A_1294 : i32 to index
      %get3A_1318 = arith.constant 16 : index
      %get3A_1319 = tpu.vector_load %arg13[%get3A_1317, %get3A_1318] {strides = array<i32>} : memref<512x64xf32, #tpu.memory_space<vmem>>, vector<16xf32>,
      %sub3A_1320 = arith.subf %add3A_1316, %get3A_1319 : vector<16xf32>
      %mul3A_1321 = arith.mulf %sub3A_1320, %sub3A_1320 : vector<16xf32>
      %add3A_1322 = arith.addf %add3A_1309, %mul3A_1321 : vector<16xf32>
      %get3A_1323 = arith.index_cast %add3A_1294 : i32 to index
      %get3A_1324 = arith.constant 32 : index
      %get3A_1325 = tpu.vector_load %arg11[%get3A_1323, %get3A_1324] {strides = array<i32>} : memref<512x64xf32, #tpu.memory_space<vmem>>, vector<16xf32>,
      %get3A_1326 = arith.index_cast %add3A_1294 : i32 to index
      %get3A_1327 = arith.constant 32 : index
      %get3A_1328 = tpu.vector_load %arg12[%get3A_1326, %get3A_1327] {strides = array<i32>} : memref<512x64xf32, #tpu.memory_space<vmem>>, vector<16xf32>,
      %add3A_1329 = arith.addf %get3A_1325, %get3A_1328 : vector<16xf32>
      %get3A_1330 = arith.index_cast %add3A_1294 : i32 to index
      %get3A_1331 = arith.constant 32 : index
      %get3A_1332 = tpu.vector_load %arg13[%get3A_1330, %get3A_1331] {strides = array<i32>} : memref<512x64xf32, #tpu.memory_space<vmem>>, vector<16xf32>,
      %sub3A_1333 = arith.subf %add3A_1329, %get3A_1332 : vector<16xf32>
      %mul3A_1334 = arith.mulf %sub3A_1333, %sub3A_1333 : vector<16xf32>
      %add3A_1335 = arith.addf %add3A_1322, %mul3A_1334 : vector<16xf32>
      %get3A_1336 = arith.index_cast %add3A_1294 : i32 to index
      %get3A_1337 = arith.constant 48 : index
      %get3A_1338 = tpu.vector_load %arg11[%get3A_1336, %get3A_1337] {strides = array<i32>} : memref<512x64xf32, #tpu.memory_space<vmem>>, vector<16xf32>,
      %get3A_1339 = arith.index_cast %add3A_1294 : i32 to index
      %get3A_1340 = arith.constant 48 : index
      %get3A_1341 = tpu.vector_load %arg12[%get3A_1339, %get3A_1340] {strides = array<i32>} : memref<512x64xf32, #tpu.memory_space<vmem>>, vector<16xf32>,
      %add3A_1342 = arith.addf %get3A_1338, %get3A_1341 : vector<16xf32>
      %get3A_1343 = arith.index_cast %add3A_1294 : i32 to index
      %get3A_1344 = arith.constant 48 : index
      %get3A_1345 = tpu.vector_load %arg13[%get3A_1343, %get3A_1344] {strides = array<i32>} : memref<512x64xf32, #tpu.memory_space<vmem>>, vector<16xf32>,
      %sub3A_1346 = arith.subf %add3A_1342, %get3A_1345 : vector<16xf32>
      %mul3A_1347 = arith.mulf %sub3A_1346, %sub3A_1346 : vector<16xf32>
      %add3A_1348 = arith.addf %add3A_1335, %mul3A_1347 : vector<16xf32>
      %eq3A_1349 = arith.constant 9 : i32
      %eq3A_1350 = vector.broadcast %eq3A_1349 : i32 to vector<16xi32>
      %eq3A_1351 = arith.cmpi eq, %iota3A, %eq3A_1350 : vector<16xi32>
      %iota3A_1352 = tpu.iota {dimensions = array<i32: 0>} : vector<16xi32>
      %xor3A_1353 = arith.constant 8 : i32
      %xor3A_1354 = vector.broadcast %xor3A_1353 : i32 to vector<16xi32>
      %xor3A_1355 = arith.xori %iota3A_1352, %xor3A_1354 : vector<16xi32>
      %lt3A_1356 = arith.constant 0 : i32
      %lt3A_1357 = vector.broadcast %lt3A_1356 : i32 to vector<16xi32>
      %lt3A_1358 = arith.cmpi slt, %xor3A_1355, %lt3A_1357 : vector<16xi32>
      %add3A_1359 = arith.constant 16 : i32
      %add3A_1360 = vector.broadcast %add3A_1359 : i32 to vector<16xi32>
      %add3A_1361 = arith.addi %xor3A_1355, %add3A_1360 : vector<16xi32>
      %select_n3A_1362 = arith.select %lt3A_1358, %add3A_1361, %xor3A_1355 : vector<16xi1>, vector<16xi32>
      %broadcast_in_dim3A_1363 = vector.shape_cast %select_n3A_1362 : vector<16xi32> to vector<16x1xi32>
      %gather3A_1364 = vector.shape_cast %broadcast_in_dim3A_1363 : vector<16x1xi32> to vector<16xi32>
      %gather3A_1365 = tpu.dynamic_gather %add3A_1348[%gather3A_1364] in [0] : vector<16xf32>, vector<16xi32> -> vector<16xf32>
      %add3A_1366 = arith.addf %add3A_1348, %gather3A_1365 : vector<16xf32>
      %iota3A_1367 = tpu.iota {dimensions = array<i32: 0>} : vector<16xi32>
      %xor3A_1368 = arith.constant 4 : i32
      %xor3A_1369 = vector.broadcast %xor3A_1368 : i32 to vector<16xi32>
      %xor3A_1370 = arith.xori %iota3A_1367, %xor3A_1369 : vector<16xi32>
      %lt3A_1371 = arith.constant 0 : i32
      %lt3A_1372 = vector.broadcast %lt3A_1371 : i32 to vector<16xi32>
      %lt3A_1373 = arith.cmpi slt, %xor3A_1370, %lt3A_1372 : vector<16xi32>
      %add3A_1374 = arith.constant 16 : i32
      %add3A_1375 = vector.broadcast %add3A_1374 : i32 to vector<16xi32>
      %add3A_1376 = arith.addi %xor3A_1370, %add3A_1375 : vector<16xi32>
      %select_n3A_1377 = arith.select %lt3A_1373, %add3A_1376, %xor3A_1370 : vector<16xi1>, vector<16xi32>
      %broadcast_in_dim3A_1378 = vector.shape_cast %select_n3A_1377 : vector<16xi32> to vector<16x1xi32>
      %gather3A_1379 = vector.shape_cast %broadcast_in_dim3A_1378 : vector<16x1xi32> to vector<16xi32>
      %gather3A_1380 = tpu.dynamic_gather %add3A_1366[%gather3A_1379] in [0] : vector<16xf32>, vector<16xi32> -> vector<16xf32>
      %add3A_1381 = arith.addf %add3A_1366, %gather3A_1380 : vector<16xf32>
      %iota3A_1382 = tpu.iota {dimensions = array<i32: 0>} : vector<16xi32>
      %xor3A_1383 = arith.constant 2 : i32
      %xor3A_1384 = vector.broadcast %xor3A_1383 : i32 to vector<16xi32>
      %xor3A_1385 = arith.xori %iota3A_1382, %xor3A_1384 : vector<16xi32>
      %lt3A_1386 = arith.constant 0 : i32
      %lt3A_1387 = vector.broadcast %lt3A_1386 : i32 to vector<16xi32>
      %lt3A_1388 = arith.cmpi slt, %xor3A_1385, %lt3A_1387 : vector<16xi32>
      %add3A_1389 = arith.constant 16 : i32
      %add3A_1390 = vector.broadcast %add3A_1389 : i32 to vector<16xi32>
      %add3A_1391 = arith.addi %xor3A_1385, %add3A_1390 : vector<16xi32>
      %select_n3A_1392 = arith.select %lt3A_1388, %add3A_1391, %xor3A_1385 : vector<16xi1>, vector<16xi32>
      %broadcast_in_dim3A_1393 = vector.shape_cast %select_n3A_1392 : vector<16xi32> to vector<16x1xi32>
      %gather3A_1394 = vector.shape_cast %broadcast_in_dim3A_1393 : vector<16x1xi32> to vector<16xi32>
      %gather3A_1395 = tpu.dynamic_gather %add3A_1381[%gather3A_1394] in [0] : vector<16xf32>, vector<16xi32> -> vector<16xf32>
      %add3A_1396 = arith.addf %add3A_1381, %gather3A_1395 : vector<16xf32>
      %iota3A_1397 = tpu.iota {dimensions = array<i32: 0>} : vector<16xi32>
      %xor3A_1398 = arith.constant 1 : i32
      %xor3A_1399 = vector.broadcast %xor3A_1398 : i32 to vector<16xi32>
      %xor3A_1400 = arith.xori %iota3A_1397, %xor3A_1399 : vector<16xi32>
      %lt3A_1401 = arith.constant 0 : i32
      %lt3A_1402 = vector.broadcast %lt3A_1401 : i32 to vector<16xi32>
      %lt3A_1403 = arith.cmpi slt, %xor3A_1400, %lt3A_1402 : vector<16xi32>
      %add3A_1404 = arith.constant 16 : i32
      %add3A_1405 = vector.broadcast %add3A_1404 : i32 to vector<16xi32>
      %add3A_1406 = arith.addi %xor3A_1400, %add3A_1405 : vector<16xi32>
      %select_n3A_1407 = arith.select %lt3A_1403, %add3A_1406, %xor3A_1400 : vector<16xi1>, vector<16xi32>
      %broadcast_in_dim3A_1408 = vector.shape_cast %select_n3A_1407 : vector<16xi32> to vector<16x1xi32>
      %gather3A_1409 = vector.shape_cast %broadcast_in_dim3A_1408 : vector<16x1xi32> to vector<16xi32>
      %gather3A_1410 = tpu.dynamic_gather %add3A_1396[%gather3A_1409] in [0] : vector<16xf32>, vector<16xi32> -> vector<16xf32>
      %add3A_1411 = arith.addf %add3A_1396, %gather3A_1410 : vector<16xf32>
      %select_n3A_1412 = arith.select %eq3A_1351, %add3A_1411, %select_n3A_1290 : vector<16xi1>, vector<16xf32>
      %mul3A_1413 = arith.constant 16 : i32
      %mul3A_1414 = arith.muli %scan3A_198, %mul3A_1413 : i32
      %add3A_1415 = arith.constant 10 : i32
      %add3A_1416 = arith.addi %mul3A_1414, %add3A_1415 : i32
      %broadcast_in_dim3A_1417 = arith.constant 0.000000e+00 : f32
      %broadcast_in_dim3A_1418 = vector.broadcast %broadcast_in_dim3A_1417 : f32 to vector<16xf32>
      %get3A_1419 = arith.index_cast %add3A_1416 : i32 to index
      %get3A_1420 = arith.constant 0 : index
      %get3A_1421 = tpu.vector_load %arg11[%get3A_1419, %get3A_1420] {strides = array<i32>} : memref<512x64xf32, #tpu.memory_space<vmem>>, vector<16xf32>,
      %get3A_1422 = arith.index_cast %add3A_1416 : i32 to index
      %get3A_1423 = arith.constant 0 : index
      %get3A_1424 = tpu.vector_load %arg12[%get3A_1422, %get3A_1423] {strides = array<i32>} : memref<512x64xf32, #tpu.memory_space<vmem>>, vector<16xf32>,
      %add3A_1425 = arith.addf %get3A_1421, %get3A_1424 : vector<16xf32>
      %get3A_1426 = arith.index_cast %add3A_1416 : i32 to index
      %get3A_1427 = arith.constant 0 : index
      %get3A_1428 = tpu.vector_load %arg13[%get3A_1426, %get3A_1427] {strides = array<i32>} : memref<512x64xf32, #tpu.memory_space<vmem>>, vector<16xf32>,
      %sub3A_1429 = arith.subf %add3A_1425, %get3A_1428 : vector<16xf32>
      %mul3A_1430 = arith.mulf %sub3A_1429, %sub3A_1429 : vector<16xf32>
      %add3A_1431 = arith.addf %broadcast_in_dim3A_1418, %mul3A_1430 : vector<16xf32>
      %get3A_1432 = arith.index_cast %add3A_1416 : i32 to index
      %get3A_1433 = arith.constant 16 : index
      %get3A_1434 = tpu.vector_load %arg11[%get3A_1432, %get3A_1433] {strides = array<i32>} : memref<512x64xf32, #tpu.memory_space<vmem>>, vector<16xf32>,
      %get3A_1435 = arith.index_cast %add3A_1416 : i32 to index
      %get3A_1436 = arith.constant 16 : index
      %get3A_1437 = tpu.vector_load %arg12[%get3A_1435, %get3A_1436] {strides = array<i32>} : memref<512x64xf32, #tpu.memory_space<vmem>>, vector<16xf32>,
      %add3A_1438 = arith.addf %get3A_1434, %get3A_1437 : vector<16xf32>
      %get3A_1439 = arith.index_cast %add3A_1416 : i32 to index
      %get3A_1440 = arith.constant 16 : index
      %get3A_1441 = tpu.vector_load %arg13[%get3A_1439, %get3A_1440] {strides = array<i32>} : memref<512x64xf32, #tpu.memory_space<vmem>>, vector<16xf32>,
      %sub3A_1442 = arith.subf %add3A_1438, %get3A_1441 : vector<16xf32>
      %mul3A_1443 = arith.mulf %sub3A_1442, %sub3A_1442 : vector<16xf32>
      %add3A_1444 = arith.addf %add3A_1431, %mul3A_1443 : vector<16xf32>
      %get3A_1445 = arith.index_cast %add3A_1416 : i32 to index
      %get3A_1446 = arith.constant 32 : index
      %get3A_1447 = tpu.vector_load %arg11[%get3A_1445, %get3A_1446] {strides = array<i32>} : memref<512x64xf32, #tpu.memory_space<vmem>>, vector<16xf32>,
      %get3A_1448 = arith.index_cast %add3A_1416 : i32 to index
      %get3A_1449 = arith.constant 32 : index
      %get3A_1450 = tpu.vector_load %arg12[%get3A_1448, %get3A_1449] {strides = array<i32>} : memref<512x64xf32, #tpu.memory_space<vmem>>, vector<16xf32>,
      %add3A_1451 = arith.addf %get3A_1447, %get3A_1450 : vector<16xf32>
      %get3A_1452 = arith.index_cast %add3A_1416 : i32 to index
      %get3A_1453 = arith.constant 32 : index
      %get3A_1454 = tpu.vector_load %arg13[%get3A_1452, %get3A_1453] {strides = array<i32>} : memref<512x64xf32, #tpu.memory_space<vmem>>, vector<16xf32>,
      %sub3A_1455 = arith.subf %add3A_1451, %get3A_1454 : vector<16xf32>
      %mul3A_1456 = arith.mulf %sub3A_1455, %sub3A_1455 : vector<16xf32>
      %add3A_1457 = arith.addf %add3A_1444, %mul3A_1456 : vector<16xf32>
      %get3A_1458 = arith.index_cast %add3A_1416 : i32 to index
      %get3A_1459 = arith.constant 48 : index
      %get3A_1460 = tpu.vector_load %arg11[%get3A_1458, %get3A_1459] {strides = array<i32>} : memref<512x64xf32, #tpu.memory_space<vmem>>, vector<16xf32>,
      %get3A_1461 = arith.index_cast %add3A_1416 : i32 to index
      %get3A_1462 = arith.constant 48 : index
      %get3A_1463 = tpu.vector_load %arg12[%get3A_1461, %get3A_1462] {strides = array<i32>} : memref<512x64xf32, #tpu.memory_space<vmem>>, vector<16xf32>,
      %add3A_1464 = arith.addf %get3A_1460, %get3A_1463 : vector<16xf32>
      %get3A_1465 = arith.index_cast %add3A_1416 : i32 to index
      %get3A_1466 = arith.constant 48 : index
      %get3A_1467 = tpu.vector_load %arg13[%get3A_1465, %get3A_1466] {strides = array<i32>} : memref<512x64xf32, #tpu.memory_space<vmem>>, vector<16xf32>,
      %sub3A_1468 = arith.subf %add3A_1464, %get3A_1467 : vector<16xf32>
      %mul3A_1469 = arith.mulf %sub3A_1468, %sub3A_1468 : vector<16xf32>
      %add3A_1470 = arith.addf %add3A_1457, %mul3A_1469 : vector<16xf32>
      %eq3A_1471 = arith.constant 10 : i32
      %eq3A_1472 = vector.broadcast %eq3A_1471 : i32 to vector<16xi32>
      %eq3A_1473 = arith.cmpi eq, %iota3A, %eq3A_1472 : vector<16xi32>
      %iota3A_1474 = tpu.iota {dimensions = array<i32: 0>} : vector<16xi32>
      %xor3A_1475 = arith.constant 8 : i32
      %xor3A_1476 = vector.broadcast %xor3A_1475 : i32 to vector<16xi32>
      %xor3A_1477 = arith.xori %iota3A_1474, %xor3A_1476 : vector<16xi32>
      %lt3A_1478 = arith.constant 0 : i32
      %lt3A_1479 = vector.broadcast %lt3A_1478 : i32 to vector<16xi32>
      %lt3A_1480 = arith.cmpi slt, %xor3A_1477, %lt3A_1479 : vector<16xi32>
      %add3A_1481 = arith.constant 16 : i32
      %add3A_1482 = vector.broadcast %add3A_1481 : i32 to vector<16xi32>
      %add3A_1483 = arith.addi %xor3A_1477, %add3A_1482 : vector<16xi32>
      %select_n3A_1484 = arith.select %lt3A_1480, %add3A_1483, %xor3A_1477 : vector<16xi1>, vector<16xi32>
      %broadcast_in_dim3A_1485 = vector.shape_cast %select_n3A_1484 : vector<16xi32> to vector<16x1xi32>
      %gather3A_1486 = vector.shape_cast %broadcast_in_dim3A_1485 : vector<16x1xi32> to vector<16xi32>
      %gather3A_1487 = tpu.dynamic_gather %add3A_1470[%gather3A_1486] in [0] : vector<16xf32>, vector<16xi32> -> vector<16xf32>
      %add3A_1488 = arith.addf %add3A_1470, %gather3A_1487 : vector<16xf32>
      %iota3A_1489 = tpu.iota {dimensions = array<i32: 0>} : vector<16xi32>
      %xor3A_1490 = arith.constant 4 : i32
      %xor3A_1491 = vector.broadcast %xor3A_1490 : i32 to vector<16xi32>
      %xor3A_1492 = arith.xori %iota3A_1489, %xor3A_1491 : vector<16xi32>
      %lt3A_1493 = arith.constant 0 : i32
      %lt3A_1494 = vector.broadcast %lt3A_1493 : i32 to vector<16xi32>
      %lt3A_1495 = arith.cmpi slt, %xor3A_1492, %lt3A_1494 : vector<16xi32>
      %add3A_1496 = arith.constant 16 : i32
      %add3A_1497 = vector.broadcast %add3A_1496 : i32 to vector<16xi32>
      %add3A_1498 = arith.addi %xor3A_1492, %add3A_1497 : vector<16xi32>
      %select_n3A_1499 = arith.select %lt3A_1495, %add3A_1498, %xor3A_1492 : vector<16xi1>, vector<16xi32>
      %broadcast_in_dim3A_1500 = vector.shape_cast %select_n3A_1499 : vector<16xi32> to vector<16x1xi32>
      %gather3A_1501 = vector.shape_cast %broadcast_in_dim3A_1500 : vector<16x1xi32> to vector<16xi32>
      %gather3A_1502 = tpu.dynamic_gather %add3A_1488[%gather3A_1501] in [0] : vector<16xf32>, vector<16xi32> -> vector<16xf32>
      %add3A_1503 = arith.addf %add3A_1488, %gather3A_1502 : vector<16xf32>
      %iota3A_1504 = tpu.iota {dimensions = array<i32: 0>} : vector<16xi32>
      %xor3A_1505 = arith.constant 2 : i32
      %xor3A_1506 = vector.broadcast %xor3A_1505 : i32 to vector<16xi32>
      %xor3A_1507 = arith.xori %iota3A_1504, %xor3A_1506 : vector<16xi32>
      %lt3A_1508 = arith.constant 0 : i32
      %lt3A_1509 = vector.broadcast %lt3A_1508 : i32 to vector<16xi32>
      %lt3A_1510 = arith.cmpi slt, %xor3A_1507, %lt3A_1509 : vector<16xi32>
      %add3A_1511 = arith.constant 16 : i32
      %add3A_1512 = vector.broadcast %add3A_1511 : i32 to vector<16xi32>
      %add3A_1513 = arith.addi %xor3A_1507, %add3A_1512 : vector<16xi32>
      %select_n3A_1514 = arith.select %lt3A_1510, %add3A_1513, %xor3A_1507 : vector<16xi1>, vector<16xi32>
      %broadcast_in_dim3A_1515 = vector.shape_cast %select_n3A_1514 : vector<16xi32> to vector<16x1xi32>
      %gather3A_1516 = vector.shape_cast %broadcast_in_dim3A_1515 : vector<16x1xi32> to vector<16xi32>
      %gather3A_1517 = tpu.dynamic_gather %add3A_1503[%gather3A_1516] in [0] : vector<16xf32>, vector<16xi32> -> vector<16xf32>
      %add3A_1518 = arith.addf %add3A_1503, %gather3A_1517 : vector<16xf32>
      %iota3A_1519 = tpu.iota {dimensions = array<i32: 0>} : vector<16xi32>
      %xor3A_1520 = arith.constant 1 : i32
      %xor3A_1521 = vector.broadcast %xor3A_1520 : i32 to vector<16xi32>
      %xor3A_1522 = arith.xori %iota3A_1519, %xor3A_1521 : vector<16xi32>
      %lt3A_1523 = arith.constant 0 : i32
      %lt3A_1524 = vector.broadcast %lt3A_1523 : i32 to vector<16xi32>
      %lt3A_1525 = arith.cmpi slt, %xor3A_1522, %lt3A_1524 : vector<16xi32>
      %add3A_1526 = arith.constant 16 : i32
      %add3A_1527 = vector.broadcast %add3A_1526 : i32 to vector<16xi32>
      %add3A_1528 = arith.addi %xor3A_1522, %add3A_1527 : vector<16xi32>
      %select_n3A_1529 = arith.select %lt3A_1525, %add3A_1528, %xor3A_1522 : vector<16xi1>, vector<16xi32>
      %broadcast_in_dim3A_1530 = vector.shape_cast %select_n3A_1529 : vector<16xi32> to vector<16x1xi32>
      %gather3A_1531 = vector.shape_cast %broadcast_in_dim3A_1530 : vector<16x1xi32> to vector<16xi32>
      %gather3A_1532 = tpu.dynamic_gather %add3A_1518[%gather3A_1531] in [0] : vector<16xf32>, vector<16xi32> -> vector<16xf32>
      %add3A_1533 = arith.addf %add3A_1518, %gather3A_1532 : vector<16xf32>
      %select_n3A_1534 = arith.select %eq3A_1473, %add3A_1533, %select_n3A_1412 : vector<16xi1>, vector<16xf32>
      %mul3A_1535 = arith.constant 16 : i32
      %mul3A_1536 = arith.muli %scan3A_198, %mul3A_1535 : i32
      %add3A_1537 = arith.constant 11 : i32
      %add3A_1538 = arith.addi %mul3A_1536, %add3A_1537 : i32
      %broadcast_in_dim3A_1539 = arith.constant 0.000000e+00 : f32
      %broadcast_in_dim3A_1540 = vector.broadcast %broadcast_in_dim3A_1539 : f32 to vector<16xf32>
      %get3A_1541 = arith.index_cast %add3A_1538 : i32 to index
      %get3A_1542 = arith.constant 0 : index
      %get3A_1543 = tpu.vector_load %arg11[%get3A_1541, %get3A_1542] {strides = array<i32>} : memref<512x64xf32, #tpu.memory_space<vmem>>, vector<16xf32>,
      %get3A_1544 = arith.index_cast %add3A_1538 : i32 to index
      %get3A_1545 = arith.constant 0 : index
      %get3A_1546 = tpu.vector_load %arg12[%get3A_1544, %get3A_1545] {strides = array<i32>} : memref<512x64xf32, #tpu.memory_space<vmem>>, vector<16xf32>,
      %add3A_1547 = arith.addf %get3A_1543, %get3A_1546 : vector<16xf32>
      %get3A_1548 = arith.index_cast %add3A_1538 : i32 to index
      %get3A_1549 = arith.constant 0 : index
      %get3A_1550 = tpu.vector_load %arg13[%get3A_1548, %get3A_1549] {strides = array<i32>} : memref<512x64xf32, #tpu.memory_space<vmem>>, vector<16xf32>,
      %sub3A_1551 = arith.subf %add3A_1547, %get3A_1550 : vector<16xf32>
      %mul3A_1552 = arith.mulf %sub3A_1551, %sub3A_1551 : vector<16xf32>
      %add3A_1553 = arith.addf %broadcast_in_dim3A_1540, %mul3A_1552 : vector<16xf32>
      %get3A_1554 = arith.index_cast %add3A_1538 : i32 to index
      %get3A_1555 = arith.constant 16 : index
      %get3A_1556 = tpu.vector_load %arg11[%get3A_1554, %get3A_1555] {strides = array<i32>} : memref<512x64xf32, #tpu.memory_space<vmem>>, vector<16xf32>,
      %get3A_1557 = arith.index_cast %add3A_1538 : i32 to index
      %get3A_1558 = arith.constant 16 : index
      %get3A_1559 = tpu.vector_load %arg12[%get3A_1557, %get3A_1558] {strides = array<i32>} : memref<512x64xf32, #tpu.memory_space<vmem>>, vector<16xf32>,
      %add3A_1560 = arith.addf %get3A_1556, %get3A_1559 : vector<16xf32>
      %get3A_1561 = arith.index_cast %add3A_1538 : i32 to index
      %get3A_1562 = arith.constant 16 : index
      %get3A_1563 = tpu.vector_load %arg13[%get3A_1561, %get3A_1562] {strides = array<i32>} : memref<512x64xf32, #tpu.memory_space<vmem>>, vector<16xf32>,
      %sub3A_1564 = arith.subf %add3A_1560, %get3A_1563 : vector<16xf32>
      %mul3A_1565 = arith.mulf %sub3A_1564, %sub3A_1564 : vector<16xf32>
      %add3A_1566 = arith.addf %add3A_1553, %mul3A_1565 : vector<16xf32>
      %get3A_1567 = arith.index_cast %add3A_1538 : i32 to index
      %get3A_1568 = arith.constant 32 : index
      %get3A_1569 = tpu.vector_load %arg11[%get3A_1567, %get3A_1568] {strides = array<i32>} : memref<512x64xf32, #tpu.memory_space<vmem>>, vector<16xf32>,
      %get3A_1570 = arith.index_cast %add3A_1538 : i32 to index
      %get3A_1571 = arith.constant 32 : index
      %get3A_1572 = tpu.vector_load %arg12[%get3A_1570, %get3A_1571] {strides = array<i32>} : memref<512x64xf32, #tpu.memory_space<vmem>>, vector<16xf32>,
      %add3A_1573 = arith.addf %get3A_1569, %get3A_1572 : vector<16xf32>
      %get3A_1574 = arith.index_cast %add3A_1538 : i32 to index
      %get3A_1575 = arith.constant 32 : index
      %get3A_1576 = tpu.vector_load %arg13[%get3A_1574, %get3A_1575] {strides = array<i32>} : memref<512x64xf32, #tpu.memory_space<vmem>>, vector<16xf32>,
      %sub3A_1577 = arith.subf %add3A_1573, %get3A_1576 : vector<16xf32>
      %mul3A_1578 = arith.mulf %sub3A_1577, %sub3A_1577 : vector<16xf32>
      %add3A_1579 = arith.addf %add3A_1566, %mul3A_1578 : vector<16xf32>
      %get3A_1580 = arith.index_cast %add3A_1538 : i32 to index
      %get3A_1581 = arith.constant 48 : index
      %get3A_1582 = tpu.vector_load %arg11[%get3A_1580, %get3A_1581] {strides = array<i32>} : memref<512x64xf32, #tpu.memory_space<vmem>>, vector<16xf32>,
      %get3A_1583 = arith.index_cast %add3A_1538 : i32 to index
      %get3A_1584 = arith.constant 48 : index
      %get3A_1585 = tpu.vector_load %arg12[%get3A_1583, %get3A_1584] {strides = array<i32>} : memref<512x64xf32, #tpu.memory_space<vmem>>, vector<16xf32>,
      %add3A_1586 = arith.addf %get3A_1582, %get3A_1585 : vector<16xf32>
      %get3A_1587 = arith.index_cast %add3A_1538 : i32 to index
      %get3A_1588 = arith.constant 48 : index
      %get3A_1589 = tpu.vector_load %arg13[%get3A_1587, %get3A_1588] {strides = array<i32>} : memref<512x64xf32, #tpu.memory_space<vmem>>, vector<16xf32>,
      %sub3A_1590 = arith.subf %add3A_1586, %get3A_1589 : vector<16xf32>
      %mul3A_1591 = arith.mulf %sub3A_1590, %sub3A_1590 : vector<16xf32>
      %add3A_1592 = arith.addf %add3A_1579, %mul3A_1591 : vector<16xf32>
      %eq3A_1593 = arith.constant 11 : i32
      %eq3A_1594 = vector.broadcast %eq3A_1593 : i32 to vector<16xi32>
      %eq3A_1595 = arith.cmpi eq, %iota3A, %eq3A_1594 : vector<16xi32>
      %iota3A_1596 = tpu.iota {dimensions = array<i32: 0>} : vector<16xi32>
      %xor3A_1597 = arith.constant 8 : i32
      %xor3A_1598 = vector.broadcast %xor3A_1597 : i32 to vector<16xi32>
      %xor3A_1599 = arith.xori %iota3A_1596, %xor3A_1598 : vector<16xi32>
      %lt3A_1600 = arith.constant 0 : i32
      %lt3A_1601 = vector.broadcast %lt3A_1600 : i32 to vector<16xi32>
      %lt3A_1602 = arith.cmpi slt, %xor3A_1599, %lt3A_1601 : vector<16xi32>
      %add3A_1603 = arith.constant 16 : i32
      %add3A_1604 = vector.broadcast %add3A_1603 : i32 to vector<16xi32>
      %add3A_1605 = arith.addi %xor3A_1599, %add3A_1604 : vector<16xi32>
      %select_n3A_1606 = arith.select %lt3A_1602, %add3A_1605, %xor3A_1599 : vector<16xi1>, vector<16xi32>
      %broadcast_in_dim3A_1607 = vector.shape_cast %select_n3A_1606 : vector<16xi32> to vector<16x1xi32>
      %gather3A_1608 = vector.shape_cast %broadcast_in_dim3A_1607 : vector<16x1xi32> to vector<16xi32>
      %gather3A_1609 = tpu.dynamic_gather %add3A_1592[%gather3A_1608] in [0] : vector<16xf32>, vector<16xi32> -> vector<16xf32>
      %add3A_1610 = arith.addf %add3A_1592, %gather3A_1609 : vector<16xf32>
      %iota3A_1611 = tpu.iota {dimensions = array<i32: 0>} : vector<16xi32>
      %xor3A_1612 = arith.constant 4 : i32
      %xor3A_1613 = vector.broadcast %xor3A_1612 : i32 to vector<16xi32>
      %xor3A_1614 = arith.xori %iota3A_1611, %xor3A_1613 : vector<16xi32>
      %lt3A_1615 = arith.constant 0 : i32
      %lt3A_1616 = vector.broadcast %lt3A_1615 : i32 to vector<16xi32>
      %lt3A_1617 = arith.cmpi slt, %xor3A_1614, %lt3A_1616 : vector<16xi32>
      %add3A_1618 = arith.constant 16 : i32
      %add3A_1619 = vector.broadcast %add3A_1618 : i32 to vector<16xi32>
      %add3A_1620 = arith.addi %xor3A_1614, %add3A_1619 : vector<16xi32>
      %select_n3A_1621 = arith.select %lt3A_1617, %add3A_1620, %xor3A_1614 : vector<16xi1>, vector<16xi32>
      %broadcast_in_dim3A_1622 = vector.shape_cast %select_n3A_1621 : vector<16xi32> to vector<16x1xi32>
      %gather3A_1623 = vector.shape_cast %broadcast_in_dim3A_1622 : vector<16x1xi32> to vector<16xi32>
      %gather3A_1624 = tpu.dynamic_gather %add3A_1610[%gather3A_1623] in [0] : vector<16xf32>, vector<16xi32> -> vector<16xf32>
      %add3A_1625 = arith.addf %add3A_1610, %gather3A_1624 : vector<16xf32>
      %iota3A_1626 = tpu.iota {dimensions = array<i32: 0>} : vector<16xi32>
      %xor3A_1627 = arith.constant 2 : i32
      %xor3A_1628 = vector.broadcast %xor3A_1627 : i32 to vector<16xi32>
      %xor3A_1629 = arith.xori %iota3A_1626, %xor3A_1628 : vector<16xi32>
      %lt3A_1630 = arith.constant 0 : i32
      %lt3A_1631 = vector.broadcast %lt3A_1630 : i32 to vector<16xi32>
      %lt3A_1632 = arith.cmpi slt, %xor3A_1629, %lt3A_1631 : vector<16xi32>
      %add3A_1633 = arith.constant 16 : i32
      %add3A_1634 = vector.broadcast %add3A_1633 : i32 to vector<16xi32>
      %add3A_1635 = arith.addi %xor3A_1629, %add3A_1634 : vector<16xi32>
      %select_n3A_1636 = arith.select %lt3A_1632, %add3A_1635, %xor3A_1629 : vector<16xi1>, vector<16xi32>
      %broadcast_in_dim3A_1637 = vector.shape_cast %select_n3A_1636 : vector<16xi32> to vector<16x1xi32>
      %gather3A_1638 = vector.shape_cast %broadcast_in_dim3A_1637 : vector<16x1xi32> to vector<16xi32>
      %gather3A_1639 = tpu.dynamic_gather %add3A_1625[%gather3A_1638] in [0] : vector<16xf32>, vector<16xi32> -> vector<16xf32>
      %add3A_1640 = arith.addf %add3A_1625, %gather3A_1639 : vector<16xf32>
      %iota3A_1641 = tpu.iota {dimensions = array<i32: 0>} : vector<16xi32>
      %xor3A_1642 = arith.constant 1 : i32
      %xor3A_1643 = vector.broadcast %xor3A_1642 : i32 to vector<16xi32>
      %xor3A_1644 = arith.xori %iota3A_1641, %xor3A_1643 : vector<16xi32>
      %lt3A_1645 = arith.constant 0 : i32
      %lt3A_1646 = vector.broadcast %lt3A_1645 : i32 to vector<16xi32>
      %lt3A_1647 = arith.cmpi slt, %xor3A_1644, %lt3A_1646 : vector<16xi32>
      %add3A_1648 = arith.constant 16 : i32
      %add3A_1649 = vector.broadcast %add3A_1648 : i32 to vector<16xi32>
      %add3A_1650 = arith.addi %xor3A_1644, %add3A_1649 : vector<16xi32>
      %select_n3A_1651 = arith.select %lt3A_1647, %add3A_1650, %xor3A_1644 : vector<16xi1>, vector<16xi32>
      %broadcast_in_dim3A_1652 = vector.shape_cast %select_n3A_1651 : vector<16xi32> to vector<16x1xi32>
      %gather3A_1653 = vector.shape_cast %broadcast_in_dim3A_1652 : vector<16x1xi32> to vector<16xi32>
      %gather3A_1654 = tpu.dynamic_gather %add3A_1640[%gather3A_1653] in [0] : vector<16xf32>, vector<16xi32> -> vector<16xf32>
      %add3A_1655 = arith.addf %add3A_1640, %gather3A_1654 : vector<16xf32>
      %select_n3A_1656 = arith.select %eq3A_1595, %add3A_1655, %select_n3A_1534 : vector<16xi1>, vector<16xf32>
      %mul3A_1657 = arith.constant 16 : i32
      %mul3A_1658 = arith.muli %scan3A_198, %mul3A_1657 : i32
      %add3A_1659 = arith.constant 12 : i32
      %add3A_1660 = arith.addi %mul3A_1658, %add3A_1659 : i32
      %broadcast_in_dim3A_1661 = arith.constant 0.000000e+00 : f32
      %broadcast_in_dim3A_1662 = vector.broadcast %broadcast_in_dim3A_1661 : f32 to vector<16xf32>
      %get3A_1663 = arith.index_cast %add3A_1660 : i32 to index
      %get3A_1664 = arith.constant 0 : index
      %get3A_1665 = tpu.vector_load %arg11[%get3A_1663, %get3A_1664] {strides = array<i32>} : memref<512x64xf32, #tpu.memory_space<vmem>>, vector<16xf32>,
      %get3A_1666 = arith.index_cast %add3A_1660 : i32 to index
      %get3A_1667 = arith.constant 0 : index
      %get3A_1668 = tpu.vector_load %arg12[%get3A_1666, %get3A_1667] {strides = array<i32>} : memref<512x64xf32, #tpu.memory_space<vmem>>, vector<16xf32>,
      %add3A_1669 = arith.addf %get3A_1665, %get3A_1668 : vector<16xf32>
      %get3A_1670 = arith.index_cast %add3A_1660 : i32 to index
      %get3A_1671 = arith.constant 0 : index
      %get3A_1672 = tpu.vector_load %arg13[%get3A_1670, %get3A_1671] {strides = array<i32>} : memref<512x64xf32, #tpu.memory_space<vmem>>, vector<16xf32>,
      %sub3A_1673 = arith.subf %add3A_1669, %get3A_1672 : vector<16xf32>
      %mul3A_1674 = arith.mulf %sub3A_1673, %sub3A_1673 : vector<16xf32>
      %add3A_1675 = arith.addf %broadcast_in_dim3A_1662, %mul3A_1674 : vector<16xf32>
      %get3A_1676 = arith.index_cast %add3A_1660 : i32 to index
      %get3A_1677 = arith.constant 16 : index
      %get3A_1678 = tpu.vector_load %arg11[%get3A_1676, %get3A_1677] {strides = array<i32>} : memref<512x64xf32, #tpu.memory_space<vmem>>, vector<16xf32>,
      %get3A_1679 = arith.index_cast %add3A_1660 : i32 to index
      %get3A_1680 = arith.constant 16 : index
      %get3A_1681 = tpu.vector_load %arg12[%get3A_1679, %get3A_1680] {strides = array<i32>} : memref<512x64xf32, #tpu.memory_space<vmem>>, vector<16xf32>,
      %add3A_1682 = arith.addf %get3A_1678, %get3A_1681 : vector<16xf32>
      %get3A_1683 = arith.index_cast %add3A_1660 : i32 to index
      %get3A_1684 = arith.constant 16 : index
      %get3A_1685 = tpu.vector_load %arg13[%get3A_1683, %get3A_1684] {strides = array<i32>} : memref<512x64xf32, #tpu.memory_space<vmem>>, vector<16xf32>,
      %sub3A_1686 = arith.subf %add3A_1682, %get3A_1685 : vector<16xf32>
      %mul3A_1687 = arith.mulf %sub3A_1686, %sub3A_1686 : vector<16xf32>
      %add3A_1688 = arith.addf %add3A_1675, %mul3A_1687 : vector<16xf32>
      %get3A_1689 = arith.index_cast %add3A_1660 : i32 to index
      %get3A_1690 = arith.constant 32 : index
      %get3A_1691 = tpu.vector_load %arg11[%get3A_1689, %get3A_1690] {strides = array<i32>} : memref<512x64xf32, #tpu.memory_space<vmem>>, vector<16xf32>,
      %get3A_1692 = arith.index_cast %add3A_1660 : i32 to index
      %get3A_1693 = arith.constant 32 : index
      %get3A_1694 = tpu.vector_load %arg12[%get3A_1692, %get3A_1693] {strides = array<i32>} : memref<512x64xf32, #tpu.memory_space<vmem>>, vector<16xf32>,
      %add3A_1695 = arith.addf %get3A_1691, %get3A_1694 : vector<16xf32>
      %get3A_1696 = arith.index_cast %add3A_1660 : i32 to index
      %get3A_1697 = arith.constant 32 : index
      %get3A_1698 = tpu.vector_load %arg13[%get3A_1696, %get3A_1697] {strides = array<i32>} : memref<512x64xf32, #tpu.memory_space<vmem>>, vector<16xf32>,
      %sub3A_1699 = arith.subf %add3A_1695, %get3A_1698 : vector<16xf32>
      %mul3A_1700 = arith.mulf %sub3A_1699, %sub3A_1699 : vector<16xf32>
      %add3A_1701 = arith.addf %add3A_1688, %mul3A_1700 : vector<16xf32>
      %get3A_1702 = arith.index_cast %add3A_1660 : i32 to index
      %get3A_1703 = arith.constant 48 : index
      %get3A_1704 = tpu.vector_load %arg11[%get3A_1702, %get3A_1703] {strides = array<i32>} : memref<512x64xf32, #tpu.memory_space<vmem>>, vector<16xf32>,
      %get3A_1705 = arith.index_cast %add3A_1660 : i32 to index
      %get3A_1706 = arith.constant 48 : index
      %get3A_1707 = tpu.vector_load %arg12[%get3A_1705, %get3A_1706] {strides = array<i32>} : memref<512x64xf32, #tpu.memory_space<vmem>>, vector<16xf32>,
      %add3A_1708 = arith.addf %get3A_1704, %get3A_1707 : vector<16xf32>
      %get3A_1709 = arith.index_cast %add3A_1660 : i32 to index
      %get3A_1710 = arith.constant 48 : index
      %get3A_1711 = tpu.vector_load %arg13[%get3A_1709, %get3A_1710] {strides = array<i32>} : memref<512x64xf32, #tpu.memory_space<vmem>>, vector<16xf32>,
      %sub3A_1712 = arith.subf %add3A_1708, %get3A_1711 : vector<16xf32>
      %mul3A_1713 = arith.mulf %sub3A_1712, %sub3A_1712 : vector<16xf32>
      %add3A_1714 = arith.addf %add3A_1701, %mul3A_1713 : vector<16xf32>
      %eq3A_1715 = arith.constant 12 : i32
      %eq3A_1716 = vector.broadcast %eq3A_1715 : i32 to vector<16xi32>
      %eq3A_1717 = arith.cmpi eq, %iota3A, %eq3A_1716 : vector<16xi32>
      %iota3A_1718 = tpu.iota {dimensions = array<i32: 0>} : vector<16xi32>
      %xor3A_1719 = arith.constant 8 : i32
      %xor3A_1720 = vector.broadcast %xor3A_1719 : i32 to vector<16xi32>
      %xor3A_1721 = arith.xori %iota3A_1718, %xor3A_1720 : vector<16xi32>
      %lt3A_1722 = arith.constant 0 : i32
      %lt3A_1723 = vector.broadcast %lt3A_1722 : i32 to vector<16xi32>
      %lt3A_1724 = arith.cmpi slt, %xor3A_1721, %lt3A_1723 : vector<16xi32>
      %add3A_1725 = arith.constant 16 : i32
      %add3A_1726 = vector.broadcast %add3A_1725 : i32 to vector<16xi32>
      %add3A_1727 = arith.addi %xor3A_1721, %add3A_1726 : vector<16xi32>
      %select_n3A_1728 = arith.select %lt3A_1724, %add3A_1727, %xor3A_1721 : vector<16xi1>, vector<16xi32>
      %broadcast_in_dim3A_1729 = vector.shape_cast %select_n3A_1728 : vector<16xi32> to vector<16x1xi32>
      %gather3A_1730 = vector.shape_cast %broadcast_in_dim3A_1729 : vector<16x1xi32> to vector<16xi32>
      %gather3A_1731 = tpu.dynamic_gather %add3A_1714[%gather3A_1730] in [0] : vector<16xf32>, vector<16xi32> -> vector<16xf32>
      %add3A_1732 = arith.addf %add3A_1714, %gather3A_1731 : vector<16xf32>
      %iota3A_1733 = tpu.iota {dimensions = array<i32: 0>} : vector<16xi32>
      %xor3A_1734 = arith.constant 4 : i32
      %xor3A_1735 = vector.broadcast %xor3A_1734 : i32 to vector<16xi32>
      %xor3A_1736 = arith.xori %iota3A_1733, %xor3A_1735 : vector<16xi32>
      %lt3A_1737 = arith.constant 0 : i32
      %lt3A_1738 = vector.broadcast %lt3A_1737 : i32 to vector<16xi32>
      %lt3A_1739 = arith.cmpi slt, %xor3A_1736, %lt3A_1738 : vector<16xi32>
      %add3A_1740 = arith.constant 16 : i32
      %add3A_1741 = vector.broadcast %add3A_1740 : i32 to vector<16xi32>
      %add3A_1742 = arith.addi %xor3A_1736, %add3A_1741 : vector<16xi32>
      %select_n3A_1743 = arith.select %lt3A_1739, %add3A_1742, %xor3A_1736 : vector<16xi1>, vector<16xi32>
      %broadcast_in_dim3A_1744 = vector.shape_cast %select_n3A_1743 : vector<16xi32> to vector<16x1xi32>
      %gather3A_1745 = vector.shape_cast %broadcast_in_dim3A_1744 : vector<16x1xi32> to vector<16xi32>
      %gather3A_1746 = tpu.dynamic_gather %add3A_1732[%gather3A_1745] in [0] : vector<16xf32>, vector<16xi32> -> vector<16xf32>
      %add3A_1747 = arith.addf %add3A_1732, %gather3A_1746 : vector<16xf32>
      %iota3A_1748 = tpu.iota {dimensions = array<i32: 0>} : vector<16xi32>
      %xor3A_1749 = arith.constant 2 : i32
      %xor3A_1750 = vector.broadcast %xor3A_1749 : i32 to vector<16xi32>
      %xor3A_1751 = arith.xori %iota3A_1748, %xor3A_1750 : vector<16xi32>
      %lt3A_1752 = arith.constant 0 : i32
      %lt3A_1753 = vector.broadcast %lt3A_1752 : i32 to vector<16xi32>
      %lt3A_1754 = arith.cmpi slt, %xor3A_1751, %lt3A_1753 : vector<16xi32>
      %add3A_1755 = arith.constant 16 : i32
      %add3A_1756 = vector.broadcast %add3A_1755 : i32 to vector<16xi32>
      %add3A_1757 = arith.addi %xor3A_1751, %add3A_1756 : vector<16xi32>
      %select_n3A_1758 = arith.select %lt3A_1754, %add3A_1757, %xor3A_1751 : vector<16xi1>, vector<16xi32>
      %broadcast_in_dim3A_1759 = vector.shape_cast %select_n3A_1758 : vector<16xi32> to vector<16x1xi32>
      %gather3A_1760 = vector.shape_cast %broadcast_in_dim3A_1759 : vector<16x1xi32> to vector<16xi32>
      %gather3A_1761 = tpu.dynamic_gather %add3A_1747[%gather3A_1760] in [0] : vector<16xf32>, vector<16xi32> -> vector<16xf32>
      %add3A_1762 = arith.addf %add3A_1747, %gather3A_1761 : vector<16xf32>
      %iota3A_1763 = tpu.iota {dimensions = array<i32: 0>} : vector<16xi32>
      %xor3A_1764 = arith.constant 1 : i32
      %xor3A_1765 = vector.broadcast %xor3A_1764 : i32 to vector<16xi32>
      %xor3A_1766 = arith.xori %iota3A_1763, %xor3A_1765 : vector<16xi32>
      %lt3A_1767 = arith.constant 0 : i32
      %lt3A_1768 = vector.broadcast %lt3A_1767 : i32 to vector<16xi32>
      %lt3A_1769 = arith.cmpi slt, %xor3A_1766, %lt3A_1768 : vector<16xi32>
      %add3A_1770 = arith.constant 16 : i32
      %add3A_1771 = vector.broadcast %add3A_1770 : i32 to vector<16xi32>
      %add3A_1772 = arith.addi %xor3A_1766, %add3A_1771 : vector<16xi32>
      %select_n3A_1773 = arith.select %lt3A_1769, %add3A_1772, %xor3A_1766 : vector<16xi1>, vector<16xi32>
      %broadcast_in_dim3A_1774 = vector.shape_cast %select_n3A_1773 : vector<16xi32> to vector<16x1xi32>
      %gather3A_1775 = vector.shape_cast %broadcast_in_dim3A_1774 : vector<16x1xi32> to vector<16xi32>
      %gather3A_1776 = tpu.dynamic_gather %add3A_1762[%gather3A_1775] in [0] : vector<16xf32>, vector<16xi32> -> vector<16xf32>
      %add3A_1777 = arith.addf %add3A_1762, %gather3A_1776 : vector<16xf32>
      %select_n3A_1778 = arith.select %eq3A_1717, %add3A_1777, %select_n3A_1656 : vector<16xi1>, vector<16xf32>
      %mul3A_1779 = arith.constant 16 : i32
      %mul3A_1780 = arith.muli %scan3A_198, %mul3A_1779 : i32
      %add3A_1781 = arith.constant 13 : i32
      %add3A_1782 = arith.addi %mul3A_1780, %add3A_1781 : i32
      %broadcast_in_dim3A_1783 = arith.constant 0.000000e+00 : f32
      %broadcast_in_dim3A_1784 = vector.broadcast %broadcast_in_dim3A_1783 : f32 to vector<16xf32>
      %get3A_1785 = arith.index_cast %add3A_1782 : i32 to index
      %get3A_1786 = arith.constant 0 : index
      %get3A_1787 = tpu.vector_load %arg11[%get3A_1785, %get3A_1786] {strides = array<i32>} : memref<512x64xf32, #tpu.memory_space<vmem>>, vector<16xf32>,
      %get3A_1788 = arith.index_cast %add3A_1782 : i32 to index
      %get3A_1789 = arith.constant 0 : index
      %get3A_1790 = tpu.vector_load %arg12[%get3A_1788, %get3A_1789] {strides = array<i32>} : memref<512x64xf32, #tpu.memory_space<vmem>>, vector<16xf32>,
      %add3A_1791 = arith.addf %get3A_1787, %get3A_1790 : vector<16xf32>
      %get3A_1792 = arith.index_cast %add3A_1782 : i32 to index
      %get3A_1793 = arith.constant 0 : index
      %get3A_1794 = tpu.vector_load %arg13[%get3A_1792, %get3A_1793] {strides = array<i32>} : memref<512x64xf32, #tpu.memory_space<vmem>>, vector<16xf32>,
      %sub3A_1795 = arith.subf %add3A_1791, %get3A_1794 : vector<16xf32>
      %mul3A_1796 = arith.mulf %sub3A_1795, %sub3A_1795 : vector<16xf32>
      %add3A_1797 = arith.addf %broadcast_in_dim3A_1784, %mul3A_1796 : vector<16xf32>
      %get3A_1798 = arith.index_cast %add3A_1782 : i32 to index
      %get3A_1799 = arith.constant 16 : index
      %get3A_1800 = tpu.vector_load %arg11[%get3A_1798, %get3A_1799] {strides = array<i32>} : memref<512x64xf32, #tpu.memory_space<vmem>>, vector<16xf32>,
      %get3A_1801 = arith.index_cast %add3A_1782 : i32 to index
      %get3A_1802 = arith.constant 16 : index
      %get3A_1803 = tpu.vector_load %arg12[%get3A_1801, %get3A_1802] {strides = array<i32>} : memref<512x64xf32, #tpu.memory_space<vmem>>, vector<16xf32>,
      %add3A_1804 = arith.addf %get3A_1800, %get3A_1803 : vector<16xf32>
      %get3A_1805 = arith.index_cast %add3A_1782 : i32 to index
      %get3A_1806 = arith.constant 16 : index
      %get3A_1807 = tpu.vector_load %arg13[%get3A_1805, %get3A_1806] {strides = array<i32>} : memref<512x64xf32, #tpu.memory_space<vmem>>, vector<16xf32>,
      %sub3A_1808 = arith.subf %add3A_1804, %get3A_1807 : vector<16xf32>
      %mul3A_1809 = arith.mulf %sub3A_1808, %sub3A_1808 : vector<16xf32>
      %add3A_1810 = arith.addf %add3A_1797, %mul3A_1809 : vector<16xf32>
      %get3A_1811 = arith.index_cast %add3A_1782 : i32 to index
      %get3A_1812 = arith.constant 32 : index
      %get3A_1813 = tpu.vector_load %arg11[%get3A_1811, %get3A_1812] {strides = array<i32>} : memref<512x64xf32, #tpu.memory_space<vmem>>, vector<16xf32>,
      %get3A_1814 = arith.index_cast %add3A_1782 : i32 to index
      %get3A_1815 = arith.constant 32 : index
      %get3A_1816 = tpu.vector_load %arg12[%get3A_1814, %get3A_1815] {strides = array<i32>} : memref<512x64xf32, #tpu.memory_space<vmem>>, vector<16xf32>,
      %add3A_1817 = arith.addf %get3A_1813, %get3A_1816 : vector<16xf32>
      %get3A_1818 = arith.index_cast %add3A_1782 : i32 to index
      %get3A_1819 = arith.constant 32 : index
      %get3A_1820 = tpu.vector_load %arg13[%get3A_1818, %get3A_1819] {strides = array<i32>} : memref<512x64xf32, #tpu.memory_space<vmem>>, vector<16xf32>,
      %sub3A_1821 = arith.subf %add3A_1817, %get3A_1820 : vector<16xf32>
      %mul3A_1822 = arith.mulf %sub3A_1821, %sub3A_1821 : vector<16xf32>
      %add3A_1823 = arith.addf %add3A_1810, %mul3A_1822 : vector<16xf32>
      %get3A_1824 = arith.index_cast %add3A_1782 : i32 to index
      %get3A_1825 = arith.constant 48 : index
      %get3A_1826 = tpu.vector_load %arg11[%get3A_1824, %get3A_1825] {strides = array<i32>} : memref<512x64xf32, #tpu.memory_space<vmem>>, vector<16xf32>,
      %get3A_1827 = arith.index_cast %add3A_1782 : i32 to index
      %get3A_1828 = arith.constant 48 : index
      %get3A_1829 = tpu.vector_load %arg12[%get3A_1827, %get3A_1828] {strides = array<i32>} : memref<512x64xf32, #tpu.memory_space<vmem>>, vector<16xf32>,
      %add3A_1830 = arith.addf %get3A_1826, %get3A_1829 : vector<16xf32>
      %get3A_1831 = arith.index_cast %add3A_1782 : i32 to index
      %get3A_1832 = arith.constant 48 : index
      %get3A_1833 = tpu.vector_load %arg13[%get3A_1831, %get3A_1832] {strides = array<i32>} : memref<512x64xf32, #tpu.memory_space<vmem>>, vector<16xf32>,
      %sub3A_1834 = arith.subf %add3A_1830, %get3A_1833 : vector<16xf32>
      %mul3A_1835 = arith.mulf %sub3A_1834, %sub3A_1834 : vector<16xf32>
      %add3A_1836 = arith.addf %add3A_1823, %mul3A_1835 : vector<16xf32>
      %eq3A_1837 = arith.constant 13 : i32
      %eq3A_1838 = vector.broadcast %eq3A_1837 : i32 to vector<16xi32>
      %eq3A_1839 = arith.cmpi eq, %iota3A, %eq3A_1838 : vector<16xi32>
      %iota3A_1840 = tpu.iota {dimensions = array<i32: 0>} : vector<16xi32>
      %xor3A_1841 = arith.constant 8 : i32
      %xor3A_1842 = vector.broadcast %xor3A_1841 : i32 to vector<16xi32>
      %xor3A_1843 = arith.xori %iota3A_1840, %xor3A_1842 : vector<16xi32>
      %lt3A_1844 = arith.constant 0 : i32
      %lt3A_1845 = vector.broadcast %lt3A_1844 : i32 to vector<16xi32>
      %lt3A_1846 = arith.cmpi slt, %xor3A_1843, %lt3A_1845 : vector<16xi32>
      %add3A_1847 = arith.constant 16 : i32
      %add3A_1848 = vector.broadcast %add3A_1847 : i32 to vector<16xi32>
      %add3A_1849 = arith.addi %xor3A_1843, %add3A_1848 : vector<16xi32>
      %select_n3A_1850 = arith.select %lt3A_1846, %add3A_1849, %xor3A_1843 : vector<16xi1>, vector<16xi32>
      %broadcast_in_dim3A_1851 = vector.shape_cast %select_n3A_1850 : vector<16xi32> to vector<16x1xi32>
      %gather3A_1852 = vector.shape_cast %broadcast_in_dim3A_1851 : vector<16x1xi32> to vector<16xi32>
      %gather3A_1853 = tpu.dynamic_gather %add3A_1836[%gather3A_1852] in [0] : vector<16xf32>, vector<16xi32> -> vector<16xf32>
      %add3A_1854 = arith.addf %add3A_1836, %gather3A_1853 : vector<16xf32>
      %iota3A_1855 = tpu.iota {dimensions = array<i32: 0>} : vector<16xi32>
      %xor3A_1856 = arith.constant 4 : i32
      %xor3A_1857 = vector.broadcast %xor3A_1856 : i32 to vector<16xi32>
      %xor3A_1858 = arith.xori %iota3A_1855, %xor3A_1857 : vector<16xi32>
      %lt3A_1859 = arith.constant 0 : i32
      %lt3A_1860 = vector.broadcast %lt3A_1859 : i32 to vector<16xi32>
      %lt3A_1861 = arith.cmpi slt, %xor3A_1858, %lt3A_1860 : vector<16xi32>
      %add3A_1862 = arith.constant 16 : i32
      %add3A_1863 = vector.broadcast %add3A_1862 : i32 to vector<16xi32>
      %add3A_1864 = arith.addi %xor3A_1858, %add3A_1863 : vector<16xi32>
      %select_n3A_1865 = arith.select %lt3A_1861, %add3A_1864, %xor3A_1858 : vector<16xi1>, vector<16xi32>
      %broadcast_in_dim3A_1866 = vector.shape_cast %select_n3A_1865 : vector<16xi32> to vector<16x1xi32>
      %gather3A_1867 = vector.shape_cast %broadcast_in_dim3A_1866 : vector<16x1xi32> to vector<16xi32>
      %gather3A_1868 = tpu.dynamic_gather %add3A_1854[%gather3A_1867] in [0] : vector<16xf32>, vector<16xi32> -> vector<16xf32>
      %add3A_1869 = arith.addf %add3A_1854, %gather3A_1868 : vector<16xf32>
      %iota3A_1870 = tpu.iota {dimensions = array<i32: 0>} : vector<16xi32>
      %xor3A_1871 = arith.constant 2 : i32
      %xor3A_1872 = vector.broadcast %xor3A_1871 : i32 to vector<16xi32>
      %xor3A_1873 = arith.xori %iota3A_1870, %xor3A_1872 : vector<16xi32>
      %lt3A_1874 = arith.constant 0 : i32
      %lt3A_1875 = vector.broadcast %lt3A_1874 : i32 to vector<16xi32>
      %lt3A_1876 = arith.cmpi slt, %xor3A_1873, %lt3A_1875 : vector<16xi32>
      %add3A_1877 = arith.constant 16 : i32
      %add3A_1878 = vector.broadcast %add3A_1877 : i32 to vector<16xi32>
      %add3A_1879 = arith.addi %xor3A_1873, %add3A_1878 : vector<16xi32>
      %select_n3A_1880 = arith.select %lt3A_1876, %add3A_1879, %xor3A_1873 : vector<16xi1>, vector<16xi32>
      %broadcast_in_dim3A_1881 = vector.shape_cast %select_n3A_1880 : vector<16xi32> to vector<16x1xi32>
      %gather3A_1882 = vector.shape_cast %broadcast_in_dim3A_1881 : vector<16x1xi32> to vector<16xi32>
      %gather3A_1883 = tpu.dynamic_gather %add3A_1869[%gather3A_1882] in [0] : vector<16xf32>, vector<16xi32> -> vector<16xf32>
      %add3A_1884 = arith.addf %add3A_1869, %gather3A_1883 : vector<16xf32>
      %iota3A_1885 = tpu.iota {dimensions = array<i32: 0>} : vector<16xi32>
      %xor3A_1886 = arith.constant 1 : i32
      %xor3A_1887 = vector.broadcast %xor3A_1886 : i32 to vector<16xi32>
      %xor3A_1888 = arith.xori %iota3A_1885, %xor3A_1887 : vector<16xi32>
      %lt3A_1889 = arith.constant 0 : i32
      %lt3A_1890 = vector.broadcast %lt3A_1889 : i32 to vector<16xi32>
      %lt3A_1891 = arith.cmpi slt, %xor3A_1888, %lt3A_1890 : vector<16xi32>
      %add3A_1892 = arith.constant 16 : i32
      %add3A_1893 = vector.broadcast %add3A_1892 : i32 to vector<16xi32>
      %add3A_1894 = arith.addi %xor3A_1888, %add3A_1893 : vector<16xi32>
      %select_n3A_1895 = arith.select %lt3A_1891, %add3A_1894, %xor3A_1888 : vector<16xi1>, vector<16xi32>
      %broadcast_in_dim3A_1896 = vector.shape_cast %select_n3A_1895 : vector<16xi32> to vector<16x1xi32>
      %gather3A_1897 = vector.shape_cast %broadcast_in_dim3A_1896 : vector<16x1xi32> to vector<16xi32>
      %gather3A_1898 = tpu.dynamic_gather %add3A_1884[%gather3A_1897] in [0] : vector<16xf32>, vector<16xi32> -> vector<16xf32>
      %add3A_1899 = arith.addf %add3A_1884, %gather3A_1898 : vector<16xf32>
      %select_n3A_1900 = arith.select %eq3A_1839, %add3A_1899, %select_n3A_1778 : vector<16xi1>, vector<16xf32>
      %mul3A_1901 = arith.constant 16 : i32
      %mul3A_1902 = arith.muli %scan3A_198, %mul3A_1901 : i32
      %add3A_1903 = arith.constant 14 : i32
      %add3A_1904 = arith.addi %mul3A_1902, %add3A_1903 : i32
      %broadcast_in_dim3A_1905 = arith.constant 0.000000e+00 : f32
      %broadcast_in_dim3A_1906 = vector.broadcast %broadcast_in_dim3A_1905 : f32 to vector<16xf32>
      %get3A_1907 = arith.index_cast %add3A_1904 : i32 to index
      %get3A_1908 = arith.constant 0 : index
      %get3A_1909 = tpu.vector_load %arg11[%get3A_1907, %get3A_1908] {strides = array<i32>} : memref<512x64xf32, #tpu.memory_space<vmem>>, vector<16xf32>,
      %get3A_1910 = arith.index_cast %add3A_1904 : i32 to index
      %get3A_1911 = arith.constant 0 : index
      %get3A_1912 = tpu.vector_load %arg12[%get3A_1910, %get3A_1911] {strides = array<i32>} : memref<512x64xf32, #tpu.memory_space<vmem>>, vector<16xf32>,
      %add3A_1913 = arith.addf %get3A_1909, %get3A_1912 : vector<16xf32>
      %get3A_1914 = arith.index_cast %add3A_1904 : i32 to index
      %get3A_1915 = arith.constant 0 : index
      %get3A_1916 = tpu.vector_load %arg13[%get3A_1914, %get3A_1915] {strides = array<i32>} : memref<512x64xf32, #tpu.memory_space<vmem>>, vector<16xf32>,
      %sub3A_1917 = arith.subf %add3A_1913, %get3A_1916 : vector<16xf32>
      %mul3A_1918 = arith.mulf %sub3A_1917, %sub3A_1917 : vector<16xf32>
      %add3A_1919 = arith.addf %broadcast_in_dim3A_1906, %mul3A_1918 : vector<16xf32>
      %get3A_1920 = arith.index_cast %add3A_1904 : i32 to index
      %get3A_1921 = arith.constant 16 : index
      %get3A_1922 = tpu.vector_load %arg11[%get3A_1920, %get3A_1921] {strides = array<i32>} : memref<512x64xf32, #tpu.memory_space<vmem>>, vector<16xf32>,
      %get3A_1923 = arith.index_cast %add3A_1904 : i32 to index
      %get3A_1924 = arith.constant 16 : index
      %get3A_1925 = tpu.vector_load %arg12[%get3A_1923, %get3A_1924] {strides = array<i32>} : memref<512x64xf32, #tpu.memory_space<vmem>>, vector<16xf32>,
      %add3A_1926 = arith.addf %get3A_1922, %get3A_1925 : vector<16xf32>
      %get3A_1927 = arith.index_cast %add3A_1904 : i32 to index
      %get3A_1928 = arith.constant 16 : index
      %get3A_1929 = tpu.vector_load %arg13[%get3A_1927, %get3A_1928] {strides = array<i32>} : memref<512x64xf32, #tpu.memory_space<vmem>>, vector<16xf32>,
      %sub3A_1930 = arith.subf %add3A_1926, %get3A_1929 : vector<16xf32>
      %mul3A_1931 = arith.mulf %sub3A_1930, %sub3A_1930 : vector<16xf32>
      %add3A_1932 = arith.addf %add3A_1919, %mul3A_1931 : vector<16xf32>
      %get3A_1933 = arith.index_cast %add3A_1904 : i32 to index
      %get3A_1934 = arith.constant 32 : index
      %get3A_1935 = tpu.vector_load %arg11[%get3A_1933, %get3A_1934] {strides = array<i32>} : memref<512x64xf32, #tpu.memory_space<vmem>>, vector<16xf32>,
      %get3A_1936 = arith.index_cast %add3A_1904 : i32 to index
      %get3A_1937 = arith.constant 32 : index
      %get3A_1938 = tpu.vector_load %arg12[%get3A_1936, %get3A_1937] {strides = array<i32>} : memref<512x64xf32, #tpu.memory_space<vmem>>, vector<16xf32>,
      %add3A_1939 = arith.addf %get3A_1935, %get3A_1938 : vector<16xf32>
      %get3A_1940 = arith.index_cast %add3A_1904 : i32 to index
      %get3A_1941 = arith.constant 32 : index
      %get3A_1942 = tpu.vector_load %arg13[%get3A_1940, %get3A_1941] {strides = array<i32>} : memref<512x64xf32, #tpu.memory_space<vmem>>, vector<16xf32>,
      %sub3A_1943 = arith.subf %add3A_1939, %get3A_1942 : vector<16xf32>
      %mul3A_1944 = arith.mulf %sub3A_1943, %sub3A_1943 : vector<16xf32>
      %add3A_1945 = arith.addf %add3A_1932, %mul3A_1944 : vector<16xf32>
      %get3A_1946 = arith.index_cast %add3A_1904 : i32 to index
      %get3A_1947 = arith.constant 48 : index
      %get3A_1948 = tpu.vector_load %arg11[%get3A_1946, %get3A_1947] {strides = array<i32>} : memref<512x64xf32, #tpu.memory_space<vmem>>, vector<16xf32>,
      %get3A_1949 = arith.index_cast %add3A_1904 : i32 to index
      %get3A_1950 = arith.constant 48 : index
      %get3A_1951 = tpu.vector_load %arg12[%get3A_1949, %get3A_1950] {strides = array<i32>} : memref<512x64xf32, #tpu.memory_space<vmem>>, vector<16xf32>,
      %add3A_1952 = arith.addf %get3A_1948, %get3A_1951 : vector<16xf32>
      %get3A_1953 = arith.index_cast %add3A_1904 : i32 to index
      %get3A_1954 = arith.constant 48 : index
      %get3A_1955 = tpu.vector_load %arg13[%get3A_1953, %get3A_1954] {strides = array<i32>} : memref<512x64xf32, #tpu.memory_space<vmem>>, vector<16xf32>,
      %sub3A_1956 = arith.subf %add3A_1952, %get3A_1955 : vector<16xf32>
      %mul3A_1957 = arith.mulf %sub3A_1956, %sub3A_1956 : vector<16xf32>
      %add3A_1958 = arith.addf %add3A_1945, %mul3A_1957 : vector<16xf32>
      %eq3A_1959 = arith.constant 14 : i32
      %eq3A_1960 = vector.broadcast %eq3A_1959 : i32 to vector<16xi32>
      %eq3A_1961 = arith.cmpi eq, %iota3A, %eq3A_1960 : vector<16xi32>
      %iota3A_1962 = tpu.iota {dimensions = array<i32: 0>} : vector<16xi32>
      %xor3A_1963 = arith.constant 8 : i32
      %xor3A_1964 = vector.broadcast %xor3A_1963 : i32 to vector<16xi32>
      %xor3A_1965 = arith.xori %iota3A_1962, %xor3A_1964 : vector<16xi32>
      %lt3A_1966 = arith.constant 0 : i32
      %lt3A_1967 = vector.broadcast %lt3A_1966 : i32 to vector<16xi32>
      %lt3A_1968 = arith.cmpi slt, %xor3A_1965, %lt3A_1967 : vector<16xi32>
      %add3A_1969 = arith.constant 16 : i32
      %add3A_1970 = vector.broadcast %add3A_1969 : i32 to vector<16xi32>
      %add3A_1971 = arith.addi %xor3A_1965, %add3A_1970 : vector<16xi32>
      %select_n3A_1972 = arith.select %lt3A_1968, %add3A_1971, %xor3A_1965 : vector<16xi1>, vector<16xi32>
      %broadcast_in_dim3A_1973 = vector.shape_cast %select_n3A_1972 : vector<16xi32> to vector<16x1xi32>
      %gather3A_1974 = vector.shape_cast %broadcast_in_dim3A_1973 : vector<16x1xi32> to vector<16xi32>
      %gather3A_1975 = tpu.dynamic_gather %add3A_1958[%gather3A_1974] in [0] : vector<16xf32>, vector<16xi32> -> vector<16xf32>
      %add3A_1976 = arith.addf %add3A_1958, %gather3A_1975 : vector<16xf32>
      %iota3A_1977 = tpu.iota {dimensions = array<i32: 0>} : vector<16xi32>
      %xor3A_1978 = arith.constant 4 : i32
      %xor3A_1979 = vector.broadcast %xor3A_1978 : i32 to vector<16xi32>
      %xor3A_1980 = arith.xori %iota3A_1977, %xor3A_1979 : vector<16xi32>
      %lt3A_1981 = arith.constant 0 : i32
      %lt3A_1982 = vector.broadcast %lt3A_1981 : i32 to vector<16xi32>
      %lt3A_1983 = arith.cmpi slt, %xor3A_1980, %lt3A_1982 : vector<16xi32>
      %add3A_1984 = arith.constant 16 : i32
      %add3A_1985 = vector.broadcast %add3A_1984 : i32 to vector<16xi32>
      %add3A_1986 = arith.addi %xor3A_1980, %add3A_1985 : vector<16xi32>
      %select_n3A_1987 = arith.select %lt3A_1983, %add3A_1986, %xor3A_1980 : vector<16xi1>, vector<16xi32>
      %broadcast_in_dim3A_1988 = vector.shape_cast %select_n3A_1987 : vector<16xi32> to vector<16x1xi32>
      %gather3A_1989 = vector.shape_cast %broadcast_in_dim3A_1988 : vector<16x1xi32> to vector<16xi32>
      %gather3A_1990 = tpu.dynamic_gather %add3A_1976[%gather3A_1989] in [0] : vector<16xf32>, vector<16xi32> -> vector<16xf32>
      %add3A_1991 = arith.addf %add3A_1976, %gather3A_1990 : vector<16xf32>
      %iota3A_1992 = tpu.iota {dimensions = array<i32: 0>} : vector<16xi32>
      %xor3A_1993 = arith.constant 2 : i32
      %xor3A_1994 = vector.broadcast %xor3A_1993 : i32 to vector<16xi32>
      %xor3A_1995 = arith.xori %iota3A_1992, %xor3A_1994 : vector<16xi32>
      %lt3A_1996 = arith.constant 0 : i32
      %lt3A_1997 = vector.broadcast %lt3A_1996 : i32 to vector<16xi32>
      %lt3A_1998 = arith.cmpi slt, %xor3A_1995, %lt3A_1997 : vector<16xi32>
      %add3A_1999 = arith.constant 16 : i32
      %add3A_2000 = vector.broadcast %add3A_1999 : i32 to vector<16xi32>
      %add3A_2001 = arith.addi %xor3A_1995, %add3A_2000 : vector<16xi32>
      %select_n3A_2002 = arith.select %lt3A_1998, %add3A_2001, %xor3A_1995 : vector<16xi1>, vector<16xi32>
      %broadcast_in_dim3A_2003 = vector.shape_cast %select_n3A_2002 : vector<16xi32> to vector<16x1xi32>
      %gather3A_2004 = vector.shape_cast %broadcast_in_dim3A_2003 : vector<16x1xi32> to vector<16xi32>
      %gather3A_2005 = tpu.dynamic_gather %add3A_1991[%gather3A_2004] in [0] : vector<16xf32>, vector<16xi32> -> vector<16xf32>
      %add3A_2006 = arith.addf %add3A_1991, %gather3A_2005 : vector<16xf32>
      %iota3A_2007 = tpu.iota {dimensions = array<i32: 0>} : vector<16xi32>
      %xor3A_2008 = arith.constant 1 : i32
      %xor3A_2009 = vector.broadcast %xor3A_2008 : i32 to vector<16xi32>
      %xor3A_2010 = arith.xori %iota3A_2007, %xor3A_2009 : vector<16xi32>
      %lt3A_2011 = arith.constant 0 : i32
      %lt3A_2012 = vector.broadcast %lt3A_2011 : i32 to vector<16xi32>
      %lt3A_2013 = arith.cmpi slt, %xor3A_2010, %lt3A_2012 : vector<16xi32>
      %add3A_2014 = arith.constant 16 : i32
      %add3A_2015 = vector.broadcast %add3A_2014 : i32 to vector<16xi32>
      %add3A_2016 = arith.addi %xor3A_2010, %add3A_2015 : vector<16xi32>
      %select_n3A_2017 = arith.select %lt3A_2013, %add3A_2016, %xor3A_2010 : vector<16xi1>, vector<16xi32>
      %broadcast_in_dim3A_2018 = vector.shape_cast %select_n3A_2017 : vector<16xi32> to vector<16x1xi32>
      %gather3A_2019 = vector.shape_cast %broadcast_in_dim3A_2018 : vector<16x1xi32> to vector<16xi32>
      %gather3A_2020 = tpu.dynamic_gather %add3A_2006[%gather3A_2019] in [0] : vector<16xf32>, vector<16xi32> -> vector<16xf32>
      %add3A_2021 = arith.addf %add3A_2006, %gather3A_2020 : vector<16xf32>
      %select_n3A_2022 = arith.select %eq3A_1961, %add3A_2021, %select_n3A_1900 : vector<16xi1>, vector<16xf32>
      %mul3A_2023 = arith.constant 16 : i32
      %mul3A_2024 = arith.muli %scan3A_198, %mul3A_2023 : i32
      %add3A_2025 = arith.constant 15 : i32
      %add3A_2026 = arith.addi %mul3A_2024, %add3A_2025 : i32
      %broadcast_in_dim3A_2027 = arith.constant 0.000000e+00 : f32
      %broadcast_in_dim3A_2028 = vector.broadcast %broadcast_in_dim3A_2027 : f32 to vector<16xf32>
      %get3A_2029 = arith.index_cast %add3A_2026 : i32 to index
      %get3A_2030 = arith.constant 0 : index
      %get3A_2031 = tpu.vector_load %arg11[%get3A_2029, %get3A_2030] {strides = array<i32>} : memref<512x64xf32, #tpu.memory_space<vmem>>, vector<16xf32>,
      %get3A_2032 = arith.index_cast %add3A_2026 : i32 to index
      %get3A_2033 = arith.constant 0 : index
      %get3A_2034 = tpu.vector_load %arg12[%get3A_2032, %get3A_2033] {strides = array<i32>} : memref<512x64xf32, #tpu.memory_space<vmem>>, vector<16xf32>,
      %add3A_2035 = arith.addf %get3A_2031, %get3A_2034 : vector<16xf32>
      %get3A_2036 = arith.index_cast %add3A_2026 : i32 to index
      %get3A_2037 = arith.constant 0 : index
      %get3A_2038 = tpu.vector_load %arg13[%get3A_2036, %get3A_2037] {strides = array<i32>} : memref<512x64xf32, #tpu.memory_space<vmem>>, vector<16xf32>,
      %sub3A_2039 = arith.subf %add3A_2035, %get3A_2038 : vector<16xf32>
      %mul3A_2040 = arith.mulf %sub3A_2039, %sub3A_2039 : vector<16xf32>
      %add3A_2041 = arith.addf %broadcast_in_dim3A_2028, %mul3A_2040 : vector<16xf32>
      %get3A_2042 = arith.index_cast %add3A_2026 : i32 to index
      %get3A_2043 = arith.constant 16 : index
      %get3A_2044 = tpu.vector_load %arg11[%get3A_2042, %get3A_2043] {strides = array<i32>} : memref<512x64xf32, #tpu.memory_space<vmem>>, vector<16xf32>,
      %get3A_2045 = arith.index_cast %add3A_2026 : i32 to index
      %get3A_2046 = arith.constant 16 : index
      %get3A_2047 = tpu.vector_load %arg12[%get3A_2045, %get3A_2046] {strides = array<i32>} : memref<512x64xf32, #tpu.memory_space<vmem>>, vector<16xf32>,
      %add3A_2048 = arith.addf %get3A_2044, %get3A_2047 : vector<16xf32>
      %get3A_2049 = arith.index_cast %add3A_2026 : i32 to index
      %get3A_2050 = arith.constant 16 : index
      %get3A_2051 = tpu.vector_load %arg13[%get3A_2049, %get3A_2050] {strides = array<i32>} : memref<512x64xf32, #tpu.memory_space<vmem>>, vector<16xf32>,
      %sub3A_2052 = arith.subf %add3A_2048, %get3A_2051 : vector<16xf32>
      %mul3A_2053 = arith.mulf %sub3A_2052, %sub3A_2052 : vector<16xf32>
      %add3A_2054 = arith.addf %add3A_2041, %mul3A_2053 : vector<16xf32>
      %get3A_2055 = arith.index_cast %add3A_2026 : i32 to index
      %get3A_2056 = arith.constant 32 : index
      %get3A_2057 = tpu.vector_load %arg11[%get3A_2055, %get3A_2056] {strides = array<i32>} : memref<512x64xf32, #tpu.memory_space<vmem>>, vector<16xf32>,
      %get3A_2058 = arith.index_cast %add3A_2026 : i32 to index
      %get3A_2059 = arith.constant 32 : index
      %get3A_2060 = tpu.vector_load %arg12[%get3A_2058, %get3A_2059] {strides = array<i32>} : memref<512x64xf32, #tpu.memory_space<vmem>>, vector<16xf32>,
      %add3A_2061 = arith.addf %get3A_2057, %get3A_2060 : vector<16xf32>
      %get3A_2062 = arith.index_cast %add3A_2026 : i32 to index
      %get3A_2063 = arith.constant 32 : index
      %get3A_2064 = tpu.vector_load %arg13[%get3A_2062, %get3A_2063] {strides = array<i32>} : memref<512x64xf32, #tpu.memory_space<vmem>>, vector<16xf32>,
      %sub3A_2065 = arith.subf %add3A_2061, %get3A_2064 : vector<16xf32>
      %mul3A_2066 = arith.mulf %sub3A_2065, %sub3A_2065 : vector<16xf32>
      %add3A_2067 = arith.addf %add3A_2054, %mul3A_2066 : vector<16xf32>
      %get3A_2068 = arith.index_cast %add3A_2026 : i32 to index
      %get3A_2069 = arith.constant 48 : index
      %get3A_2070 = tpu.vector_load %arg11[%get3A_2068, %get3A_2069] {strides = array<i32>} : memref<512x64xf32, #tpu.memory_space<vmem>>, vector<16xf32>,
      %get3A_2071 = arith.index_cast %add3A_2026 : i32 to index
      %get3A_2072 = arith.constant 48 : index
      %get3A_2073 = tpu.vector_load %arg12[%get3A_2071, %get3A_2072] {strides = array<i32>} : memref<512x64xf32, #tpu.memory_space<vmem>>, vector<16xf32>,
      %add3A_2074 = arith.addf %get3A_2070, %get3A_2073 : vector<16xf32>
      %get3A_2075 = arith.index_cast %add3A_2026 : i32 to index
      %get3A_2076 = arith.constant 48 : index
      %get3A_2077 = tpu.vector_load %arg13[%get3A_2075, %get3A_2076] {strides = array<i32>} : memref<512x64xf32, #tpu.memory_space<vmem>>, vector<16xf32>,
      %sub3A_2078 = arith.subf %add3A_2074, %get3A_2077 : vector<16xf32>
      %mul3A_2079 = arith.mulf %sub3A_2078, %sub3A_2078 : vector<16xf32>
      %add3A_2080 = arith.addf %add3A_2067, %mul3A_2079 : vector<16xf32>
      %eq3A_2081 = arith.constant 15 : i32
      %eq3A_2082 = vector.broadcast %eq3A_2081 : i32 to vector<16xi32>
      %eq3A_2083 = arith.cmpi eq, %iota3A, %eq3A_2082 : vector<16xi32>
      %iota3A_2084 = tpu.iota {dimensions = array<i32: 0>} : vector<16xi32>
      %xor3A_2085 = arith.constant 8 : i32
      %xor3A_2086 = vector.broadcast %xor3A_2085 : i32 to vector<16xi32>
      %xor3A_2087 = arith.xori %iota3A_2084, %xor3A_2086 : vector<16xi32>
      %lt3A_2088 = arith.constant 0 : i32
      %lt3A_2089 = vector.broadcast %lt3A_2088 : i32 to vector<16xi32>
      %lt3A_2090 = arith.cmpi slt, %xor3A_2087, %lt3A_2089 : vector<16xi32>
      %add3A_2091 = arith.constant 16 : i32
      %add3A_2092 = vector.broadcast %add3A_2091 : i32 to vector<16xi32>
      %add3A_2093 = arith.addi %xor3A_2087, %add3A_2092 : vector<16xi32>
      %select_n3A_2094 = arith.select %lt3A_2090, %add3A_2093, %xor3A_2087 : vector<16xi1>, vector<16xi32>
      %broadcast_in_dim3A_2095 = vector.shape_cast %select_n3A_2094 : vector<16xi32> to vector<16x1xi32>
      %gather3A_2096 = vector.shape_cast %broadcast_in_dim3A_2095 : vector<16x1xi32> to vector<16xi32>
      %gather3A_2097 = tpu.dynamic_gather %add3A_2080[%gather3A_2096] in [0] : vector<16xf32>, vector<16xi32> -> vector<16xf32>
      %add3A_2098 = arith.addf %add3A_2080, %gather3A_2097 : vector<16xf32>
      %iota3A_2099 = tpu.iota {dimensions = array<i32: 0>} : vector<16xi32>
      %xor3A_2100 = arith.constant 4 : i32
      %xor3A_2101 = vector.broadcast %xor3A_2100 : i32 to vector<16xi32>
      %xor3A_2102 = arith.xori %iota3A_2099, %xor3A_2101 : vector<16xi32>
      %lt3A_2103 = arith.constant 0 : i32
      %lt3A_2104 = vector.broadcast %lt3A_2103 : i32 to vector<16xi32>
      %lt3A_2105 = arith.cmpi slt, %xor3A_2102, %lt3A_2104 : vector<16xi32>
      %add3A_2106 = arith.constant 16 : i32
      %add3A_2107 = vector.broadcast %add3A_2106 : i32 to vector<16xi32>
      %add3A_2108 = arith.addi %xor3A_2102, %add3A_2107 : vector<16xi32>
      %select_n3A_2109 = arith.select %lt3A_2105, %add3A_2108, %xor3A_2102 : vector<16xi1>, vector<16xi32>
      %broadcast_in_dim3A_2110 = vector.shape_cast %select_n3A_2109 : vector<16xi32> to vector<16x1xi32>
      %gather3A_2111 = vector.shape_cast %broadcast_in_dim3A_2110 : vector<16x1xi32> to vector<16xi32>
      %gather3A_2112 = tpu.dynamic_gather %add3A_2098[%gather3A_2111] in [0] : vector<16xf32>, vector<16xi32> -> vector<16xf32>
      %add3A_2113 = arith.addf %add3A_2098, %gather3A_2112 : vector<16xf32>
      %iota3A_2114 = tpu.iota {dimensions = array<i32: 0>} : vector<16xi32>
      %xor3A_2115 = arith.constant 2 : i32
      %xor3A_2116 = vector.broadcast %xor3A_2115 : i32 to vector<16xi32>
      %xor3A_2117 = arith.xori %iota3A_2114, %xor3A_2116 : vector<16xi32>
      %lt3A_2118 = arith.constant 0 : i32
      %lt3A_2119 = vector.broadcast %lt3A_2118 : i32 to vector<16xi32>
      %lt3A_2120 = arith.cmpi slt, %xor3A_2117, %lt3A_2119 : vector<16xi32>
      %add3A_2121 = arith.constant 16 : i32
      %add3A_2122 = vector.broadcast %add3A_2121 : i32 to vector<16xi32>
      %add3A_2123 = arith.addi %xor3A_2117, %add3A_2122 : vector<16xi32>
      %select_n3A_2124 = arith.select %lt3A_2120, %add3A_2123, %xor3A_2117 : vector<16xi1>, vector<16xi32>
      %broadcast_in_dim3A_2125 = vector.shape_cast %select_n3A_2124 : vector<16xi32> to vector<16x1xi32>
      %gather3A_2126 = vector.shape_cast %broadcast_in_dim3A_2125 : vector<16x1xi32> to vector<16xi32>
      %gather3A_2127 = tpu.dynamic_gather %add3A_2113[%gather3A_2126] in [0] : vector<16xf32>, vector<16xi32> -> vector<16xf32>
      %add3A_2128 = arith.addf %add3A_2113, %gather3A_2127 : vector<16xf32>
      %iota3A_2129 = tpu.iota {dimensions = array<i32: 0>} : vector<16xi32>
      %xor3A_2130 = arith.constant 1 : i32
      %xor3A_2131 = vector.broadcast %xor3A_2130 : i32 to vector<16xi32>
      %xor3A_2132 = arith.xori %iota3A_2129, %xor3A_2131 : vector<16xi32>
      %lt3A_2133 = arith.constant 0 : i32
      %lt3A_2134 = vector.broadcast %lt3A_2133 : i32 to vector<16xi32>
      %lt3A_2135 = arith.cmpi slt, %xor3A_2132, %lt3A_2134 : vector<16xi32>
      %add3A_2136 = arith.constant 16 : i32
      %add3A_2137 = vector.broadcast %add3A_2136 : i32 to vector<16xi32>
      %add3A_2138 = arith.addi %xor3A_2132, %add3A_2137 : vector<16xi32>
      %select_n3A_2139 = arith.select %lt3A_2135, %add3A_2138, %xor3A_2132 : vector<16xi1>, vector<16xi32>
      %broadcast_in_dim3A_2140 = vector.shape_cast %select_n3A_2139 : vector<16xi32> to vector<16x1xi32>
      %gather3A_2141 = vector.shape_cast %broadcast_in_dim3A_2140 : vector<16x1xi32> to vector<16xi32>
      %gather3A_2142 = tpu.dynamic_gather %add3A_2128[%gather3A_2141] in [0] : vector<16xf32>, vector<16xi32> -> vector<16xf32>
      %add3A_2143 = arith.addf %add3A_2128, %gather3A_2142 : vector<16xf32>
      %select_n3A_2144 = arith.select %eq3A_2083, %add3A_2143, %select_n3A_2022 : vector<16xi1>, vector<16xf32>
      %bitcast3A = vector.bitcast %select_n3A_2144 : vector<16xf32> to vector<16xi32>
      %shift_right_arithmetic3A = arith.constant 1 : i32
      %shift_right_arithmetic3A_2145 = vector.broadcast %shift_right_arithmetic3A : i32 to vector<16xi32>
      %shift_right_arithmetic3A_2146 = arith.shrsi %bitcast3A, %shift_right_arithmetic3A_2145 : vector<16xi32>
      %sub3A_2147 = arith.constant 1597463007 : i32
      %sub3A_2148 = vector.broadcast %sub3A_2147 : i32 to vector<16xi32>
      %sub3A_2149 = arith.subi %sub3A_2148, %shift_right_arithmetic3A_2146 : vector<16xi32>
      %bitcast3A_2150 = vector.bitcast %sub3A_2149 : vector<16xi32> to vector<16xf32>
      %mul3A_2151 = arith.constant 5.000000e-01 : f32
      %mul3A_2152 = vector.broadcast %mul3A_2151 : f32 to vector<16xf32>
      %mul3A_2153 = arith.mulf %mul3A_2152, %select_n3A_2144 : vector<16xf32>
      %mul3A_2154 = arith.mulf %mul3A_2153, %bitcast3A_2150 : vector<16xf32>
      %mul3A_2155 = arith.mulf %mul3A_2154, %bitcast3A_2150 : vector<16xf32>
      %sub3A_2156 = arith.constant 1.500000e+00 : f32
      %sub3A_2157 = vector.broadcast %sub3A_2156 : f32 to vector<16xf32>
      %sub3A_2158 = arith.subf %sub3A_2157, %mul3A_2155 : vector<16xf32>
      %mul3A_2159 = arith.mulf %bitcast3A_2150, %sub3A_2158 : vector<16xf32>
      %mul3A_2160 = arith.constant 5.000000e-01 : f32
      %mul3A_2161 = vector.broadcast %mul3A_2160 : f32 to vector<16xf32>
      %mul3A_2162 = arith.mulf %mul3A_2161, %select_n3A_2144 : vector<16xf32>
      %mul3A_2163 = arith.mulf %mul3A_2162, %mul3A_2159 : vector<16xf32>
      %mul3A_2164 = arith.mulf %mul3A_2163, %mul3A_2159 : vector<16xf32>
      %sub3A_2165 = arith.constant 1.500000e+00 : f32
      %sub3A_2166 = vector.broadcast %sub3A_2165 : f32 to vector<16xf32>
      %sub3A_2167 = arith.subf %sub3A_2166, %mul3A_2164 : vector<16xf32>
      %mul3A_2168 = arith.mulf %mul3A_2159, %sub3A_2167 : vector<16xf32>
      %mul3A_2169 = arith.constant 5.000000e-01 : f32
      %mul3A_2170 = vector.broadcast %mul3A_2169 : f32 to vector<16xf32>
      %mul3A_2171 = arith.mulf %mul3A_2170, %select_n3A_2144 : vector<16xf32>
      %mul3A_2172 = arith.mulf %mul3A_2171, %mul3A_2168 : vector<16xf32>
      %mul3A_2173 = arith.mulf %mul3A_2172, %mul3A_2168 : vector<16xf32>
      %sub3A_2174 = arith.constant 1.500000e+00 : f32
      %sub3A_2175 = vector.broadcast %sub3A_2174 : f32 to vector<16xf32>
      %sub3A_2176 = arith.subf %sub3A_2175, %mul3A_2173 : vector<16xf32>
      %mul3A_2177 = arith.mulf %mul3A_2168, %sub3A_2176 : vector<16xf32>
      %mul3A_2178 = arith.mulf %select_n3A_2144, %mul3A_2177 : vector<16xf32>
      %mul3A_2179 = arith.constant 16 : i32
      %mul3A_2180 = arith.muli %scan3A_198, %mul3A_2179 : i32
      %swap3A = arith.index_cast %mul3A_2180 : i32 to index
      %swap3A_2181 = tpu.vector_load %arg14[%swap3A] {strides = array<i32>} : memref<512xf32, #tpu.memory_space<vmem>>, vector<16xf32>,
      tpu.vector_store %arg14[%swap3A], %mul3A_2178 {strides = array<i32>} : memref<512xf32, #tpu.memory_space<vmem>>, vector<16xf32>,
    }
    %scan3A_197 = arith.constant 32 : i32
    "tpu.region"() ({
      %run_scoped3A = tpu.sem_alloc : memref<!tpu.dma_semaphore, #tpu.memory_space<semaphore_mem>>
      %dma_start3A_198 = tpu.memref_slice %arg7[%mul3A_2] : memref<16384xf32, #tpu.memory_space<hbm>> -> memref<512xf32, #tpu.memory_space<hbm>>
      %dma_start3A_199 = tpu.memref_slice %arg7[%mul3A_2] : memref<16384xf32, #tpu.memory_space<hbm>> -> memref<512xf32, #tpu.memory_space<hbm>>
      tpu.enqueue_dma source(%arg14 : memref<512xf32, #tpu.memory_space<vmem>>) target(%dma_start3A_199 : memref<512xf32, #tpu.memory_space<hbm>>) target_semaphore(%run_scoped3A : memref<!tpu.dma_semaphore, #tpu.memory_space<semaphore_mem>>)
      %dma_wait3A_200 = tpu.memref_slice %arg7[%mul3A_2] : memref<16384xf32, #tpu.memory_space<hbm>> -> memref<512xf32, #tpu.memory_space<hbm>>
      %dma_wait3A_201 = tpu.memref_slice %arg7[%mul3A_2] : memref<16384xf32, #tpu.memory_space<hbm>> -> memref<512xf32, #tpu.memory_space<hbm>>
      tpu.wait_dma2 semaphore(%run_scoped3A : memref<!tpu.dma_semaphore, #tpu.memory_space<semaphore_mem>>) src(%arg14 : memref<512xf32, #tpu.memory_space<vmem>>) dst(%dma_wait3A_201 : memref<512xf32, #tpu.memory_space<hbm>>)
      tpu.yield
    }) : () -> ()
    return
  }
}

</mosaic_0001>

<sc_bundles>
// kernel: kernel.3.cloned.1.call-start
scs
__scs_entry_jumppad:
0x0: {  	(pc) =	sbr.rel $0x88, $3  }
0x1: {  	(tag) =	ssettag $0x0;
	lr =	simm.s32 $0x1  }
0x2: {  	[smem:$0x3F9E] =	sst lr;
	_ =	strace $0xD0000000  }
0x3: {  	_ = 	snop  }
0x4: {  	_ = 	snop  }
0x5: {  	_ = 	snop  }
0x6: {  	_ = 	snop  }
0x7: {  	_ = 	snop  }
__scs_overlays_trampoline_lowered:
0x8: {  	[smem:$0x3FAD] =	sst s0  }
0x9: {  	[smem:$0x3FAE] =	sst s1  }
0xa: {  	[smem:$0x3FAF] =	sst s2  }
0xb: {  	[smem:$0x3FB0] =	sst s3  }
0xc: {  	[smem:$0x3FB1] =	sst s4  }
0xd: {  	[smem:$0x3FB2] =	sst s5  }
0xe: {  	[smem:$0x3FB3] =	sst s6  }
0xf: {  	[smem:$0x3FB4] =	sst s7  }
0x10: {  	[smem:$0x3FB5] =	sst s8  }
0x11: {  	[smem:$0x3FB6] =	sst s9;
	s0 =	simm.s32 @!p0 $0x0  }
0x12: {  	s1 =	sld [smem:$0x3F9C];
	s0 =	simm.s32 @p0 $0x1  }
0x13: {  	[smem:$0x3FB7] =	sst s0;
	s0 =	simm.s32 @!p1 $0x0  }
0x14: {  	s2 =	sld [smem:$0x3F9B];
	s0 =	simm.s32 @p1 $0x1  }
0x15: {  	[smem:$0x3FB8] =	sst s0;
	s0 =	simm.s32 @!p2 $0x0  }
0x16: {  	s3 =	sld [smem:$0x3FDB];
	s0 =	simm.s32 @p2 $0x1  }
0x17: {  	s4 =	simm.s32 $0x1BF5;
	[smem:$0x3FBA] =	sst s0  }
0x18: {  	s0 =	sld [smem:$0x3F9D];
	_ =	swait.ge [sflag:s4], $0x0  }
0x19: {  	s7 =	sld [smem:$0x3F9E]  }
0x1a: {  	s8 =	sadd.s32 $0xFFFFE003, lr  }
0x1b: {  	s9 =	sadd.s32 $0xFFFFFEF7, lr;
	s5 =	simm.s32 $0xFFFFFFFF;
	p2 =	slt.u32 s8, $0xFFFFF086  }
0x1c: {  	p1 =	slt.u32 s9, $0xF7A;
	s5 =	simm.s32 @!p2 $0x0  }
0x1d: {  	s5 =	simm.s32 @p1 $0x1;
	p0 =	seq.s32 s7, s2  }
0x1e: {  	s7 =	smul.u32 @!p0 $0xF7A, s2;
	p2 =	seq.s32 @!p0 s5, $0x0  }
0x1f: {  	s9 =	smul.u32 $0xF7A, s1;
	s8 =	simm.s32 @!p0 $0x1BF5;
	p2 =	por !p2, p0  }
0x20: {  	[sflag:s8] =	ssyncset.s32 @!p0 $0xFFFFF086;
	s6 =	sadd.s32 @!p0 s3, s7;
	s7 =	simm.s32 @!p0 $0x108  }
0x21: {  	s3 =	sadd.s32 s3, s9;
	s6 =	sadd.s32 @!p0 $0x88, s6;
	s7 =	simm.s32 @p2 $0x1082  }
0x22: {  	[simem:s7], [sflag:s8] =	dma.local @!p0 [hbm:s6], $0xF7A  }
0x23: {  	s9 =	sor.u32 $0xD0000000, s2;
	s6 =	simm.s32 $0x108;
	_ =	swait.ge @!p0 [sflag:s8], $0x0  }
0x24: {  	s3 =	sadd.s32 $0x88, s3;
	s6 =	simm.s32 @!p1 $0x1082;
	[sflag:s4] =	ssyncset.s32 $0xFFFFF086  }
0x25: {  	[simem:s6], [sflag:s4] =	dma.local [hbm:s3], $0xF7A  }
0x26: {  	[smem:$0x3F9E] =	sst s1;
	(tag) =	ssettag s2;
	_ =	strace s9  }
0x27: {  	s1 =	sld [smem:$0x3FAE]  }
0x28: {  	s2 =	sld [smem:$0x3FAF]  }
0x29: {  	s4 =	sld [smem:$0x3FB1]  }
0x2a: {  	p0 =	seq.s32 s5, $0x0;
	s5 =	sld [smem:$0x3FB2]  }
0x2b: {  	s6 =	sld [smem:$0x3FB3]  }
0x2c: {  	s7 =	sld [smem:$0x3FB4]  }
0x2d: {  	s3 =	simm.s32 $0x108;
	s8 =	sld [smem:$0x3FB5]  }
0x2e: {  	s3 =	simm.s32 @!p0 $0x1082;
	s9 =	sld [smem:$0x3FB6]  }
0x2f: {  	lr =	sadd.s32 s0, s3;
	s0 =	sld [smem:$0x3FAD]  }
0x30: {  	s3 =	sld [smem:$0x3FB0]  }
0x31: {  	[smem:$0x3FB9] =	sst s10  }
0x32: {  	s10 =	sld [smem:$0x3FB7];
	_ =	sdelay $0x3  }
0x33: {  	p0 =	seq.s32 s10, $0x1;
	s10 =	sld [smem:$0x3FB9];
	_ =	sdelay $0x3  }
0x34: {  	[smem:$0x3FB9] =	sst s10  }
0x35: {  	s10 =	sld [smem:$0x3FB8];
	_ =	sdelay $0x3  }
0x36: {  	p1 =	seq.s32 s10, $0x1;
	s10 =	sld [smem:$0x3FB9];
	_ =	sdelay $0x3  }
0x37: {  	[smem:$0x3FB9] =	sst s10  }
0x38: {  	s10 =	sld [smem:$0x3FBA]  }
0x39: {  	_ = 	snop;
	(pc) =	sbr.ind lr, $3  }
0x3a: {  	_ = 	snop  }
0x3b: {  	_ = 	snop  }
0x3c: {  	p2 =	seq.s32 s10, $0x1;
	s10 =	sld [smem:$0x3FB9]  }
0x3d: {  	_ =	shalt  }
0x3e: {  	_ =	shalt  }
0x3f: {  	_ =	shalt  }
0x40: {  	_ =	shalt  }
0x41: {  	_ =	shalt  }
0x42: {  	_ =	shalt  }
0x43: {  	_ =	shalt  }
0x44: {  	_ =	shalt  }
0x45: {  	_ =	shalt  }
0x46: {  	_ =	shalt  }
0x47: {  	_ =	shalt  }
0x48: {  	_ =	shalt  }
0x49: {  	_ =	shalt  }
0x4a: {  	_ =	shalt  }
0x4b: {  	_ =	shalt  }
0x4c: {  	_ =	shalt  }
0x4d: {  	_ =	shalt  }
0x4e: {  	_ =	shalt  }
0x4f: {  	_ =	shalt  }
0x50: {  	_ =	shalt  }
0x51: {  	_ =	shalt  }
0x52: {  	_ =	shalt  }
0x53: {  	_ =	shalt  }
0x54: {  	_ =	shalt  }
0x55: {  	_ =	shalt  }
0x56: {  	_ =	shalt  }
0x57: {  	_ =	shalt  }
0x58: {  	_ =	shalt  }
0x59: {  	_ =	shalt  }
0x5a: {  	_ =	shalt  }
0x5b: {  	_ =	shalt  }
0x5c: {  	_ =	shalt  }
0x5d: {  	_ =	shalt  }
0x5e: {  	_ =	shalt  }
0x5f: {  	_ =	shalt  }
0x60: {  	_ =	shalt  }
0x61: {  	_ =	shalt  }
0x62: {  	_ =	shalt  }
0x63: {  	_ =	shalt  }
0x64: {  	_ =	shalt  }
0x65: {  	_ =	shalt  }
0x66: {  	_ =	shalt  }
0x67: {  	_ =	shalt  }
0x68: {  	_ =	shalt  }
0x69: {  	_ =	shalt  }
0x6a: {  	_ =	shalt  }
0x6b: {  	_ =	shalt  }
0x6c: {  	_ =	shalt  }
0x6d: {  	_ =	shalt  }
0x6e: {  	_ =	shalt  }
0x6f: {  	_ =	shalt  }
0x70: {  	_ =	shalt  }
0x71: {  	_ =	shalt  }
0x72: {  	_ =	shalt  }
0x73: {  	_ =	shalt  }
0x74: {  	_ =	shalt  }
0x75: {  	_ =	shalt  }
0x76: {  	_ =	shalt  }
0x77: {  	_ =	shalt  }
0x78: {  	_ =	shalt  }
0x79: {  	_ =	shalt  }
0x7a: {  	_ =	shalt  }
0x7b: {  	_ =	shalt  }
0x7c: {  	_ =	shalt  }
0x7d: {  	_ =	shalt  }
0x7e: {  	_ =	shalt  }
0x7f: {  	_ =	shalt  }
0x80: {  	_ =	shalt  }
0x81: {  	_ =	shalt  }
0x82: {  	_ =	shalt  }
0x83: {  	_ =	shalt  }
0x84: {  	_ =	shalt  }
0x85: {  	_ =	shalt  }
0x86: {  	_ =	shalt  }
0x87: {  	_ =	shalt  }
.Lfunc_end0:
.L_simem_size_0:
called_computation_lowered:
.L_overlay_start_0:
0x88: {  	s2 =	sld [smem:$0x3FD9]  }
0x89: {  	s3 =	sld [smem:$0x3FFE];
	_ =	sdelay $0x1  }
0x8a: {  	s1 =	srdreg.scid  }
0x8b: {  	s0 =	sand.u32 $0x1, s1  }
0x8c: {  	s17 =	sshll.u32 s0, $0xA;
	s2 =	sadd.s32 s3, s2  }
0x8d: {  	s2 =	sadd.s32 s2, s17  }
0x8e: {  	[smem:$0x3FC5] =	sst s2  }
0x8f: {  	_ = 	snop  }
0x90: {  	s2 =	sld [smem:$0x3FD0];
	(tm) =	ssettm $0x1  }
0x91: {  	s18 =	sld [smem:$0x3FFB];
	_ =	sdelay $0x3  }
0x92: {  	_ =	strace s18  }
0x93: {  	s3 =	sld [smem:$0x3FFC];
	_ =	sdelay $0x3  }
0x94: {  	_ =	strace s3  }
0x95: {  	s3 =	sld [smem:$0x3FFD];
	_ =	sdelay $0x3  }
0x96: {  	_ =	strace s3  }
0x97: {  	_ =	strace $0x8FFFFFFF  }
0x98: {  	s19 =	sld [smem:$0x3FDB];
	_ =	sdelay $0x1  }
0x99: {  	s4 =	simm.s32 $_scs_section_size  }
0x9a: {  	s5 =	simm.s32 $_size__tile_overlayer_lowered;
	s6 =	simm.s32 $_tile_overlayer_lowered  }
0x9b: {  	s22 =	simm.s32 $0x1BFF;
	s21 =	sshll.u32 s6, $0x1;
	s3 =	sadd.s32 s4, s19  }
0x9c: {  	s7 =	simm.s32 $0x0;
	s20 =	sshll.u32 s5, $0x1;
	s5 =	sadd.s32 s21, s3  }
0x9d: {  	[timem:s7], [sflag:s22] =	dma.local [hbm:s5], s20  }
0x9e: {  	_ =	swait.ge [sflag:s22], s20  }
0x9f: {  	s4 =	ssub.s32 $0x0, s20;
	[sflag:s22] =	ssyncset.done $0x0  }
0xa0: {  	[sflag:s22] =	ssyncadd.s32 s4;
	_ =	sdelay $0x1  }
0xa1: {  	s23 =	simm.s32 $0x1B8B  }
0xa2: {  	_ =	swait.ge [sflag:s23], $0x1  }
0xa3: {  	[sflag:s23] =	ssyncset.done $0x0  }
0xa4: {  	s25 =	simm.s32 $0x1B8E;
	s24 =	sld [smem:$0x3FFE];
	[sflag:s23] =	ssyncadd.s32 $0xFFFFFFFF  }
0xa5: {  	s26 =	simm.s32 $execute0_lowered;
	[smem:$0x3FD2] =	sst s25  }
0xa6: {  	s5 =	sshll.u32 s26, $0x1;
	_ =	strace $0x80000046;
	[dreg:$0x1] =	wrdreg $0xFFFFFFFF  }
0xa7: {  	s28 =	simm.s32 $_size_execute0_lowered;
	s3 =	sadd.s32 s3, s5;
	[dreg:$0x0] =	wrdreg $0x0  }
0xa8: {  	s5 =	sshll.u32 s28, $0x1;
	[dreg:$0x2] =	wrdreg s3  }
0xa9: {  	[dreg:$0x3] =	wrdreg s5  }
0xaa: {  	[dreg:$0x4] =	wrdreg $0xC0  }
0xab: {  	_ =	task [dreg:s7], $0x5FFFF  }
0xac: {  	[dreg:$0x1] =	wrdreg $0xFFFFFFFF  }
0xad: {  	[dreg:$0x0] =	wrdreg $0x60  }
0xae: {  	[dreg:$0x2] =	wrdreg s24  }
0xaf: {  	[dreg:$0x3] =	wrdreg s2  }
0xb0: {  	[dreg:$0x4] =	wrdreg $0x9  }
0xb1: {  	_ =	task.clear_ibuf [dreg:s7], $0x5FFFF;
	_ =	strace $0x90000046  }
0xb2: {  	s29 =	simm.s32 $0x9;
	_ =	strace $0x80000048  }
0xb3: {  	_ =	swait.ge [sflag:s29], $0x1  }
0xb4: {  	[sflag:s29] =	ssyncadd.s32 $0xFFFFFFFF  }
0xb5: {  	_ =	strace $0x90000048  }
0xb6: {  	_ =	sfence  }
0xb7: {  	s30 =	sld [smem:$0x0];
	_ =	sdelay $0x2  }
0xb8: {  	s31 =	sshll.u32 s1, $0xD;
	s1 =	sshrl.u32 s1, $0x2  }
0xb9: {  	s3 =	sand.u32 $0x4000, s31;
	s1 =	sadd.s32 s1, s30  }
0xba: {  	s0 =	sor.u32 s3, s0;
	s1 =	sshll.u32 s1, $0x11  }
0xbb: {  	s0 =	sor.u32 s1, s0  }
0xbc: {  	s0 =	sadd.s32 $0x8F2B, s0  }
0xbd: {  	[sflag:s0] =	ssyncadd.remote.s32 $0x1  }
0xbe: {  	_ =	sfence.sel $0xFFFF  }
0xbf: {  	[dreg:$0x0] =	wrdreg $0xFFFFFFFF;
	(pc) =	sbr.abs _section_cstart, $3  }
0xc0: {  	[dreg:$0x1] =	wrdreg $0xFFFFFFFF  }
0xc1: {  	_ =	task.clear_ibuf [dreg:s7], $0x2FFFF;
	_ =	strace $0x9FFFFFFF  }
0xc2: {  	(tm) =	ssettm $0x7FFFFFFF  }
0xc3: {  	_ =	shalt  }
tec
execute0_lowered:
.L_overlay_start_1:
0x0: {  	(tag) =	ssettag $0x1  }
0x1: {  	v0 =	vimm.s32 $0xFEDCBA98;
	v1 =	vimm.s32 $0x76543210  }
0x2: {  	s0 =	rddreg [dreg:$0x0];
	v2 =	vimm.s32 $0xBA98FEDC;
	v3 =	vimm.s32 $0x32107654;
	v4 =	vimm.s32 $0xDCFE98BA  }
0x3: {  	s2 =	rddreg [dreg:$0x1];
	s1 =	simm.s32 $0x0;
	v5 =	vimm.s32 $0x54761032;
	v6 =	vimm.s32 $0xEFCDAB89;
	v7 =	vimm.s32 $0x67452301  }
0x4: {  	s3 =	srdreg.scid;
	s4 =	stileid.u32;
	s10 =	simm.s32 $0x2;
	vm0 =	vmmov $0x1;
	vm1 =	vmmov $0x3;
	vm2 =	vmmov $0x7  }
0x5: {  	s11 =	simm.s32 $0x200;
	s12 =	simm.s32 $0x400;
	s13 =	simm.s32 $0x80;
	vm3 =	vmmov $0xf;
	vm4 =	vmmov $0x1f;
	v0 =	vunpack.c.l.s4.s8 v0  }
0x6: {  	s21 =	simm.s32 $0x12600;
	s22 =	simm.s32 $0x100;
	s23 =	simm.s32 $0x4600;
	v1 =	vunpack.c.l.s4.s8 v1;
	v2 =	vunpack.c.l.s4.s8 v2;
	v3 =	vunpack.c.l.s4.s8 v3  }
0x7: {  	s24 =	simm.s32 $0x300;
	s28 =	simm.s32 $0x14600;
	s29 =	simm.s32 $0x180;
	v4 =	vunpack.c.l.s4.s8 v4;
	v5 =	vunpack.c.l.s4.s8 v5;
	v6 =	vunpack.c.l.s4.s8 v6  }
0x8: {  	s30 =	simm.s32 $0x6600;
	s31 =	simm.s32 $0x380;
	s14 =	simm.s32 $0x16600;
	v7 =	vunpack.c.l.s4.s8 v7;
	v0 =	vunpack.c.0.s8.s32 v0;
	v2 =	vunpack.c.0.s8.s32 v2  }
0x9: {  	s15 =	simm.s32 $0x1;
	s16 =	simm.s32 $0x18600;
	s17 =	simm.s32 $0x0;
	v3 =	vunpack.c.0.s8.s32 v3;
	v4 =	vunpack.c.0.s8.s32 v4;
	v1 =	vunpack.c.0.s8.s32 v1  }
0xa: {  	[smem:$0x7FF] =	sst s1;
	s3 =	sand.u32 $0x1, s3;
	s4 =	sshll.u32 s4, $0x7;
	v5 =	vunpack.c.0.s8.s32 v5;
	v6 =	vunpack.c.0.s8.s32 v6;
	v0 =	vand.u32 $0xF, v0  }
0xb: {  	s5 =	sshll.u32 s3, $0x6;
	_ =	strace $0x80000047;
	s25 =	ssub.s32 $0x2, s3;
	v7 =	vunpack.c.0.s8.s32 v7;
	v2 =	vcombine.low v3, v2;
	v0 =	vcombine.low v0, v1  }
0xc: {  	vm5 =	vmmov $0x3f;
	vm6 =	vmmov $0x7f;
	s3 =	sadd.s32 $0x18A400, s0;
	s8 =	sor.u32 s5, s4;
	s26 =	sshrl.u32 s25, $0x1;
	v59 =	vcombine.low v5, v4  }
0xd: {  	vm7 =	vmmov $0xff;
	s4 =	sadd.s32 $0x24DA00, s0;
	s7 =	sadd.s32 s8, s0;
	s0 =	ssub.s32 s25, s26;
	v60 =	vcombine.low v7, v6;
	v61 =	vand.u32 $0xF, v2;
	[tilespmem:$0x1FFC0] =	vst v0  }
0xe: {  	vm8 =	vmmov $0x1ff;
	vm9 =	vmmov $0x3ff;
	s8 =	sadd.s32 s2, s8;
	s25 =	simm.s32 $0xC600;
	s26 =	simm.s32 $0x500;
	v62 =	vand.u32 $0xF, v59;
	[tilespmem:$0x1FFD0] =	vst v61  }
0xf: {  	vm10 =	vmmov $0x7ff;
	vm11 =	vmmov $0xfff;
	s2 =	simm.s32 $0xE600;
	s5 =	sadd.s32 $0x3200, s7;
	s6 =	sadd.s32 $0x2A00, s7;
	v63 =	vand.u32 $0xF, v60;
	[tilespmem:$0x1FFE0] =	vst v62  }
0x10: {  	vm12 =	vmmov $0x1fff;
	vm13 =	vmmov $0x3fff;
	vm14 =	vmmov $0x7fff;
	s7 =	sadd.s32 $0x2200, s7;
	s9 =	smax.u32 s0, $0x1;
	s0 =	simm.s32 $0x580;
	[tilespmem:$0x1FFF0] =	vst v63  }
.LBB2_1:
0x11: {  	[tilespmem:s1], [sflag:$0x2] =	stream.linear.gather [hbm4b:s5+s1], $0x200, $0x38;
	[tilespmem:$0x18800] =	vst v63  }
0x12: {  	_ =	swait.ge [sflag:s10], $0x200  }
0x13: {  	[sflag:s10] =	ssyncset.done $0x0  }
0x14: {  	[sflag:s10] =	ssyncadd.s32 $0xFFFFFE00  }
0x15: {  	[tilespmem:s11], [sflag:$0x2] =	stream.linear.gather [hbm4b:s6+s1], $0x200, $0x38;
	[tilespmem:$0x18800] =	vst v63  }
0x16: {  	_ =	swait.ge [sflag:s10], $0x200  }
0x17: {  	[sflag:s10] =	ssyncset.done $0x0  }
0x18: {  	[sflag:s10] =	ssyncadd.s32 $0xFFFFFE00  }
0x19: {  	[tilespmem:s12], [sflag:$0x2] =	stream.linear.gather [hbm4b:s7+s1], $0x200, $0x38;
	[tilespmem:$0x18800] =	vst v63  }
0x1a: {  	_ =	swait.ge [sflag:s10], $0x200  }
0x1b: {  	[sflag:s10] =	ssyncset.done $0x0  }
0x1c: {  	s18 =	simm.s32 $0x600;
	[sflag:s10] =	ssyncadd.s32 $0xFFFFFE00  }
0x1d: {  	[tilespmem:s18], [sflag:$0x1] =	stream.indirect.gather [hbm4b:s3+s13], $0x40, s1, s13, $0xb8;
	[tilespmem:$0x18800] =	vst v63  }
0x1e: {  	s19 =	simm.s32 $0x8600  }
0x1f: {  	[tilespmem:s19], [sflag:$0x1] =	stream.indirect.gather [hbm4b:s4+s13], $0x40, s11, s13, $0xb8;
	[tilespmem:$0x18800] =	vst v63  }
0x20: {  	s20 =	simm.s32 $0x10600  }
0x21: {  	[tilespmem:s20], [sflag:$0x1] =	stream.indirect.gather [hbm4b:s3+s13], $0x40, s12, s13, $0xb8;
	[tilespmem:$0x18800] =	vst v63  }
0x22: {  	s19 =	simm.s32 $0x2600  }
0x23: {  	[tilespmem:s19], [sflag:$0x1] =	stream.indirect.gather [hbm4b:s3+s13], $0x40, s13, s13, $0xb8;
	[tilespmem:$0x18800] =	vst v63  }
0x24: {  	s20 =	simm.s32 $0x280;
	s19 =	simm.s32 $0xA600  }
0x25: {  	[tilespmem:s19], [sflag:$0x1] =	stream.indirect.gather [hbm4b:s4+s13], $0x40, s20, s13, $0xb8;
	[tilespmem:$0x18800] =	vst v63  }
0x26: {  	s19 =	simm.s32 $0x480  }
0x27: {  	[tilespmem:s21], [sflag:$0x1] =	stream.indirect.gather [hbm4b:s3+s13], $0x40, s19, s13, $0xb8;
	[tilespmem:$0x18800] =	vst v63  }
0x28: {  	_ = 	snop  }
0x29: {  	[tilespmem:s23], [sflag:$0x1] =	stream.indirect.gather [hbm4b:s3+s13], $0x40, s22, s13, $0xb8;
	[tilespmem:$0x18800] =	vst v63  }
0x2a: {  	_ = 	snop  }
0x2b: {  	[tilespmem:s25], [sflag:$0x1] =	stream.indirect.gather [hbm4b:s4+s13], $0x40, s24, s13, $0xb8;
	[tilespmem:$0x18800] =	vst v63  }
0x2c: {  	_ = 	snop  }
0x2d: {  	[tilespmem:s28], [sflag:$0x1] =	stream.indirect.gather [hbm4b:s3+s13], $0x40, s26, s13, $0xb8;
	[tilespmem:$0x18800] =	vst v63  }
0x2e: {  	_ = 	snop  }
0x2f: {  	[tilespmem:s30], [sflag:$0x1] =	stream.indirect.gather [hbm4b:s3+s13], $0x40, s29, s13, $0xb8;
	[tilespmem:$0x18800] =	vst v63  }
0x30: {  	_ = 	snop  }
0x31: {  	[tilespmem:s2], [sflag:$0x1] =	stream.indirect.gather [hbm4b:s4+s13], $0x40, s31, s13, $0xb8;
	[tilespmem:$0x18800] =	vst v63  }
0x32: {  	_ = 	snop  }
0x33: {  	[tilespmem:s14], [sflag:$0x1] =	stream.indirect.gather [hbm4b:s3+s13], $0x40, s0, s13, $0xb8;
	[tilespmem:$0x18800] =	vst v63  }
0x34: {  	_ =	swait.ge [sflag:s15], $0x2000  }
0x35: {  	[sflag:s15] =	ssyncset.done $0x0  }
0x36: {  	[sflag:s15] =	ssyncadd.s32 $0xFFFFE000  }
0x37: {  	_ =	swait.ge [sflag:s15], $0x2000  }
0x38: {  	[sflag:s15] =	ssyncset.done $0x0  }
0x39: {  	[sflag:s15] =	ssyncadd.s32 $0xFFFFE000  }
0x3a: {  	_ =	swait.ge [sflag:s15], $0x2000  }
0x3b: {  	[sflag:s15] =	ssyncset.done $0x0  }
0x3c: {  	[sflag:s15] =	ssyncadd.s32 $0xFFFFE000  }
0x3d: {  	_ =	swait.ge [sflag:s15], $0x2000  }
0x3e: {  	[sflag:s15] =	ssyncset.done $0x0  }
0x3f: {  	[sflag:s15] =	ssyncadd.s32 $0xFFFFE000  }
0x40: {  	_ =	swait.ge [sflag:s15], $0x2000  }
0x41: {  	[sflag:s15] =	ssyncset.done $0x0  }
0x42: {  	[sflag:s15] =	ssyncadd.s32 $0xFFFFE000  }
0x43: {  	_ =	swait.ge [sflag:s15], $0x2000  }
0x44: {  	[sflag:s15] =	ssyncset.done $0x0  }
0x45: {  	[sflag:s15] =	ssyncadd.s32 $0xFFFFE000  }
0x46: {  	_ =	swait.ge [sflag:s15], $0x2000  }
0x47: {  	[sflag:s15] =	ssyncset.done $0x0  }
0x48: {  	[sflag:s15] =	ssyncadd.s32 $0xFFFFE000  }
0x49: {  	_ =	swait.ge [sflag:s15], $0x2000  }
0x4a: {  	[sflag:s15] =	ssyncset.done $0x0  }
0x4b: {  	[sflag:s15] =	ssyncadd.s32 $0xFFFFE000  }
0x4c: {  	_ =	swait.ge [sflag:s15], $0x2000  }
0x4d: {  	[sflag:s15] =	ssyncset.done $0x0  }
0x4e: {  	[sflag:s15] =	ssyncadd.s32 $0xFFFFE000  }
0x4f: {  	_ =	swait.ge [sflag:s15], $0x2000  }
0x50: {  	[sflag:s15] =	ssyncset.done $0x0  }
0x51: {  	[sflag:s15] =	ssyncadd.s32 $0xFFFFE000  }
0x52: {  	_ =	swait.ge [sflag:s15], $0x2000  }
0x53: {  	[sflag:s15] =	ssyncset.done $0x0  }
0x54: {  	[sflag:s15] =	ssyncadd.s32 $0xFFFFE000  }
0x55: {  	_ =	swait.ge [sflag:s15], $0x2000  }
0x56: {  	[sflag:s15] =	ssyncset.done $0x0  }
0x57: {  	s20 =	simm.s32 $0x0;
	[sflag:s15] =	ssyncadd.s32 $0xFFFFE000  }
0x58: {  	v13 =	vld [tilespmem:s20+$0x109F0]  }
0x59: {  	v47 =	vld [tilespmem:s20+$0x89F0]  }
0x5a: {  	v4 =	vld [tilespmem:s20+$0x9F0]  }
0x5b: {  	v51 =	vld [tilespmem:s20+$0x109E0]  }
0x5c: {  	v31 =	vld [tilespmem:s20+$0x109B0]  }
0x5d: {  	v10 =	vld [tilespmem:s20+$0x89E0]  }
0x5e: {  	v15 =	vld [tilespmem:s20+$0x9E0]  }
0x5f: {  	v17 =	vld [tilespmem:s20+$0x109D0]  }
0x60: {  	v18 =	vld [tilespmem:s20+$0x109C0]  }
0x61: {  	v25 =	vld [tilespmem:s20+$0x89B0]  }
0x62: {  	v26 =	vld [tilespmem:s20+$0x9B0]  }
0x63: {  	v27 =	vld [tilespmem:s20+$0x109A0]  }
0x64: {  	v33 =	vld [tilespmem:s20+$0x10970]  }
0x65: {  	v29 =	vld [tilespmem:s20+$0x89D0]  }
0x66: {  	v32 =	vld [tilespmem:s20+$0x9D0]  }
0x67: {  	v35 =	vld [tilespmem:s20+$0x89C0]  }
0x68: {  	v37 =	vld [tilespmem:s20+$0x9C0]  }
0x69: {  	v38 =	vld [tilespmem:s20+$0x89A0]  }
0x6a: {  	v49 =	vld [tilespmem:s20+$0x9A0]  }
0x6b: {  	v50 =	vld [tilespmem:s20+$0x10990]  }
0x6c: {  	v52 =	vld [tilespmem:s20+$0x10980]  }
0x6d: {  	v53 =	vld [tilespmem:s20+$0x8970]  }
0x6e: {  	v55 =	vld [tilespmem:s20+$0x970]  }
0x6f: {  	v28 =	vld [tilespmem:s20+$0x10960]  }
0x70: {  	v41 =	vld [tilespmem:s20+$0x10930]  }
0x71: {  	v57 =	vld [tilespmem:s20+$0x8990]  }
0x72: {  	v0 =	vld [tilespmem:s20+$0x990]  }
0x73: {  	v3 =	vld [tilespmem:s20+$0x8980]  }
0x74: {  	v9 =	vld [tilespmem:s20+$0x980]  }
0x75: {  	v16 =	vld [tilespmem:s20+$0x8960]  }
0x76: {  	v14 =	vld [tilespmem:s20+$0x960]  }
0x77: {  	v24 =	vld [tilespmem:s20+$0x10950]  }
0x78: {  	v23 =	vld [tilespmem:s20+$0x10940]  }
0x79: {  	v34 =	vld [tilespmem:s20+$0x8930]  }
0x7a: {  	v30 =	vld [tilespmem:s20+$0x930]  }
0x7b: {  	v36 =	vld [tilespmem:s20+$0x10920]  }
0x7c: {  	v1 =	vld [tilespmem:s20+$0x108F0]  }
0x7d: {  	v12 =	vld [tilespmem:s20+$0x8950]  }
0x7e: {  	v11 =	vld [tilespmem:s20+$0x950]  }
0x7f: {  	v7 =	vld [tilespmem:s20+$0x8940]  }
0x80: {  	v5 =	vld [tilespmem:s20+$0x940]  }
0x81: {  	v20 =	vld [tilespmem:s20+$0x8920]  }
0x82: {  	v19 =	vld [tilespmem:s20+$0x920]  }
0x83: {  	v22 =	vld [tilespmem:s20+$0x10910]  }
0x84: {  	v21 =	vld [tilespmem:s20+$0x10900]  }
0x85: {  	v45 =	vld [tilespmem:s20+$0x88F0]  }
0x86: {  	v44 =	vld [tilespmem:s20+$0x8F0]  }
0x87: {  	v8 =	vld [tilespmem:s20+$0x8910]  }
0x88: {  	v6 =	vld [tilespmem:s20+$0x910]  }
0x89: {  	v2 =	vld [tilespmem:s20+$0x8900]  }
0x8a: {  	v42 =	vld [tilespmem:s20+$0x88E0]  }
0x8b: {  	v54 =	vld [tilespmem:s20+$0x8E0]  }
0x8c: {  	v39 =	vld [tilespmem:s20+$0x108D0]  }
0x8d: {  	v56 =	vld [tilespmem:s20+$0x108C0]  }
0x8e: {  	v58 =	vld [tilespmem:s20+$0x88B0]  }
0x8f: {  	v59 =	vld [tilespmem:s20+$0x8B0]  }
0x90: {  	v60 =	vld [tilespmem:s20+$0x108A0]  }
0x91: {  	v61 =	vld [tilespmem:s20+$0x10870]  }
0x92: {  	v46 =	vld [tilespmem:s20+$0x88A0]  }
0x93: {  	v48 =	vld [tilespmem:s20+$0x8A0]  }
0x94: {  	v62 =	vld [tilespmem:s20+$0x10890]  }
0x95: {  	v63 =	vld [tilespmem:s20+$0x10880]  }
0x96: {  	v43 =	vld [tilespmem:s20+$0x8870]  }
0x97: {  	v40 =	vld [tilespmem:s20+$0x8860]  }
0x98: {  	[tilespmem:$0x1FBC0] =	vst v1;
	v1 =	vld [tilespmem:s20+$0x108E0]  }
0x99: {  	[tilespmem:$0x1FBE0] =	vst v56;
	v56 =	vld [tilespmem:s20+$0x88D0]  }
0x9a: {  	[tilespmem:$0x1FC20] =	vst v58;
	v58 =	vld [tilespmem:s20+$0x8D0]  }
0x9b: {  	[tilespmem:$0x1FC30] =	vst v59;
	v59 =	vld [tilespmem:s20+$0x88C0]  }
0x9c: {  	[tilespmem:$0x1FCD0] =	vst v61;
	v61 =	vld [tilespmem:s20+$0x8C0]  }
0x9d: {  	[tilespmem:$0x1FC40] =	vst v60;
	v60 =	vld [tilespmem:s20+$0x870]  }
0x9e: {  	[tilespmem:$0x1FC10] =	vst v62;
	v62 =	vld [tilespmem:s20+$0x10860]  }
0x9f: {  	[tilespmem:$0x1FC00] =	vst v63;
	v63 =	vld [tilespmem:s20+$0x10830]  }
0xa0: {  	[tilespmem:$0x1FBF0] =	vst v39;
	v39 =	vld [tilespmem:s20+$0x880]  }
0xa1: {  	[tilespmem:$0x1FC60] =	vst v40;
	v40 =	vld [tilespmem:s20+$0x860]  }
0xa2: {  	v10 =	vadd.f32 v10, v15;
	v15 =	vld [tilespmem:s20+$0x8850]  }
0xa3: {  	v4 =	vadd.f32 v47, v4;
	v47 =	vld [tilespmem:s20+$0x8840]  }
0xa4: {  	v3 =	vadd.f32 v3, v9;
	v9 =	vld [tilespmem:s20+$0x10810]  }
0xa5: {  	v29 =	vadd.f32 v29, v32;
	v32 =	vld [tilespmem:s20+$0x10800]  }
0xa6: {  	v35 =	vadd.f32 v35, v37;
	v37 =	vadd.f32 v38, v49;
	v38 =	vld [tilespmem:s20+$0x107B0]  }
0xa7: {  	v0 =	vadd.f32 v57, v0;
	v57 =	vld [tilespmem:s20+$0x810]  }
0xa8: {  	v5 =	vadd.f32 v7, v5;
	v7 =	vld [tilespmem:s20+$0x800]  }
0xa9: {  	v49 =	vld [tilespmem:s20+$0x87A0]  }
0xaa: {  	v29 =	vsub.f32 v29, v17;
	v17 =	vld [tilespmem:s20+$0x850]  }
0xab: {  	[tilespmem:$0x1FCA0] =	vst v43;
	v43 =	vsub.f32 v10, v51;
	v51 =	vld [tilespmem:s20+$0x840]  }
0xac: {  	v10 =	vld [tilespmem:s20+$0x8820]  }
0xad: {  	v3 =	vsub.f32 v3, v52;
	v52 =	vld [tilespmem:s20+$0x8810]  }
0xae: {  	v25 =	vadd.f32 v25, v26;
	v26 =	vsub.f32 v37, v27;
	v37 =	vld [tilespmem:s20+$0x7E0]  }
0xaf: {  	v18 =	vsub.f32 v35, v18;
	v35 =	vld [tilespmem:s20+$0x107D0]  }
0xb0: {  	v27 =	vadd.f32 v53, v55;
	v53 =	vld [tilespmem:s20+$0x7A0]  }
0xb1: {  	v0 =	vsub.f32 v0, v50;
	v50 =	vld [tilespmem:s20+$0x10790]  }
0xb2: {  	v55 =	vld [tilespmem:s20+$0x10780]  }
0xb3: {  	v4 =	vsub.f32 v4, v13;
	v13 =	vmul.f32 v43, v43;
	v43 =	vld [tilespmem:$0x1FFC0]  }
0xb4: {  	v27 =	vsub.f32 v27, v33;
	v33 =	vld [tilespmem:s20+$0x87E0]  }
0xb5: {  	[tilespmem:$0x1FC70] =	vst v40;
	v40 =	vld [tilespmem:s20+$0x10850]  }
0xb6: {  	[tilespmem:$0x1FBD0] =	vst v1;
	v1 =	vld [tilespmem:s20+$0x108B0]  }
0xb7: {  	[tilespmem:$0x1FCB0] =	vst v60;
	v60 =	vld [tilespmem:s20+$0x8890]  }
0xb8: {  	[tilespmem:$0x1FCC0] =	vst v62;
	v62 =	vld [tilespmem:s20+$0x890]  }
0xb9: {  	[tilespmem:$0x1FD10] =	vst v63;
	v63 =	vld [tilespmem:s20+$0x8880]  }
0xba: {  	v18 =	vmul.f32 v18, v18;
	v29 =	vmul.f32 v29, v29;
	[tilespmem:$0x1FC90] =	vst v40;
	v40 =	vld [tilespmem:s20+$0x10840]  }
0xbb: {  	v3 =	vmul.f32 v3, v3;
	v0 =	vmul.f32 v0, v0;
	[tilespmem:$0x1FD50] =	vst v38;
	v38 =	vld [tilespmem:$0x1FFD0]  }
0xbc: {  	v18 =	vadd.f32 v29, v18;
	v29 =	vld [tilespmem:s20+$0x820]  }
0xbd: {  	v0 =	vadd.f32 v0, v3;
	v3 =	vsub.f32 v25, v31;
	v25 =	vmul.f32 v26, v26;
	v26 =	vld [tilespmem:s20+$0x7B0]  }
0xbe: {  	v13 =	vadd.f32 v13, v18;
	v18 =	vld [tilespmem:s20+$0x87F0]  }
0xbf: {  	[tilespmem:$0x1FC80] =	vst v40;
	v40 =	vld [tilespmem:s20+$0x8830]  }
0xc0: {  	v4 =	vmul.f32 v4, v4;
	v0 =	vadd.f32 v25, v0;
	v3 =	vmul.f32 v3, v3;
	v25 =	vld [tilespmem:s20+$0x107A0]  }
0xc1: {  	v11 =	vadd.f32 v12, v11;
	[tilespmem:$0x1FC50] =	vst v1;
	v1 =	vld [tilespmem:s20+$0x900]  }
0xc2: {  	v4 =	vadd.f32 v4, v13;
	v13 =	vld [tilespmem:s20+$0x107E0];
	v0 =	vadd.f32 v3, v0  }
0xc3: {  	v3 =	vsub.f32 v5, v23;
	v5 =	vsub.f32 v11, v24;
	v11 =	vld [tilespmem:s20+$0x87B0]  }
0xc4: {  	[tilespmem:$0x1FCE0] =	vst v40;
	v40 =	vld [tilespmem:s20+$0x830]  }
0xc5: {  	v14 =	vadd.f32 v16, v14;
	v23 =	vld [tilespmem:$0x1FBD0]  }
0xc6: {  	v24 =	vld [tilespmem:s20+$0x790]  }
0xc7: {  	v12 =	vsub.f32 v14, v28;
	v28 =	vadd.f32 v60, v62;
	v60 =	vld [tilespmem:s20+$0x10750]  }
0xc8: {  	v3 =	vmul.f32 v3, v3;
	v5 =	vmul.f32 v5, v5;
	[tilespmem:$0x1FD20] =	vst v18;
	v18 =	vld [tilespmem:s20+$0x7F0]  }
0xc9: {  	[tilespmem:$0x1FCF0] =	vst v40;
	v40 =	vld [tilespmem:s20+$0x10820]  }
0xca: {  	v3 =	vadd.f32 v5, v3;
	v5 =	vmul.f32 v12, v12;
	v12 =	vmul.f32 v27, v27;
	v27 =	vld [tilespmem:s20+$0x770]  }
0xcb: {  	v1 =	vadd.f32 v2, v1;
	v2 =	vadd.f32 v8, v6;
	v8 =	vld [tilespmem:s20+$0x107C0]  }
0xcc: {  	[tilespmem:$0x1FD40] =	vst v11;
	v11 =	vadd.f32 v34, v30;
	v30 =	vld [tilespmem:s20+$0x8780]  }
0xcd: {  	v6 =	vadd.f32 v20, v19;
	v20 =	vadd.f32 v45, v44;
	v44 =	vld [tilespmem:$0x1FC10]  }
0xce: {  	[tilespmem:$0x1FD00] =	vst v40;
	v40 =	vld [tilespmem:s20+$0x107F0]  }
0xcf: {  	v45 =	vld [tilespmem:$0x1FC20]  }
0xd0: {  	v5 =	vadd.f32 v5, v3;
	v3 =	vld [tilespmem:s20+$0x10770]  }
0xd1: {  	v2 =	vsub.f32 v2, v22;
	v22 =	vadd.f32 v56, v58;
	v58 =	vld [tilespmem:s20+$0x780]  }
0xd2: {  	v1 =	vsub.f32 v1, v21;
	v6 =	vsub.f32 v6, v36;
	v36 =	vld [tilespmem:s20+$0x10720]  }
0xd3: {  	v21 =	vadd.f32 v59, v61;
	v61 =	vld [tilespmem:$0x1FCD0];
	[tilespmem:$0x1FD30] =	vst v40;
	v40 =	vperm.xlane v4, v43  }
0xd4: {  	v56 =	vld [tilespmem:s20+$0x8710];
	v1 =	vmul.f32 v1, v1;
	v2 =	vmul.f32 v2, v2  }
0xd5: {  	v14 =	vperm.xlane v0, v43;
	[tilespmem:$0x1FD60] =	vst v3;
	v3 =	vld [tilespmem:s20+$0x87D0];
	v31 =	vadd.f32 v4, v40  }
0xd6: {  	v6 =	vmul.f32 v6, v6;
	v1 =	vadd.f32 v2, v1;
	v2 =	vsub.f32 v11, v41;
	v40 =	vld [tilespmem:$0x1FFE0]  }
0xd7: {  	v5 =	vadd.f32 v12, v5;
	v11 =	vadd.f32 v0, v14;
	v0 =	vld [tilespmem:s20+$0x7D0];
	v12 =	vperm.xlane v31, v38  }
0xd8: {  	v28 =	vsub.f32 v28, v44;
	v44 =	vld [tilespmem:s20+$0x760];
	v1 =	vadd.f32 v6, v1;
	v2 =	vmul.f32 v2, v2  }
0xd9: {  	v16 =	vperm.xlane v5, v43;
	v14 =	vld [tilespmem:s20+$0x87C0];
	v19 =	vperm.xlane v11, v38;
	v6 =	vadd.f32 v31, v12  }
0xda: {  	v10 =	vadd.f32 v10, v29;
	v41 =	vld [tilespmem:s20+$0x8730];
	v1 =	vadd.f32 v2, v1  }
0xdb: {  	v29 =	vld [tilespmem:$0x1FCE0];
	v5 =	vadd.f32 v5, v16;
	v11 =	vadd.f32 v11, v19;
	v2 =	vperm.xlane v6, v40  }
0xdc: {  	v62 =	vld [tilespmem:$0x1FCF0];
	v0 =	vadd.f32 v3, v0;
	v16 =	vperm.xlane v1, v43  }
0xdd: {  	v3 =	vld [tilespmem:s20+$0x86E0];
	v19 =	vperm.xlane v11, v40;
	v2 =	vadd.f32 v6, v2;
	v6 =	vperm.xlane v5, v38  }
0xde: {  	v0 =	vsub.f32 v0, v35;
	v1 =	vadd.f32 v1, v16;
	v4 =	vld [tilespmem:s20+$0x8800]  }
0xdf: {  	v35 =	vld [tilespmem:s20+$0x6B0];
	v16 =	vadd.f32 v5, v6;
	v5 =	vadd.f32 v11, v19  }
0xe0: {  	v12 =	vld [tilespmem:s20+$0x7C0]  }
0xe1: {  	[tilespmem:$0x1FD70] =	vst v5;
	v5 =	vld [tilespmem:$0x1FBC0]  }
0xe2: {  	v31 =	vadd.f32 v46, v48;
	v46 =	vld [tilespmem:$0x1FC30]  }
0xe3: {  	v4 =	vadd.f32 v4, v7;
	v7 =	vadd.f32 v52, v57;
	v57 =	vld [tilespmem:s20+$0x710]  }
0xe4: {  	v52 =	vld [tilespmem:s20+$0x6A0]  }
0xe5: {  	v7 =	vsub.f32 v7, v9;
	v9 =	vld [tilespmem:s20+$0x6F0]  }
0xe6: {  	v4 =	vsub.f32 v4, v32;
	v32 =	vld [tilespmem:s20+$0x6E0];
	v19 =	vsub.f32 v20, v5;
	v20 =	vperm.xlane v1, v38  }
0xe7: {  	v34 =	vadd.f32 v45, v46;
	v46 =	vld [tilespmem:s20+$0x10740]  }
0xe8: {  	v1 =	vadd.f32 v1, v20;
	v20 =	vld [tilespmem:$0x1FBE0]  }
0xe9: {  	v45 =	vld [tilespmem:s20+$0x730]  }
0xea: {  	v12 =	vadd.f32 v14, v12;
	v14 =	vadd.f32 v33, v37;
	v33 =	vld [tilespmem:s20+$0x106D0]  }
0xeb: {  	v37 =	vld [tilespmem:s20+$0x106C0]  }
0xec: {  	[tilespmem:$0x1FD80] =	vst v2;
	v2 =	vld [tilespmem:s20+$0x8770]  }
0xed: {  	v20 =	vsub.f32 v21, v20;
	v21 =	vld [tilespmem:$0x1FBF0]  }
0xee: {  	v6 =	vld [tilespmem:s20+$0x10760]  }
0xef: {  	v11 =	vadd.f32 v42, v54;
	v42 =	vld [tilespmem:$0x1FC00]  }
0xf0: {  	v13 =	vsub.f32 v14, v13;
	v14 =	vld [tilespmem:s20+$0x86B0]  }
0xf1: {  	v11 =	vsub.f32 v11, v23;
	v23 =	vld [tilespmem:s20+$0x8790]  }
0xf2: {  	v5 =	vld [tilespmem:s20+$0x10730];
	v59 =	vperm.xlane v1, v40;
	v21 =	vsub.f32 v22, v21  }
0xf3: {  	v22 =	vadd.f32 v63, v39;
	v63 =	vmul.f32 v7, v7;
	v7 =	vld [tilespmem:$0x1FD00]  }
0xf4: {  	v54 =	vadd.f32 v1, v59;
	v59 =	vld [tilespmem:$0x1FD10];
	v20 =	vmul.f32 v20, v20;
	v21 =	vmul.f32 v21, v21  }
0xf5: {  	v39 =	vld [tilespmem:s20+$0x8760]  }
0xf6: {  	v22 =	vsub.f32 v22, v42;
	v20 =	vadd.f32 v21, v20;
	v21 =	vld [tilespmem:$0x1FC40]  }
0xf7: {  	v29 =	vadd.f32 v29, v62;
	v4 =	vmul.f32 v4, v4;
	v23 =	vadd.f32 v23, v24;
	v24 =	vld [tilespmem:s20+$0x10670]  }
0xf8: {  	v28 =	vmul.f32 v28, v28;
	v42 =	vld [tilespmem:s20+$0x740];
	v22 =	vmul.f32 v22, v22;
	v10 =	vsub.f32 v10, v7  }
0xf9: {  	v11 =	vmul.f32 v11, v11;
	v29 =	vsub.f32 v29, v59;
	v4 =	vadd.f32 v63, v4;
	v7 =	vld [tilespmem:s20+$0x106B0]  }
0xfa: {  	v39 =	vadd.f32 v39, v44;
	v44 =	vld [tilespmem:s20+$0x630];
	v22 =	vadd.f32 v28, v22;
	v10 =	vmul.f32 v10, v10  }
0xfb: {  	v1 =	vmul.f32 v19, v19;
	v11 =	vadd.f32 v11, v20;
	v28 =	vld [tilespmem:$0x1FCC0];
	v21 =	vsub.f32 v31, v21  }
0xfc: {  	v48 =	vperm.xlane v16, v40;
	v31 =	vld [tilespmem:$0x1FC50];
	v4 =	vadd.f32 v10, v4;
	v10 =	vmul.f32 v29, v29  }
0xfd: {  	v1 =	vadd.f32 v1, v11;
	v11 =	vadd.f32 v15, v17;
	v17 =	vld [tilespmem:$0x1FC60];
	v20 =	vmul.f32 v21, v21  }
0xfe: {  	v4 =	vadd.f32 v10, v4;
	v10 =	vsub.f32 v12, v8;
	v8 =	vld [tilespmem:$0x1FD20]  }
0xff: {  	v48 =	vadd.f32 v16, v48;
	v16 =	vadd.f32 v20, v22;
	v20 =	vld [tilespmem:$0x1FC70]  }
0x100: {  	v29 =	vld [tilespmem:s20+$0x700]  }
0x101: {  	v21 =	vld [tilespmem:s20+$0x8750];
	v31 =	vsub.f32 v34, v31  }
0x102: {  	v0 =	vmul.f32 v0, v0;
	v22 =	vld [tilespmem:$0x1FCB0]  }
0x103: {  	v10 =	vmul.f32 v10, v10;
	v15 =	vmul.f32 v31, v31;
	v12 =	vadd.f32 v8, v18;
	v8 =	vld [tilespmem:$0x1FD30]  }
0x104: {  	v17 =	vadd.f32 v17, v20;
	v20 =	vld [tilespmem:$0x1FC80]  }
0x105: {  	v0 =	vadd.f32 v0, v10;
	v10 =	vmul.f32 v13, v13;
	v15 =	vadd.f32 v15, v16;
	v16 =	vld [tilespmem:$0x1FC90]  }
0x106: {  	v34 =	vld [tilespmem:s20+$0x106F0];
	v18 =	vperm.xlane v4, v43  }
0x107: {  	v19 =	vadd.f32 v47, v51;
	v13 =	vld [tilespmem:s20+$0x106A0];
	v0 =	vadd.f32 v10, v0  }
0x108: {  	v31 =	vld [tilespmem:s20+$0x8740];
	v4 =	vadd.f32 v4, v18;
	v18 =	vadd.f32 v30, v58  }
0x109: {  	v30 =	vadd.f32 v49, v53;
	v12 =	vsub.f32 v12, v8;
	v8 =	vld [tilespmem:$0x1FD40]  }
0x10a: {  	v19 =	vsub.f32 v19, v20;
	v11 =	vsub.f32 v11, v16;
	v16 =	vld [tilespmem:s20+$0x750]  }
0x10b: {  	v20 =	vld [tilespmem:$0x1FCA0];
	v10 =	vmul.f32 v12, v12;
	v12 =	vsub.f32 v18, v55;
	v18 =	vsub.f32 v23, v50  }
0x10c: {  	v58 =	vld [tilespmem:s20+$0x86D0];
	v25 =	vsub.f32 v30, v25  }
0x10d: {  	v30 =	vld [tilespmem:s20+$0x6C0];
	v0 =	vadd.f32 v10, v0;
	v12 =	vmul.f32 v12, v12;
	v18 =	vmul.f32 v18, v18  }
0x10e: {  	v17 =	vsub.f32 v17, v28;
	v28 =	vperm.xlane v15, v43;
	v50 =	vld [tilespmem:s20+$0x86A0];
	v8 =	vadd.f32 v8, v26  }
0x10f: {  	v26 =	vld [tilespmem:s20+$0x86C0];
	v12 =	vadd.f32 v18, v12;
	v18 =	vmul.f32 v25, v25;
	v25 =	vperm.xlane v0, v43  }
0x110: {  	v20 =	vadd.f32 v20, v22;
	v22 =	vperm.xlane v1, v43;
	v16 =	vadd.f32 v21, v16;
	v21 =	vld [tilespmem:s20+$0x8630]  }
0x111: {  	v19 =	vmul.f32 v19, v19;
	v11 =	vmul.f32 v11, v11;
	v0 =	vadd.f32 v0, v25;
	v25 =	vld [tilespmem:s20+$0x10680]  }
0x112: {  	v51 =	vadd.f32 v1, v22;
	v22 =	vld [tilespmem:s20+$0x8720]  }
0x113: {  	v1 =	vadd.f32 v11, v19;
	v11 =	vadd.f32 v15, v28;
	v28 =	vld [tilespmem:s20+$0x720]  }
0x114: {  	v31 =	vadd.f32 v31, v42;
	v19 =	vld [tilespmem:s20+$0x10710]  }
0x115: {  	v47 =	vsub.f32 v20, v61;
	v15 =	vmul.f32 v17, v17;
	v20 =	vld [tilespmem:s20+$0x10700]  }
0x116: {  	v31 =	vsub.f32 v31, v46;
	v17 =	vld [tilespmem:s20+$0x86F0];
	v55 =	vperm.xlane v0, v38  }
0x117: {  	v16 =	vsub.f32 v16, v60;
	v60 =	vld [tilespmem:s20+$0x8610];
	v1 =	vadd.f32 v15, v1;
	v15 =	vmul.f32 v47, v47  }
0x118: {  	v61 =	vperm.xlane v11, v38;
	v62 =	vperm.xlane v51, v38;
	v0 =	vadd.f32 v0, v55;
	v55 =	vld [tilespmem:s20+$0x8660]  }
0x119: {  	v6 =	vsub.f32 v39, v6;
	v31 =	vmul.f32 v31, v31;
	v15 =	vadd.f32 v15, v1;
	v1 =	vld [tilespmem:s20+$0x106E0]  }
0x11a: {  	v16 =	vmul.f32 v16, v16;
	v47 =	vadd.f32 v11, v61;
	v11 =	vadd.f32 v51, v62;
	v51 =	vld [tilespmem:s20+$0x8700]  }
0x11b: {  	v3 =	vadd.f32 v3, v32;
	v41 =	vadd.f32 v41, v45;
	v61 =	vld [tilespmem:$0x1FD50]  }
0x11c: {  	v27 =	vadd.f32 v2, v27;
	v16 =	vadd.f32 v16, v31;
	v31 =	vmul.f32 v6, v6;
	v6 =	vld [tilespmem:$0x1FD60]  }
0x11d: {  	v10 =	vperm.xlane v4, v38;
	v2 =	vperm.xlane v0, v40;
	v22 =	vadd.f32 v22, v28;
	v28 =	vld [tilespmem:s20+$0x10650]  }
0x11e: {  	v16 =	vadd.f32 v31, v16;
	v31 =	vadd.f32 v56, v57;
	v57 =	vld [tilespmem:s20+$0x10640]  }
0x11f: {  	v4 =	vadd.f32 v4, v10;
	v63 =	vperm.xlane v15, v43;
	v2 =	vadd.f32 v0, v2;
	v0 =	vld [tilespmem:s20+$0x680]  }
0x120: {  	v9 =	vadd.f32 v17, v9;
	v23 =	vperm.xlane v11, v40;
	v17 =	vsub.f32 v22, v36;
	v22 =	vld [tilespmem:s20+$0x8620]  }
0x121: {  	v15 =	vadd.f32 v15, v63;
	v19 =	vsub.f32 v31, v19;
	v31 =	vld [tilespmem:s20+$0x8650]  }
0x122: {  	v49 =	vsub.f32 v8, v61;
	v8 =	vadd.f32 v11, v23;
	v23 =	vld [tilespmem:s20+$0x10690]  }
0x123: {  	v29 =	vadd.f32 v51, v29;
	v1 =	vsub.f32 v3, v1;
	v3 =	vld [tilespmem:s20+$0x610];
	v59 =	vperm.xlane v15, v38  }
0x124: {  	v14 =	vadd.f32 v14, v35;
	v12 =	vadd.f32 v18, v12;
	v18 =	vmul.f32 v49, v49;
	v49 =	vld [tilespmem:s20+$0x8680]  }
0x125: {  	v62 =	vperm.xlane v4, v40;
	v20 =	vsub.f32 v29, v20;
	v15 =	vadd.f32 v15, v59;
	v59 =	vld [tilespmem:s20+$0x6D0]  }
0x126: {  	v5 =	vsub.f32 v41, v5;
	v19 =	vmul.f32 v19, v19;
	v29 =	vld [tilespmem:s20+$0x620];
	v18 =	vadd.f32 v18, v12  }
0x127: {  	v12 =	vadd.f32 v4, v62;
	v4 =	vld [tilespmem:s20+$0x670];
	v20 =	vmul.f32 v20, v20;
	v63 =	vperm.xlane v15, v40  }
0x128: {  	v7 =	vsub.f32 v14, v7;
	v26 =	vadd.f32 v26, v30;
	v62 =	vld [tilespmem:s20+$0x8690];
	v61 =	vperm.xlane v18, v43  }
0x129: {  	v19 =	vadd.f32 v19, v20;
	v20 =	vld [tilespmem:s20+$0x640];
	v11 =	vadd.f32 v15, v63  }
0x12a: {  	v15 =	vld [tilespmem:s20+$0x8670];
	v18 =	vadd.f32 v18, v61;
	v30 =	vadd.f32 v58, v59  }
0x12b: {  	v26 =	vsub.f32 v26, v37;
	v21 =	vadd.f32 v21, v44;
	v10 =	vperm.xlane v47, v40;
	v63 =	vld [tilespmem:s20+$0x690]  }
0x12c: {  	v9 =	vsub.f32 v9, v34;
	v58 =	vld [tilespmem:s20+$0x650];
	v53 =	vperm.xlane v18, v38;
	v30 =	vsub.f32 v30, v33  }
0x12d: {  	v26 =	vmul.f32 v26, v26;
	v10 =	vadd.f32 v47, v10;
	v27 =	vsub.f32 v27, v6;
	v59 =	vld [tilespmem:s20+$0x8640]  }
0x12e: {  	v3 =	vadd.f32 v60, v3;
	v6 =	vadd.f32 v18, v53;
	v18 =	vld [tilespmem:s20+$0x660];
	v30 =	vmul.f32 v30, v30  }
0x12f: {  	v0 =	vadd.f32 v49, v0;
	v4 =	vadd.f32 v15, v4;
	v15 =	vld [tilespmem:s20+$0x600]  }
0x130: {  	v22 =	vadd.f32 v22, v29;
	v14 =	vadd.f32 v30, v26;
	v26 =	vld [tilespmem:s20+$0x8600]  }
0x131: {  	v61 =	vadd.f32 v50, v52;
	v30 =	vadd.f32 v62, v63;
	v62 =	vld [tilespmem:s20+$0x10610]  }
0x132: {  	v0 =	vsub.f32 v0, v25;
	v4 =	vsub.f32 v4, v24;
	v24 =	vld [tilespmem:s20+$0x10600]  }
0x133: {  	v5 =	vmul.f32 v5, v5;
	v25 =	vld [tilespmem:s20+$0x10660];
	v13 =	vsub.f32 v61, v13;
	v20 =	vadd.f32 v59, v20  }
0x134: {  	v7 =	vmul.f32 v7, v7;
	v29 =	vld [tilespmem:s20+$0x10620];
	v23 =	vsub.f32 v30, v23;
	v30 =	vadd.f32 v31, v58  }
0x135: {  	v17 =	vmul.f32 v17, v17;
	v20 =	vsub.f32 v20, v57;
	v15 =	vadd.f32 v26, v15  }
0x136: {  	v1 =	vmul.f32 v1, v1;
	v18 =	vadd.f32 v55, v18;
	v28 =	vsub.f32 v30, v28;
	v26 =	vld [tilespmem:s20+$0x10630]  }
0x137: {  	v0 =	vmul.f32 v0, v0;
	v3 =	vsub.f32 v3, v62;
	v15 =	vsub.f32 v15, v24  }
0x138: {  	v20 =	vmul.f32 v20, v20;
	v18 =	vsub.f32 v18, v25;
	v24 =	vmul.f32 v28, v28  }
0x139: {  	v22 =	vsub.f32 v22, v29;
	v3 =	vmul.f32 v3, v3;
	v15 =	vmul.f32 v15, v15  }
0x13a: {  	v23 =	vmul.f32 v23, v23;
	v18 =	vmul.f32 v18, v18;
	v20 =	vadd.f32 v24, v20  }
0x13b: {  	v21 =	vsub.f32 v21, v26;
	v3 =	vadd.f32 v3, v15;
	v15 =	vmul.f32 v22, v22  }
0x13c: {  	v13 =	vmul.f32 v13, v13;
	v4 =	vmul.f32 v4, v4;
	v0 =	vadd.f32 v23, v0  }
0x13d: {  	v18 =	vadd.f32 v18, v20;
	v3 =	vadd.f32 v15, v3;
	v15 =	vmul.f32 v21, v21  }
0x13e: {  	v9 =	vmul.f32 v9, v9;
	v1 =	vadd.f32 v1, v14;
	v0 =	vadd.f32 v13, v0  }
0x13f: {  	v27 =	vmul.f32 v27, v27;
	v4 =	vadd.f32 v4, v18;
	v3 =	vadd.f32 v15, v3  }
0x140: {  	v31 =	vperm.xlane v6, v40;
	v0 =	vadd.f32 v7, v0;
	v7 =	vadd.f32 v17, v19  }
0x141: {  	v1 =	vadd.f32 v9, v1;
	v14 =	vperm.xlane v4, v43;
	v13 =	vperm.xlane v3, v43  }
0x142: {  	v9 =	vperm.xlane v0, v43;
	v5 =	vadd.f32 v5, v7;
	v7 =	vadd.f32 v27, v16  }
0x143: {  	v4 =	vadd.f32 v4, v14;
	v3 =	vadd.f32 v3, v13;
	v13 =	vperm.xlane v1, v43  }
0x144: {  	v0 =	vadd.f32 v0, v9;
	v9 =	vperm.xlane v5, v43;
	v14 =	vperm.xlane v7, v43  }
0x145: {  	v16 =	vperm.xlane v4, v38;
	v15 =	vperm.xlane v3, v38;
	v1 =	vadd.f32 v1, v13  }
0x146: {  	v5 =	vadd.f32 v5, v9;
	v7 =	vadd.f32 v7, v14;
	v13 =	vperm.xlane v0, v38  }
0x147: {  	v4 =	vadd.f32 v4, v16;
	v3 =	vadd.f32 v3, v15;
	v9 =	vperm.xlane v1, v38  }
0x148: {  	v17 =	vld [tilespmem:$0x1FFF0];
	v14 =	vperm.xlane v7, v38;
	v0 =	vadd.f32 v0, v13;
	v13 =	vperm.xlane v5, v38  }
0x149: {  	v16 =	vperm.xlane v4, v40;
	v15 =	vperm.xlane v3, v40;
	v1 =	vadd.f32 v1, v9  }
0x14a: {  	v7 =	vadd.f32 v7, v14;
	v9 =	vperm.xlane v0, v40;
	v5 =	vadd.f32 v5, v13  }
0x14b: {  	v4 =	vadd.f32 v4, v16;
	v3 =	vadd.f32 v3, v15;
	v13 =	vperm.xlane v1, v40  }
0x14c: {  	v14 =	vperm.xlane v7, v40;
	v0 =	vadd.f32 v0, v9;
	v9 =	vperm.xlane v5, v40  }
0x14d: {  	v16 =	vperm.xlane v4, v17;
	v15 =	vperm.xlane v3, v17;
	v1 =	vadd.f32 v1, v13  }
0x14e: {  	v7 =	vadd.f32 v7, v14;
	v13 =	vperm.xlane v0, v17;
	v5 =	vadd.f32 v5, v9  }
0x14f: {  	v4 =	vadd.f32 v4, v16;
	v3 =	vadd.f32 v3, v15;
	v9 =	vperm.xlane v1, v17  }
0x150: {  	v6 =	vadd.f32 v6, v31;
	v0 =	vadd.f32 v0, v13;
	v13 =	vperm.xlane v5, v17  }
0x151: {  	v3 =	vsel vm0, v3, v4;
	v1 =	vadd.f32 v1, v9;
	v4 =	vperm.xlane v7, v17  }
0x152: {  	v0 =	vsel vm1, v3, v0;
	v3 =	vadd.f32 v5, v13;
	v5 =	vperm.xlane v6, v17  }
0x153: {  	v0 =	vsel vm2, v0, v1;
	v1 =	vadd.f32 v7, v4;
	v4 =	vperm.xlane v2, v17  }
0x154: {  	v0 =	vsel vm3, v0, v3;
	v3 =	vadd.f32 v6, v5;
	v5 =	vperm.xlane v12, v17  }
0x155: {  	v6 =	vld [tilespmem:$0x1FD70];
	v0 =	vsel vm4, v0, v1;
	v1 =	vadd.f32 v2, v4;
	v2 =	vperm.xlane v11, v17  }
0x156: {  	v4 =	vperm.xlane v10, v17;
	v0 =	vsel vm5, v0, v3;
	v3 =	vadd.f32 v12, v5;
	v5 =	vld [tilespmem:$0x1FD80]  }
0x157: {  	v0 =	vsel vm6, v0, v1;
	v1 =	vadd.f32 v11, v2;
	v2 =	vperm.xlane v8, v17  }
0x158: {  	v0 =	vsel vm7, v0, v3;
	v3 =	vadd.f32 v10, v4;
	v4 =	vperm.xlane v54, v17  }
0x159: {  	v0 =	vsel vm8, v0, v1;
	v1 =	vadd.f32 v8, v2;
	v2 =	vperm.xlane v48, v17  }
0x15a: {  	v0 =	vsel vm9, v0, v3;
	v3 =	vadd.f32 v54, v4;
	v4 =	vperm.xlane v6, v17  }
0x15b: {  	v0 =	vsel vm10, v0, v1;
	v1 =	vadd.f32 v48, v2;
	v2 =	vperm.xlane v5, v17  }
0x15c: {  	v0 =	vsel vm11, v0, v3;
	v3 =	vadd.f32 v6, v4  }
0x15d: {  	v0 =	vsel vm12, v0, v1;
	v1 =	vadd.f32 v5, v2  }
0x15e: {  	v0 =	vsel vm13, v0, v3  }
0x15f: {  	v0 =	vsel vm14, v0, v1  }
0x160: {  	v1 =	vshra.s32 v0, $0x1;
	v2 =	vmul.f32 $5.000000000e-01, v0  }
0x161: {  	v1 =	vsub.s32 $0x5F3759DF, v1  }
0x162: {  	v3 =	vmul.f32 v1, v2;
	_ =	sdelay $0x1  }
0x163: {  	v3 =	vmul.f32 v1, v3;
	_ =	sdelay $0x1  }
0x164: {  	v3 =	vsub.f32 $1.500000000e+00, v3;
	_ =	sdelay $0x1  }
0x165: {  	v1 =	vmul.f32 v1, v3;
	_ =	sdelay $0x1  }
0x166: {  	v3 =	vmul.f32 v1, v2;
	_ =	sdelay $0x1  }
0x167: {  	v3 =	vmul.f32 v3, v1;
	_ =	sdelay $0x1  }
0x168: {  	v3 =	vsub.f32 $1.500000000e+00, v3;
	_ =	sdelay $0x1  }
0x169: {  	v1 =	vmul.f32 v3, v1;
	_ =	sdelay $0x1  }
0x16a: {  	v2 =	vmul.f32 v1, v2;
	_ =	sdelay $0x1  }
0x16b: {  	v2 =	vmul.f32 v2, v1;
	_ =	sdelay $0x1  }
0x16c: {  	v2 =	vsub.f32 $1.500000000e+00, v2;
	_ =	sdelay $0x1  }
0x16d: {  	v1 =	vmul.f32 v2, v1;
	_ =	sdelay $0x1  }
0x16e: {  	v0 =	vmul.f32 v1, v0;
	_ =	sdelay $0x1  }
0x16f: {  	s18 =	simm.s32 $0x400;
	[tilespmem:s16+$0x0] =	vst v0  }
0x170: {  	v22 =	vld [tilespmem:s18+$0x109F0]  }
0x171: {  	v10 =	vld [tilespmem:s18+$0x89F0]  }
0x172: {  	v7 =	vld [tilespmem:s18+$0x9F0]  }
0x173: {  	v11 =	vld [tilespmem:s18+$0x109E0]  }
0x174: {  	v33 =	vld [tilespmem:s18+$0x109B0]  }
0x175: {  	v8 =	vld [tilespmem:s18+$0x89E0]  }
0x176: {  	v9 =	vld [tilespmem:s18+$0x9E0]  }
0x177: {  	v13 =	vld [tilespmem:s18+$0x109D0]  }
0x178: {  	v15 =	vld [tilespmem:s18+$0x109C0]  }
0x179: {  	v24 =	vld [tilespmem:s18+$0x89B0]  }
0x17a: {  	v23 =	vld [tilespmem:s18+$0x9B0]  }
0x17b: {  	v29 =	vld [tilespmem:s18+$0x109A0]  }
0x17c: {  	v32 =	vld [tilespmem:s18+$0x10970]  }
0x17d: {  	v47 =	vld [tilespmem:s18+$0x89D0]  }
0x17e: {  	v27 =	vld [tilespmem:s18+$0x9D0]  }
0x17f: {  	v36 =	vld [tilespmem:s18+$0x89C0]  }
0x180: {  	v37 =	vld [tilespmem:s18+$0x9C0]  }
0x181: {  	v46 =	vld [tilespmem:s18+$0x89A0]  }
0x182: {  	v51 =	vld [tilespmem:s18+$0x9A0]  }
0x183: {  	v52 =	vld [tilespmem:s18+$0x10990]  }
0x184: {  	v53 =	vld [tilespmem:s18+$0x10980]  }
0x185: {  	v55 =	vld [tilespmem:s18+$0x8970]  }
0x186: {  	v57 =	vld [tilespmem:s18+$0x970]  }
0x187: {  	v31 =	vld [tilespmem:s18+$0x10960]  }
0x188: {  	v44 =	vld [tilespmem:s18+$0x10930]  }
0x189: {  	v61 =	vld [tilespmem:s18+$0x8990]  }
0x18a: {  	v1 =	vld [tilespmem:s18+$0x990]  }
0x18b: {  	v0 =	vld [tilespmem:s18+$0x8980]  }
0x18c: {  	v17 =	vld [tilespmem:s18+$0x980]  }
0x18d: {  	v19 =	vld [tilespmem:s18+$0x8960]  }
0x18e: {  	v18 =	vld [tilespmem:s18+$0x960]  }
0x18f: {  	v30 =	vld [tilespmem:s18+$0x10950]  }
0x190: {  	v21 =	vld [tilespmem:s18+$0x10940]  }
0x191: {  	v2 =	vld [tilespmem:s18+$0x108F0]  }
0x192: {  	v35 =	vld [tilespmem:s18+$0x8930]  }
0x193: {  	v34 =	vld [tilespmem:s18+$0x930]  }
0x194: {  	v39 =	vld [tilespmem:s18+$0x10920]  }
0x195: {  	v16 =	vld [tilespmem:s18+$0x8950]  }
0x196: {  	[tilespmem:$0x1FDC0] =	vst v2;
	v2 =	vld [tilespmem:s18+$0x88F0]  }
0x197: {  	v14 =	vld [tilespmem:s18+$0x950]  }
0x198: {  	v5 =	vld [tilespmem:s18+$0x8940]  }
0x199: {  	v4 =	vld [tilespmem:s18+$0x940]  }
0x19a: {  	v28 =	vld [tilespmem:s18+$0x8920]  }
0x19b: {  	[tilespmem:$0x1FDA0] =	vst v2;
	v2 =	vld [tilespmem:s18+$0x108E0]  }
0x19c: {  	v26 =	vld [tilespmem:s18+$0x920];
	v36 =	vadd.f32 v36, v37;
	v27 =	vadd.f32 v47, v27  }
0x19d: {  	v25 =	vld [tilespmem:s18+$0x10910];
	v37 =	vadd.f32 v8, v9;
	v7 =	vadd.f32 v10, v7  }
0x19e: {  	v20 =	vld [tilespmem:s18+$0x10900];
	v0 =	vadd.f32 v0, v17;
	v1 =	vadd.f32 v61, v1  }
0x19f: {  	v45 =	vld [tilespmem:s18+$0x8F0];
	v15 =	vsub.f32 v36, v15;
	v13 =	vsub.f32 v27, v13  }
0x1a0: {  	v23 =	vadd.f32 v24, v23;
	v11 =	vsub.f32 v37, v11;
	[tilespmem:$0x1FDD0] =	vst v2;
	v2 =	vld [tilespmem:s18+$0x108B0]  }
0x1a1: {  	v12 =	vld [tilespmem:s18+$0x8910];
	v7 =	vsub.f32 v7, v22;
	v15 =	vmul.f32 v15, v15;
	v13 =	vmul.f32 v13, v13  }
0x1a2: {  	v6 =	vld [tilespmem:s18+$0x910];
	v0 =	vsub.f32 v0, v53;
	v1 =	vsub.f32 v1, v52  }
0x1a3: {  	v3 =	vld [tilespmem:s18+$0x8900];
	v22 =	vadd.f32 v46, v51;
	v11 =	vmul.f32 v11, v11;
	v15 =	vadd.f32 v13, v15  }
0x1a4: {  	v49 =	vld [tilespmem:s18+$0x88E0];
	v4 =	vadd.f32 v5, v4;
	v0 =	vmul.f32 v0, v0;
	v1 =	vmul.f32 v1, v1  }
0x1a5: {  	v7 =	vmul.f32 v7, v7;
	v22 =	vsub.f32 v22, v29;
	v11 =	vadd.f32 v11, v15;
	[tilespmem:$0x1FE60] =	vst v2;
	v2 =	vld [tilespmem:s18+$0x900]  }
0x1a6: {  	v54 =	vld [tilespmem:s18+$0x8E0];
	v5 =	vadd.f32 v16, v14;
	v0 =	vadd.f32 v1, v0  }
0x1a7: {  	v63 =	vld [tilespmem:s18+$0x108D0];
	v22 =	vmul.f32 v22, v22;
	v7 =	vadd.f32 v7, v11;
	v11 =	vsub.f32 v23, v33  }
0x1a8: {  	v48 =	vld [tilespmem:s18+$0x108C0];
	v18 =	vadd.f32 v19, v18;
	v5 =	vsub.f32 v5, v30  }
0x1a9: {  	v50 =	vld [tilespmem:s18+$0x88B0];
	v4 =	vsub.f32 v4, v21;
	v0 =	vadd.f32 v22, v0;
	v11 =	vmul.f32 v11, v11  }
0x1aa: {  	v56 =	vld [tilespmem:s18+$0x8B0];
	v14 =	vsub.f32 v18, v31;
	v5 =	vmul.f32 v5, v5;
	v2 =	vadd.f32 v3, v2  }
0x1ab: {  	v58 =	vld [tilespmem:s18+$0x108A0];
	v3 =	vadd.f32 v11, v0;
	v0 =	vadd.f32 v12, v6;
	v6 =	vmul.f32 v4, v4  }
0x1ac: {  	v59 =	vld [tilespmem:s18+$0x10870]  }
0x1ad: {  	v62 =	vld [tilespmem:s18+$0x8C0];
	v5 =	vadd.f32 v5, v6;
	v6 =	vmul.f32 v14, v14;
	v14 =	vperm.xlane v7, v43  }
0x1ae: {  	v60 =	vld [tilespmem:s18+$0x88A0]  }
0x1af: {  	v42 =	vld [tilespmem:s18+$0x8880];
	v11 =	vadd.f32 v28, v26;
	v7 =	vadd.f32 v7, v14;
	v14 =	vperm.xlane v3, v43  }
0x1b0: {  	v41 =	vld [tilespmem:s18+$0x880];
	v2 =	vsub.f32 v2, v20;
	v0 =	vsub.f32 v0, v25  }
0x1b1: {  	[tilespmem:$0x1FE40] =	vst v56;
	v56 =	vld [tilespmem:s18+$0x88D0];
	v12 =	vadd.f32 v35, v34;
	v3 =	vadd.f32 v3, v14;
	v14 =	vperm.xlane v7, v38  }
0x1b2: {  	[tilespmem:$0x1FE50] =	vst v58;
	v58 =	vld [tilespmem:s18+$0x8D0];
	v11 =	vsub.f32 v11, v39;
	v2 =	vmul.f32 v2, v2;
	v0 =	vmul.f32 v0, v0  }
0x1b3: {  	[tilespmem:$0x1FF00] =	vst v59;
	v59 =	vld [tilespmem:s18+$0x88C0];
	v14 =	vadd.f32 v7, v14;
	v7 =	vperm.xlane v3, v38  }
0x1b4: {  	[tilespmem:$0x1FDF0] =	vst v63;
	v63 =	vld [tilespmem:s18+$0x8A0];
	v12 =	vsub.f32 v12, v44;
	v11 =	vmul.f32 v11, v11;
	v2 =	vadd.f32 v0, v2  }
0x1b5: {  	v3 =	vadd.f32 v3, v7;
	v7 =	vld [tilespmem:s18+$0x8770]  }
0x1b6: {  	[tilespmem:$0x1FDE0] =	vst v48;
	v48 =	vld [tilespmem:s18+$0x10890];
	v2 =	vadd.f32 v11, v2;
	v11 =	vmul.f32 v12, v12  }
0x1b7: {  	[tilespmem:$0x1FE30] =	vst v50;
	v50 =	vld [tilespmem:s18+$0x8870]  }
0x1b8: {  	[tilespmem:$0x1FE10] =	vst v60;
	v60 =	vld [tilespmem:s18+$0x870];
	v2 =	vadd.f32 v11, v2;
	v11 =	vperm.xlane v14, v40  }
0x1b9: {  	v47 =	vld [tilespmem:s18+$0x8840]  }
0x1ba: {  	v9 =	vld [tilespmem:s18+$0x8820];
	[tilespmem:$0x1FF70] =	vst v7;
	v7 =	vadd.f32 v14, v11  }
0x1bb: {  	v8 =	vld [tilespmem:s18+$0x820]  }
0x1bc: {  	[tilespmem:$0x1FD90] =	vst v7;
	v7 =	vld [tilespmem:$0x1FDA0]  }
0x1bd: {  	v10 =	vld [tilespmem:s18+$0x10800]  }
0x1be: {  	v17 =	vld [tilespmem:s18+$0x7F0]  }
0x1bf: {  	v24 =	vld [tilespmem:s18+$0x107B0]  }
0x1c0: {  	[tilespmem:$0x1FED0] =	vst v50;
	v50 =	vld [tilespmem:s18+$0x10830]  }
0x1c1: {  	v11 =	vadd.f32 v7, v45;
	v7 =	vld [tilespmem:s18+$0x770]  }
0x1c2: {  	v61 =	vld [tilespmem:s18+$0x8800]  }
0x1c3: {  	v16 =	vld [tilespmem:s18+$0x10770]  }
0x1c4: {  	v19 =	vld [tilespmem:s18+$0x7C0]  }
0x1c5: {  	[tilespmem:$0x1FF40] =	vst v50;
	v50 =	vld [tilespmem:s18+$0x8860]  }
0x1c6: {  	[tilespmem:$0x1FF80] =	vst v7;
	v7 =	vld [tilespmem:s18+$0x10760]  }
0x1c7: {  	v27 =	vld [tilespmem:s18+$0x10810]  }
0x1c8: {  	v51 =	vld [tilespmem:s18+$0x8810]  }
0x1c9: {  	v31 =	vld [tilespmem:s18+$0x7E0]  }
0x1ca: {  	[tilespmem:$0x1FEB0] =	vst v50;
	v50 =	vld [tilespmem:s18+$0x860]  }
0x1cb: {  	[tilespmem:$0x1FF90] =	vst v7;
	v7 =	vld [tilespmem:s18+$0x10730]  }
0x1cc: {  	v36 =	vld [tilespmem:s18+$0x107D0]  }
0x1cd: {  	v37 =	vld [tilespmem:s18+$0x107C0]  }
0x1ce: {  	v18 =	vld [tilespmem:s18+$0x87C0]  }
0x1cf: {  	[tilespmem:$0x1FEC0] =	vst v50;
	v50 =	vld [tilespmem:s18+$0x10850]  }
0x1d0: {  	[tilespmem:$0x1FFB0] =	vst v7;
	v7 =	vld [tilespmem:$0x1FDC0]  }
0x1d1: {  	v46 =	vld [tilespmem:s18+$0x87A0]  }
0x1d2: {  	v52 =	vld [tilespmem:s18+$0x7A0]  }
0x1d3: {  	v53 =	vld [tilespmem:s18+$0x10790]  }
0x1d4: {  	[tilespmem:$0x1FEA0] =	vst v50;
	v50 =	vld [tilespmem:s18+$0x10840];
	v14 =	vperm.xlane v3, v40  }
0x1d5: {  	[tilespmem:$0x1FE20] =	vst v63;
	v11 =	vsub.f32 v11, v7;
	v7 =	vld [tilespmem:$0x1FDD0]  }
0x1d6: {  	v29 =	vld [tilespmem:s18+$0x87E0];
	[tilespmem:$0x1FE00] =	vst v48;
	v3 =	vadd.f32 v3, v14  }
0x1d7: {  	v48 =	vld [tilespmem:s18+$0x10880];
	[tilespmem:$0x1FF60] =	vst v24  }
0x1d8: {  	v63 =	vld [tilespmem:s18+$0x10860];
	[tilespmem:$0x1FDB0] =	vst v3;
	v3 =	vadd.f32 v49, v54  }
0x1d9: {  	v24 =	vadd.f32 v55, v57;
	[tilespmem:$0x1FE90] =	vst v50;
	v50 =	vld [tilespmem:s18+$0x8830]  }
0x1da: {  	v3 =	vsub.f32 v3, v7;
	v7 =	vld [tilespmem:$0x1FDE0]  }
0x1db: {  	[tilespmem:$0x1FEE0] =	vst v60;
	v60 =	vld [tilespmem:s18+$0x8890];
	v24 =	vsub.f32 v24, v32  }
0x1dc: {  	v55 =	vld [tilespmem:s18+$0x810]  }
0x1dd: {  	[tilespmem:$0x1FFA0] =	vst v16;
	v57 =	vld [tilespmem:s18+$0x10780];
	v16 =	vmul.f32 v24, v24;
	v5 =	vadd.f32 v6, v5;
	v14 =	vadd.f32 v59, v62  }
0x1de: {  	[tilespmem:$0x1FF10] =	vst v50;
	v50 =	vld [tilespmem:s18+$0x830]  }
0x1df: {  	v5 =	vadd.f32 v16, v5;
	v14 =	vsub.f32 v14, v7;
	v7 =	vld [tilespmem:$0x1FDF0]  }
0x1e0: {  	v13 =	vld [tilespmem:s18+$0x87F0]  }
0x1e1: {  	v1 =	vld [tilespmem:s18+$0x800];
	v12 =	vperm.xlane v5, v43  }
0x1e2: {  	v21 =	vadd.f32 v56, v58;
	[tilespmem:$0x1FEF0] =	vst v63;
	v63 =	vld [tilespmem:s18+$0x890]  }
0x1e3: {  	v5 =	vadd.f32 v5, v12;
	v12 =	vperm.xlane v2, v43;
	[tilespmem:$0x1FF20] =	vst v50;
	v50 =	vld [tilespmem:s18+$0x10820]  }
0x1e4: {  	v21 =	vsub.f32 v21, v7;
	v7 =	vld [tilespmem:$0x1FE00]  }
0x1e5: {  	v58 =	vld [tilespmem:$0x1FEE0];
	v2 =	vadd.f32 v2, v12  }
0x1e6: {  	v32 =	vld [tilespmem:s18+$0x780]  }
0x1e7: {  	v30 =	vadd.f32 v60, v63;
	v12 =	vld [tilespmem:$0x1FE20];
	v26 =	vperm.xlane v2, v38  }
0x1e8: {  	[tilespmem:$0x1FF30] =	vst v50;
	v50 =	vld [tilespmem:s18+$0x107F0]  }
0x1e9: {  	v2 =	vadd.f32 v2, v26;
	v26 =	vsub.f32 v30, v7;
	v7 =	vld [tilespmem:$0x1FE10]  }
0x1ea: {  	v15 =	vld [tilespmem:s18+$0x107E0]  }
0x1eb: {  	v22 =	vld [tilespmem:s18+$0x7B0]  }
0x1ec: {  	v24 =	vld [tilespmem:s18+$0x790]  }
0x1ed: {  	[tilespmem:$0x1FF50] =	vst v50;
	v50 =	vld [tilespmem:s18+$0x8850]  }
0x1ee: {  	v30 =	vadd.f32 v7, v12;
	v7 =	vld [tilespmem:$0x1FE30]  }
0x1ef: {  	v12 =	vld [tilespmem:$0x1FE40]  }
0x1f0: {  	v23 =	vld [tilespmem:s18+$0x107A0];
	v20 =	vperm.xlane v5, v38  }
0x1f1: {  	v33 =	vld [tilespmem:s18+$0x8760];
	v14 =	vmul.f32 v14, v14;
	v21 =	vmul.f32 v21, v21  }
0x1f2: {  	v8 =	vadd.f32 v9, v8;
	v63 =	vadd.f32 v61, v1;
	[tilespmem:$0x1FE70] =	vst v50;
	v50 =	vld [tilespmem:s18+$0x850]  }
0x1f3: {  	v1 =	vld [tilespmem:s18+$0x10700];
	v5 =	vadd.f32 v5, v20;
	v3 =	vmul.f32 v3, v3;
	v14 =	vadd.f32 v21, v14  }
0x1f4: {  	v25 =	vadd.f32 v42, v41;
	v54 =	vadd.f32 v7, v12;
	v12 =	vld [tilespmem:$0x1FE50]  }
0x1f5: {  	v61 =	vld [tilespmem:s18+$0x86B0];
	v56 =	vperm.xlane v2, v40;
	v3 =	vadd.f32 v3, v14;
	v14 =	vperm.xlane v5, v40  }
0x1f6: {  	v9 =	vsub.f32 v63, v10;
	v63 =	vld [tilespmem:s18+$0x6A0];
	v25 =	vsub.f32 v25, v48  }
0x1f7: {  	v49 =	vadd.f32 v2, v56;
	[tilespmem:$0x1FE80] =	vst v50;
	v56 =	vadd.f32 v5, v14;
	v5 =	vld [tilespmem:$0x1FE70]  }
0x1f8: {  	v14 =	vld [tilespmem:$0x1FE80]  }
0x1f9: {  	v4 =	vld [tilespmem:s18+$0x87B0];
	v21 =	vmul.f32 v25, v25;
	v25 =	vmul.f32 v26, v26;
	v26 =	vsub.f32 v30, v12  }
0x1fa: {  	v28 =	vld [tilespmem:s18+$0x8780]  }
0x1fb: {  	v50 =	vld [tilespmem:s18+$0x840];
	v21 =	vadd.f32 v25, v21;
	v25 =	vmul.f32 v26, v26  }
0x1fc: {  	v12 =	vld [tilespmem:$0x1FE60]  }
0x1fd: {  	v11 =	vmul.f32 v11, v11;
	v5 =	vadd.f32 v5, v14;
	v14 =	vadd.f32 v25, v21;
	v21 =	vld [tilespmem:$0x1FE90]  }
0x1fe: {  	v35 =	vld [tilespmem:s18+$0x10750]  }
0x1ff: {  	v3 =	vadd.f32 v11, v3;
	v11 =	vld [tilespmem:$0x1FEA0]  }
0x200: {  	v34 =	vld [tilespmem:s18+$0x8730];
	v2 =	vadd.f32 v47, v50  }
0x201: {  	v25 =	vld [tilespmem:$0x1FEC0]  }
0x202: {  	v30 =	vsub.f32 v54, v12;
	v2 =	vsub.f32 v2, v21;
	v21 =	vld [tilespmem:$0x1FEB0]  }
0x203: {  	v39 =	vld [tilespmem:s18+$0x10720]  }
0x204: {  	v59 =	vld [tilespmem:$0x1FEF0];
	v5 =	vsub.f32 v5, v11;
	v11 =	vmul.f32 v30, v30  }
0x205: {  	v6 =	vld [tilespmem:s18+$0x87D0]  }
0x206: {  	v41 =	vadd.f32 v51, v55;
	v0 =	vld [tilespmem:s18+$0x7D0];
	v11 =	vadd.f32 v11, v14;
	v14 =	vperm.xlane v3, v43  }
0x207: {  	v42 =	vld [tilespmem:s18+$0x8740];
	v5 =	vmul.f32 v5, v5;
	v2 =	vmul.f32 v2, v2;
	v21 =	vadd.f32 v21, v25  }
0x208: {  	v44 =	vld [tilespmem:s18+$0x740];
	v10 =	vsub.f32 v41, v27;
	v14 =	vadd.f32 v3, v14  }
0x209: {  	v41 =	vld [tilespmem:s18+$0x106E0];
	v3 =	vadd.f32 v5, v2;
	v5 =	vperm.xlane v11, v43;
	v60 =	vsub.f32 v21, v59  }
0x20a: {  	v16 =	vld [tilespmem:s18+$0x760]  }
0x20b: {  	v0 =	vadd.f32 v6, v0;
	v6 =	vld [tilespmem:s18+$0x8700];
	v11 =	vadd.f32 v11, v5;
	v5 =	vmul.f32 v60, v60  }
0x20c: {  	v51 =	vld [tilespmem:$0x1FF20]  }
0x20d: {  	v5 =	vadd.f32 v5, v3;
	v3 =	vld [tilespmem:$0x1FF10]  }
0x20e: {  	v0 =	vsub.f32 v0, v36;
	v36 =	vld [tilespmem:s18+$0x8680]  }
0x20f: {  	v25 =	vld [tilespmem:$0x1FED0]  }
0x210: {  	v20 =	vld [tilespmem:s18+$0x8790]  }
0x211: {  	v21 =	vld [tilespmem:$0x1FF00]  }
0x212: {  	v55 =	vadd.f32 v3, v51;
	v3 =	vld [tilespmem:$0x1FF30]  }
0x213: {  	v45 =	vld [tilespmem:s18+$0x86F0]  }
0x214: {  	v47 =	vld [tilespmem:s18+$0x6F0];
	v25 =	vadd.f32 v25, v58  }
0x215: {  	v7 =	vld [tilespmem:s18+$0x10740]  }
0x216: {  	v26 =	vld [tilespmem:s18+$0x8750];
	v62 =	vsub.f32 v25, v21  }
0x217: {  	v8 =	vsub.f32 v8, v3;
	v3 =	vld [tilespmem:$0x1FF40]  }
0x218: {  	v9 =	vmul.f32 v9, v9;
	v12 =	vld [tilespmem:s18+$0x730];
	v27 =	vmul.f32 v62, v62  }
0x219: {  	v10 =	vmul.f32 v10, v10;
	v54 =	vld [tilespmem:s18+$0x106F0];
	v59 =	vperm.xlane v14, v38  }
0x21a: {  	v30 =	vld [tilespmem:s18+$0x750];
	v27 =	vadd.f32 v27, v5  }
0x21b: {  	v9 =	vadd.f32 v10, v9;
	v2 =	vld [tilespmem:s18+$0x720];
	v50 =	vadd.f32 v14, v59;
	v8 =	vmul.f32 v8, v8  }
0x21c: {  	v14 =	vadd.f32 v18, v19;
	v60 =	vld [tilespmem:s18+$0x106C0];
	v10 =	vperm.xlane v27, v43;
	v48 =	vsub.f32 v55, v3  }
0x21d: {  	v18 =	vadd.f32 v29, v31;
	v29 =	vld [tilespmem:s18+$0x86D0];
	v8 =	vadd.f32 v8, v9  }
0x21e: {  	v19 =	vld [tilespmem:$0x1FF60];
	v9 =	vadd.f32 v27, v10;
	v10 =	vsub.f32 v14, v37;
	v14 =	vmul.f32 v48, v48  }
0x21f: {  	v0 =	vmul.f32 v0, v0;
	v59 =	vld [tilespmem:s18+$0x10690]  }
0x220: {  	v58 =	vperm.xlane v11, v38;
	v8 =	vadd.f32 v14, v8;
	v14 =	vsub.f32 v18, v15;
	v15 =	vld [tilespmem:$0x1FF50]  }
0x221: {  	v13 =	vadd.f32 v13, v17;
	v31 =	vld [tilespmem:s18+$0x8660];
	v17 =	vperm.xlane v9, v38;
	v10 =	vmul.f32 v10, v10  }
0x222: {  	v25 =	vld [tilespmem:s18+$0x8720];
	v11 =	vadd.f32 v11, v58  }
0x223: {  	v21 =	vld [tilespmem:s18+$0x10710];
	v9 =	vadd.f32 v9, v17;
	v0 =	vadd.f32 v0, v10  }
0x224: {  	v58 =	vld [tilespmem:s18+$0x6E0];
	v10 =	vadd.f32 v28, v32;
	v17 =	vadd.f32 v20, v24  }
0x225: {  	v62 =	vld [tilespmem:s18+$0x6B0];
	v13 =	vsub.f32 v13, v15;
	v15 =	vperm.xlane v8, v43  }
0x226: {  	v5 =	vld [tilespmem:s18+$0x106B0];
	v10 =	vsub.f32 v10, v57;
	v17 =	vsub.f32 v17, v53;
	v18 =	vmul.f32 v14, v14  }
0x227: {  	v51 =	vld [tilespmem:s18+$0x710];
	v8 =	vadd.f32 v8, v15;
	v15 =	vadd.f32 v46, v52  }
0x228: {  	v27 =	vld [tilespmem:s18+$0x700];
	v0 =	vadd.f32 v18, v0;
	v13 =	vmul.f32 v13, v13  }
0x229: {  	v37 =	vld [tilespmem:s18+$0x660];
	v10 =	vmul.f32 v10, v10;
	v17 =	vmul.f32 v17, v17;
	v15 =	vsub.f32 v15, v23  }
0x22a: {  	v55 =	vld [tilespmem:s18+$0x8710];
	v18 =	vperm.xlane v50, v40;
	v0 =	vadd.f32 v13, v0;
	v13 =	vperm.xlane v8, v38  }
0x22b: {  	v4 =	vadd.f32 v4, v22;
	v3 =	vld [tilespmem:s18+$0x106D0];
	v10 =	vadd.f32 v17, v10;
	v15 =	vmul.f32 v15, v15  }
0x22c: {  	v48 =	vld [tilespmem:s18+$0x86E0];
	v13 =	vadd.f32 v8, v13;
	v8 =	vadd.f32 v50, v18;
	v18 =	vperm.xlane v9, v40  }
0x22d: {  	v4 =	vsub.f32 v4, v19;
	v19 =	vperm.xlane v11, v40;
	v20 =	vld [tilespmem:s18+$0x106A0]  }
0x22e: {  	v32 =	vld [tilespmem:s18+$0x690];
	v15 =	vadd.f32 v15, v10;
	v10 =	vadd.f32 v9, v18  }
0x22f: {  	v28 =	vld [tilespmem:s18+$0x8620];
	v9 =	vadd.f32 v11, v19;
	v19 =	vadd.f32 v42, v44  }
0x230: {  	v23 =	vadd.f32 v33, v16;
	v16 =	vld [tilespmem:$0x1FF80]  }
0x231: {  	v24 =	vsub.f32 v19, v7;
	v7 =	vld [tilespmem:$0x1FF70]  }
0x232: {  	v53 =	vld [tilespmem:s18+$0x6C0];
	v17 =	vperm.xlane v0, v43  }
0x233: {  	v4 =	vmul.f32 v4, v4;
	v57 =	vld [tilespmem:s18+$0x86A0]  }
0x234: {  	v14 =	vld [tilespmem:s18+$0x10670];
	v22 =	vperm.xlane v13, v40;
	v0 =	vadd.f32 v0, v17  }
0x235: {  	v46 =	vld [tilespmem:s18+$0x6D0];
	v15 =	vadd.f32 v4, v15  }
0x236: {  	v11 =	vadd.f32 v13, v22;
	v13 =	vperm.xlane v0, v38;
	v7 =	vadd.f32 v7, v16;
	v16 =	vld [tilespmem:$0x1FF90]  }
0x237: {  	v52 =	vld [tilespmem:s18+$0x86C0];
	v22 =	vadd.f32 v26, v30  }
0x238: {  	v17 =	vld [tilespmem:$0x1FFA0];
	v0 =	vadd.f32 v0, v13;
	v13 =	vperm.xlane v15, v43  }
0x239: {  	v33 =	vld [tilespmem:s18+$0x640];
	v26 =	vsub.f32 v22, v35  }
0x23a: {  	v50 =	vld [tilespmem:s18+$0x8670];
	v13 =	vadd.f32 v15, v13;
	v15 =	vperm.xlane v0, v40  }
0x23b: {  	v18 =	vld [tilespmem:s18+$0x10680];
	v16 =	vsub.f32 v23, v16;
	v23 =	vmul.f32 v24, v24;
	v24 =	vmul.f32 v26, v26  }
0x23c: {  	v42 =	vld [tilespmem:s18+$0x670];
	v26 =	vadd.f32 v34, v12;
	v12 =	vadd.f32 v0, v15;
	v0 =	vperm.xlane v13, v38  }
0x23d: {  	v63 =	vadd.f32 v57, v63;
	v4 =	vld [tilespmem:s18+$0x8630];
	v30 =	vsub.f32 v7, v17  }
0x23e: {  	v19 =	vld [tilespmem:s18+$0x630];
	v15 =	vadd.f32 v24, v23;
	v13 =	vadd.f32 v13, v0  }
0x23f: {  	v7 =	vmul.f32 v16, v16;
	v16 =	vld [tilespmem:$0x1FFB0];
	v0 =	vadd.f32 v25, v2;
	v2 =	vadd.f32 v6, v27  }
0x240: {  	v22 =	vld [tilespmem:s18+$0x8690];
	v6 =	vadd.f32 v55, v51;
	v25 =	vadd.f32 v45, v47  }
0x241: {  	v35 =	vld [tilespmem:s18+$0x610];
	v15 =	vadd.f32 v7, v15;
	v7 =	vsub.f32 v0, v39  }
0x242: {  	v40 =	vld [tilespmem:s18+$0x680];
	v0 =	vsub.f32 v2, v1;
	v1 =	vsub.f32 v6, v21  }
0x243: {  	v34 =	vld [tilespmem:s18+$0x8610];
	v6 =	vadd.f32 v52, v53;
	v2 =	vsub.f32 v25, v54  }
0x244: {  	v23 =	vld [tilespmem:s18+$0x10650];
	v16 =	vsub.f32 v26, v16;
	v26 =	vadd.f32 v29, v46  }
0x245: {  	v24 =	vld [tilespmem:s18+$0x10640];
	v0 =	vmul.f32 v0, v0;
	v1 =	vmul.f32 v1, v1;
	v6 =	vsub.f32 v6, v60  }
0x246: {  	v27 =	vld [tilespmem:s18+$0x8640];
	v60 =	vadd.f32 v48, v58;
	v25 =	vsub.f32 v26, v3  }
0x247: {  	v21 =	vld [tilespmem:s18+$0x8650];
	v0 =	vadd.f32 v1, v0;
	v1 =	vadd.f32 v61, v62  }
0x248: {  	v38 =	vadd.f32 v50, v42;
	v29 =	vld [tilespmem:s18+$0x620];
	v62 =	vmul.f32 v6, v6;
	v25 =	vmul.f32 v25, v25  }
0x249: {  	v6 =	vsub.f32 v60, v41;
	v26 =	vld [tilespmem:s18+$0x650];
	v1 =	vsub.f32 v1, v5  }
0x24a: {  	s19 =	simm.s32 $0x18600;
	s20 =	simm.s32 $0x2000;
	v5 =	vsub.f32 v63, v20;
	v20 =	vld [tilespmem:s18+$0x8600];
	v3 =	vadd.f32 v25, v62  }
.LBB2_2:
0x24b: {  	v25 =	vld [tilespmem:s18+$0x600];
	_ =	sdelay $0x1  }
0x24c: {  	v36 =	vadd.f32 v36, v40  }
0x24d: {  	v51 =	vld [tilespmem:s18+$0x10610];
	v22 =	vadd.f32 v22, v32;
	v4 =	vadd.f32 v4, v19  }
0x24e: {  	v52 =	vld [tilespmem:s18+$0x10630];
	v14 =	vsub.f32 v38, v14;
	v27 =	vadd.f32 v27, v33  }
0x24f: {  	v19 =	vld [tilespmem:s18+$0x10600];
	v21 =	vadd.f32 v21, v26;
	v20 =	vadd.f32 v20, v25  }
0x250: {  	v17 =	vsub.f32 v22, v59;
	v22 =	vadd.f32 v28, v29;
	v29 =	vld [tilespmem:s18+$0x10660]  }
0x251: {  	v30 =	vmul.f32 v30, v30;
	v25 =	vadd.f32 v34, v35;
	v28 =	vadd.f32 v31, v37;
	v31 =	vld [tilespmem:s18+$0x10620]  }
0x252: {  	v7 =	vmul.f32 v7, v7;
	v18 =	vsub.f32 v36, v18;
	v24 =	vsub.f32 v27, v24  }
0x253: {  	v21 =	vsub.f32 v21, v23;
	v4 =	vsub.f32 v4, v52;
	v17 =	vmul.f32 v17, v17  }
0x254: {  	v23 =	vmul.f32 v24, v24;
	v19 =	vsub.f32 v20, v19;
	v20 =	vsub.f32 v25, v51  }
0x255: {  	v21 =	vmul.f32 v21, v21;
	v18 =	vmul.f32 v18, v18;
	v24 =	vsub.f32 v28, v29  }
0x256: {  	v19 =	vmul.f32 v19, v19;
	v20 =	vmul.f32 v20, v20;
	v22 =	vsub.f32 v22, v31  }
0x257: {  	v5 =	vmul.f32 v5, v5;
	v21 =	vadd.f32 v21, v23;
	v17 =	vadd.f32 v17, v18  }
0x258: {  	v36 =	vld [tilespmem:$0x1FFE0];
	v24 =	vmul.f32 v24, v24;
	v19 =	vadd.f32 v20, v19;
	v20 =	vmul.f32 v22, v22  }
0x259: {  	v6 =	vmul.f32 v6, v6;
	v14 =	vmul.f32 v14, v14;
	v5 =	vadd.f32 v5, v17;
	v17 =	vld [tilespmem:$0x1FFC0]  }
0x25a: {  	v4 =	vmul.f32 v4, v4;
	v18 =	vadd.f32 v20, v19;
	v19 =	vadd.f32 v24, v21  }
0x25b: {  	v1 =	vmul.f32 v1, v1;
	v0 =	vadd.f32 v7, v0;
	v3 =	vadd.f32 v6, v3  }
0x25c: {  	v2 =	vmul.f32 v2, v2;
	v4 =	vadd.f32 v4, v18;
	v6 =	vadd.f32 v14, v19  }
0x25d: {  	v26 =	vperm.xlane v13, v36;
	v29 =	vld [tilespmem:$0x1FFD0];
	v1 =	vadd.f32 v1, v5;
	v5 =	vmul.f32 v16, v16  }
0x25e: {  	v2 =	vadd.f32 v2, v3;
	v7 =	vperm.xlane v4, v17;
	v14 =	vperm.xlane v6, v17  }
0x25f: {  	v0 =	vadd.f32 v5, v0;
	v5 =	vadd.f32 v30, v15;
	v3 =	vperm.xlane v1, v17  }
0x260: {  	v4 =	vadd.f32 v4, v7;
	v6 =	vadd.f32 v6, v14;
	v7 =	vperm.xlane v2, v17  }
0x261: {  	v1 =	vadd.f32 v1, v3;
	v3 =	vperm.xlane v0, v17;
	v14 =	vperm.xlane v5, v17  }
0x262: {  	v15 =	vperm.xlane v4, v29;
	v16 =	vperm.xlane v6, v29;
	v2 =	vadd.f32 v2, v7  }
0x263: {  	v0 =	vadd.f32 v0, v3;
	v7 =	vperm.xlane v1, v29;
	v3 =	vadd.f32 v5, v14  }
0x264: {  	v4 =	vadd.f32 v4, v15;
	v5 =	vadd.f32 v6, v16;
	v6 =	vperm.xlane v2, v29  }
0x265: {  	v18 =	vld [tilespmem:$0x1FFF0];
	v1 =	vadd.f32 v1, v7;
	v7 =	vperm.xlane v0, v29;
	v14 =	vperm.xlane v3, v29  }
0x266: {  	v15 =	vperm.xlane v4, v36;
	v16 =	vperm.xlane v5, v36;
	v2 =	vadd.f32 v2, v6  }
0x267: {  	v6 =	vperm.xlane v1, v36;
	v0 =	vadd.f32 v0, v7;
	v3 =	vadd.f32 v3, v14  }
0x268: {  	v4 =	vadd.f32 v4, v15;
	v5 =	vadd.f32 v5, v16;
	v7 =	vperm.xlane v2, v36  }
0x269: {  	v1 =	vadd.f32 v1, v6;
	v6 =	vperm.xlane v0, v36;
	v14 =	vperm.xlane v3, v36  }
0x26a: {  	v15 =	vperm.xlane v4, v18;
	v16 =	vperm.xlane v5, v18;
	v2 =	vadd.f32 v2, v7  }
0x26b: {  	v7 =	vperm.xlane v1, v18;
	v0 =	vadd.f32 v0, v6;
	v3 =	vadd.f32 v3, v14  }
0x26c: {  	v4 =	vadd.f32 v4, v15;
	v5 =	vadd.f32 v5, v16;
	v6 =	vperm.xlane v2, v18  }
0x26d: {  	v13 =	vadd.f32 v13, v26;
	v1 =	vadd.f32 v1, v7;
	v7 =	vperm.xlane v0, v18  }
0x26e: {  	v4 =	vsel vm0, v4, v5;
	v2 =	vadd.f32 v2, v6;
	v5 =	vperm.xlane v3, v18  }
0x26f: {  	v0 =	vadd.f32 v0, v7;
	v1 =	vsel vm1, v4, v1;
	v4 =	vperm.xlane v13, v18  }
0x270: {  	v1 =	vsel vm2, v1, v2;
	v2 =	vadd.f32 v3, v5;
	v3 =	vperm.xlane v12, v18  }
0x271: {  	v0 =	vsel vm3, v1, v0;
	v1 =	vadd.f32 v13, v4;
	v4 =	vperm.xlane v11, v18  }
0x272: {  	v6 =	vld [tilespmem:$0x1FDB0];
	v0 =	vsel vm4, v0, v2;
	v2 =	vadd.f32 v12, v3;
	v3 =	vperm.xlane v10, v18  }
0x273: {  	v5 =	vld [tilespmem:$0x1FD90];
	v0 =	vsel vm5, v0, v1;
	v1 =	vadd.f32 v11, v4;
	v4 =	vperm.xlane v9, v18  }
0x274: {  	v0 =	vsel vm6, v0, v2;
	v2 =	vadd.f32 v10, v3;
	v3 =	vperm.xlane v8, v18  }
0x275: {  	v0 =	vsel vm7, v0, v1;
	v1 =	vadd.f32 v9, v4;
	v4 =	vperm.xlane v49, v18  }
0x276: {  	v0 =	vsel vm8, v0, v2;
	v2 =	vadd.f32 v8, v3;
	v3 =	vperm.xlane v56, v18  }
0x277: {  	v0 =	vsel vm9, v0, v1;
	v1 =	vadd.f32 v49, v4;
	v4 =	vperm.xlane v6, v18  }
0x278: {  	v0 =	vsel vm10, v0, v2;
	v2 =	vadd.f32 v56, v3;
	v3 =	vperm.xlane v5, v18  }
0x279: {  	v0 =	vsel vm11, v0, v1;
	v1 =	vadd.f32 v6, v4  }
0x27a: {  	v0 =	vsel vm12, v0, v2;
	v2 =	vadd.f32 v5, v3  }
0x27b: {  	v0 =	vsel vm13, v0, v1  }
0x27c: {  	v0 =	vsel vm14, v0, v2  }
0x27d: {  	v1 =	vshra.s32 v0, $0x1;
	v2 =	vmul.f32 $5.000000000e-01, v0  }
0x27e: {  	v1 =	vsub.s32 $0x5F3759DF, v1  }
0x27f: {  	v3 =	vmul.f32 v1, v2;
	_ =	sdelay $0x1  }
0x280: {  	v3 =	vmul.f32 v1, v3;
	_ =	sdelay $0x1  }
0x281: {  	v3 =	vsub.f32 $1.500000000e+00, v3;
	_ =	sdelay $0x1  }
0x282: {  	v1 =	vmul.f32 v1, v3;
	_ =	sdelay $0x1  }
0x283: {  	v3 =	vmul.f32 v1, v2;
	_ =	sdelay $0x1  }
0x284: {  	v3 =	vmul.f32 v3, v1;
	_ =	sdelay $0x1  }
0x285: {  	v3 =	vsub.f32 $1.500000000e+00, v3;
	_ =	sdelay $0x1  }
0x286: {  	v1 =	vmul.f32 v3, v1;
	_ =	sdelay $0x1  }
0x287: {  	v2 =	vmul.f32 v1, v2;
	_ =	sdelay $0x1  }
0x288: {  	v2 =	vmul.f32 v2, v1;
	_ =	sdelay $0x1  }
0x289: {  	v2 =	vsub.f32 $1.500000000e+00, v2;
	_ =	sdelay $0x1  }
0x28a: {  	v1 =	vmul.f32 v2, v1;
	_ =	sdelay $0x1  }
0x28b: {  	v0 =	vmul.f32 v1, v0  }
0x28c: {  	s19 =	sadd.s32 $0x10, s19  }
0x28d: {  	s18 =	sshra.s32 s20, $0x2;
	[tilespmem:s19+$0x0] =	vst v0  }
0x28e: {  	v38 =	vld [tilespmem:s18+$0x109F0]  }
0x28f: {  	v22 =	vld [tilespmem:s18+$0x89F0]  }
0x290: {  	v59 =	vld [tilespmem:s18+$0x9F0]  }
0x291: {  	v35 =	vld [tilespmem:s18+$0x109E0]  }
0x292: {  	v0 =	vld [tilespmem:s18+$0x109B0]  }
0x293: {  	v41 =	vld [tilespmem:s18+$0x89E0]  }
0x294: {  	v54 =	vld [tilespmem:s18+$0x9E0]  }
0x295: {  	v39 =	vld [tilespmem:s18+$0x109D0]  }
0x296: {  	v57 =	vld [tilespmem:s18+$0x109C0]  }
0x297: {  	v32 =	vld [tilespmem:s18+$0x89B0]  }
0x298: {  	v28 =	vld [tilespmem:s18+$0x9B0]  }
0x299: {  	v33 =	vld [tilespmem:s18+$0x109A0]  }
0x29a: {  	v50 =	vld [tilespmem:s18+$0x10970]  }
0x29b: {  	v52 =	vld [tilespmem:s18+$0x89D0]  }
0x29c: {  	v4 =	vld [tilespmem:s18+$0x9D0]  }
0x29d: {  	v1 =	vld [tilespmem:s18+$0x89C0]  }
0x29e: {  	v18 =	vld [tilespmem:s18+$0x89A0]  }
0x29f: {  	v15 =	vld [tilespmem:s18+$0x9A0]  }
0x2a0: {  	v63 =	vld [tilespmem:s18+$0x10990]  }
0x2a1: {  	v16 =	vld [tilespmem:s18+$0x10980]  }
0x2a2: {  	v24 =	vld [tilespmem:s18+$0x8970]  }
0x2a3: {  	v21 =	vld [tilespmem:s18+$0x970]  }
0x2a4: {  	v37 =	vld [tilespmem:s18+$0x10960]  }
0x2a5: {  	v2 =	vld [tilespmem:s18+$0x10930]  }
0x2a6: {  	v8 =	vld [tilespmem:s18+$0x8990]  }
0x2a7: {  	v6 =	vld [tilespmem:s18+$0x990]  }
0x2a8: {  	v3 =	vld [tilespmem:s18+$0x8980]  }
0x2a9: {  	v20 =	vld [tilespmem:s18+$0x8960]  }
0x2aa: {  	v43 =	vld [tilespmem:s18+$0x960]  }
0x2ab: {  	v25 =	vld [tilespmem:s18+$0x10950]  }
0x2ac: {  	v44 =	vld [tilespmem:s18+$0x10940]  }
0x2ad: {  	v40 =	vld [tilespmem:s18+$0x8930]  }
0x2ae: {  	v34 =	vld [tilespmem:s18+$0x930]  }
0x2af: {  	v42 =	vld [tilespmem:s18+$0x10920]  }
0x2b0: {  	v5 =	vld [tilespmem:s18+$0x108F0]  }
0x2b1: {  	v14 =	vld [tilespmem:s18+$0x8950]  }
0x2b2: {  	v13 =	vld [tilespmem:s18+$0x950]  }
0x2b3: {  	v12 =	vld [tilespmem:s18+$0x8940]  }
0x2b4: {  	v11 =	vld [tilespmem:s18+$0x940]  }
0x2b5: {  	v62 =	vld [tilespmem:s18+$0x8920]  }
0x2b6: {  	v23 =	vld [tilespmem:s18+$0x920]  }
0x2b7: {  	v61 =	vld [tilespmem:s18+$0x10910]  }
0x2b8: {  	v19 =	vld [tilespmem:s18+$0x10900]  }
0x2b9: {  	v10 =	vld [tilespmem:s18+$0x8910]  }
0x2ba: {  	v9 =	vld [tilespmem:s18+$0x910]  }
0x2bb: {  	v7 =	vld [tilespmem:s18+$0x8900]  }
0x2bc: {  	v46 =	vld [tilespmem:s18+$0x88E0]  }
0x2bd: {  	v48 =	vld [tilespmem:s18+$0x8E0]  }
0x2be: {  	v26 =	vld [tilespmem:s18+$0x108D0]  }
0x2bf: {  	v55 =	vld [tilespmem:s18+$0x88D0]  }
0x2c0: {  	v56 =	vld [tilespmem:s18+$0x8D0]  }
0x2c1: {  	v58 =	vld [tilespmem:s18+$0x88C0]  }
0x2c2: {  	v60 =	vld [tilespmem:s18+$0x8C0]  }
0x2c3: {  	v49 =	vld [tilespmem:s18+$0x88A0]  }
0x2c4: {  	v53 =	vld [tilespmem:s18+$0x8A0]  }
0x2c5: {  	v47 =	vld [tilespmem:s18+$0x10890]  }
0x2c6: {  	v51 =	vld [tilespmem:s18+$0x10880]  }
0x2c7: {  	v31 =	vld [tilespmem:s18+$0x8890]  }
0x2c8: {  	v30 =	vld [tilespmem:s18+$0x890]  }
0x2c9: {  	v45 =	vld [tilespmem:s18+$0x8860]  }
0x2ca: {  	v27 =	vld [tilespmem:s18+$0x8880]  }
0x2cb: {  	[tilespmem:$0x1F9B0] =	vst v0;
	v0 =	vld [tilespmem:s18+$0x9C0]  }
0x2cc: {  	[tilespmem:$0x1F9F0] =	vst v5;
	v5 =	vld [tilespmem:s18+$0x88F0]  }
0x2cd: {  	[tilespmem:$0x1FA20] =	vst v26;
	v26 =	vld [tilespmem:s18+$0x108C0]  }
0x2ce: {  	[tilespmem:$0x1FA70] =	vst v45;
	v45 =	vld [tilespmem:s18+$0x860]  }
0x2cf: {  	[tilespmem:$0x1F9C0] =	vst v2;
	v2 =	vld [tilespmem:s18+$0x980]  }
0x2d0: {  	v22 =	vadd.f32 v22, v59;
	v59 =	vld [tilespmem:s18+$0x840]  }
0x2d1: {  	[tilespmem:$0x1F9D0] =	vst v5;
	v5 =	vld [tilespmem:s18+$0x8F0]  }
0x2d2: {  	[tilespmem:$0x1FA10] =	vst v26;
	v26 =	vld [tilespmem:s18+$0x88B0]  }
0x2d3: {  	[tilespmem:$0x1FA80] =	vst v45;
	v45 =	vld [tilespmem:s18+$0x10850];
	v0 =	vadd.f32 v1, v0;
	v1 =	vadd.f32 v52, v4  }
0x2d4: {  	v52 =	vld [tilespmem:s18+$0x8850];
	v4 =	vadd.f32 v41, v54;
	v2 =	vadd.f32 v3, v2  }
0x2d5: {  	v54 =	vld [tilespmem:s18+$0x850];
	v0 =	vsub.f32 v0, v57;
	v1 =	vsub.f32 v1, v39  }
0x2d6: {  	v3 =	vadd.f32 v8, v6;
	v41 =	vld [tilespmem:s18+$0x10800];
	v6 =	vadd.f32 v18, v15  }
0x2d7: {  	v15 =	vld [tilespmem:s18+$0x810];
	v4 =	vsub.f32 v4, v35;
	v0 =	vmul.f32 v0, v0;
	v1 =	vmul.f32 v1, v1  }
0x2d8: {  	v18 =	vadd.f32 v55, v56;
	v55 =	vld [tilespmem:s18+$0x8780]  }
0x2d9: {  	v57 =	vld [tilespmem:s18+$0x8840];
	v0 =	vadd.f32 v1, v0;
	v1 =	vmul.f32 v4, v4;
	v4 =	vsub.f32 v22, v38  }
0x2da: {  	v35 =	vld [tilespmem:s18+$0x8820]  }
0x2db: {  	[tilespmem:$0x1F9E0] =	vst v5;
	v5 =	vld [tilespmem:s18+$0x108E0];
	v0 =	vadd.f32 v1, v0;
	v1 =	vmul.f32 v4, v4  }
0x2dc: {  	v4 =	vld [tilespmem:s18+$0x87F0]  }
0x2dd: {  	v0 =	vadd.f32 v1, v0;
	v1 =	vld [tilespmem:s18+$0x107E0]  }
0x2de: {  	v39 =	vld [tilespmem:s18+$0x820];
	[tilespmem:$0x1FA30] =	vst v26  }
0x2df: {  	v26 =	vld [tilespmem:s18+$0x8B0];
	[tilespmem:$0x1FAA0] =	vst v45  }
0x2e0: {  	v2 =	vsub.f32 v2, v16;
	v3 =	vsub.f32 v3, v63;
	[tilespmem:$0x1FA00] =	vst v5;
	v5 =	vld [tilespmem:s18+$0x108B0]  }
0x2e1: {  	v45 =	vld [tilespmem:s18+$0x10840];
	[tilespmem:$0x1FB30] =	vst v4  }
0x2e2: {  	v4 =	vld [tilespmem:s18+$0x7F0];
	[tilespmem:$0x1FB50] =	vst v1;
	v1 =	vmul.f32 v2, v2;
	v2 =	vmul.f32 v3, v3;
	v3 =	vsub.f32 v6, v33  }
0x2e3: {  	v6 =	vld [tilespmem:s18+$0x107B0]  }
0x2e4: {  	v1 =	vadd.f32 v2, v1;
	v2 =	vmul.f32 v3, v3;
	v3 =	vld [tilespmem:$0x1F9B0]  }
0x2e5: {  	[tilespmem:$0x1FA60] =	vst v5;
	v5 =	vld [tilespmem:s18+$0x900]  }
0x2e6: {  	v22 =	vadd.f32 v31, v30;
	[tilespmem:$0x1FA40] =	vst v26;
	v26 =	vld [tilespmem:s18+$0x108A0]  }
0x2e7: {  	v63 =	vld [tilespmem:s18+$0x8810];
	[tilespmem:$0x1FB40] =	vst v4;
	v4 =	vadd.f32 v32, v28  }
0x2e8: {  	v22 =	vsub.f32 v22, v47;
	[tilespmem:$0x1FA90] =	vst v45;
	v45 =	vld [tilespmem:s18+$0x8830]  }
0x2e9: {  	v38 =	vld [tilespmem:s18+$0x10810];
	v8 =	vperm.xlane v0, v17;
	[tilespmem:$0x1FB80] =	vst v6;
	v6 =	vadd.f32 v24, v21;
	v3 =	vsub.f32 v4, v3  }
0x2ea: {  	v31 =	vld [tilespmem:s18+$0x8730];
	v1 =	vadd.f32 v2, v1;
	v5 =	vadd.f32 v7, v5  }
0x2eb: {  	[tilespmem:$0x1FA50] =	vst v26;
	v26 =	vld [tilespmem:s18+$0x10870];
	v4 =	vsub.f32 v6, v50;
	v6 =	vadd.f32 v0, v8;
	v2 =	vmul.f32 v3, v3  }
0x2ec: {  	v47 =	vld [tilespmem:s18+$0x10740];
	v8 =	vadd.f32 v14, v13;
	v3 =	vadd.f32 v12, v11  }
0x2ed: {  	[tilespmem:$0x1FAF0] =	vst v45;
	v45 =	vld [tilespmem:s18+$0x830];
	v0 =	vadd.f32 v20, v43;
	v1 =	vadd.f32 v2, v1  }
0x2ee: {  	v33 =	vld [tilespmem:s18+$0x8720];
	v2 =	vsub.f32 v3, v44;
	v3 =	vsub.f32 v8, v25  }
0x2ef: {  	v28 =	vld [tilespmem:s18+$0x800];
	v7 =	vadd.f32 v10, v9;
	v9 =	vadd.f32 v62, v23  }
0x2f0: {  	[tilespmem:$0x1FAE0] =	vst v26;
	v26 =	vld [tilespmem:s18+$0x8870];
	v0 =	vsub.f32 v0, v37;
	v2 =	vmul.f32 v2, v2;
	v3 =	vmul.f32 v3, v3  }
0x2f1: {  	v32 =	vld [tilespmem:s18+$0x8760];
	v5 =	vsub.f32 v5, v19;
	v7 =	vsub.f32 v7, v61  }
0x2f2: {  	[tilespmem:$0x1FB00] =	vst v45;
	v45 =	vld [tilespmem:s18+$0x10820];
	v0 =	vmul.f32 v0, v0;
	v2 =	vadd.f32 v3, v2  }
0x2f3: {  	v3 =	vmul.f32 v5, v5;
	v5 =	vmul.f32 v7, v7;
	v7 =	vsub.f32 v9, v42;
	v9 =	vld [tilespmem:s18+$0x10770]  }
0x2f4: {  	v0 =	vadd.f32 v0, v2;
	v2 =	vld [tilespmem:$0x1F9C0]  }
0x2f5: {  	[tilespmem:$0x1FAB0] =	vst v26;
	v26 =	vld [tilespmem:s18+$0x870]  }
0x2f6: {  	v23 =	vld [tilespmem:s18+$0x107A0]  }
0x2f7: {  	v10 =	vadd.f32 v40, v34;
	v62 =	vld [tilespmem:s18+$0x10790]  }
0x2f8: {  	v40 =	vld [tilespmem:s18+$0x10750];
	v12 =	vperm.xlane v1, v17;
	v3 =	vadd.f32 v5, v3  }
0x2f9: {  	v34 =	vld [tilespmem:s18+$0x6F0];
	v5 =	vmul.f32 v7, v7;
	[tilespmem:$0x1FBB0] =	vst v9;
	v9 =	vmul.f32 v4, v4;
	v7 =	vsub.f32 v10, v2  }
0x2fa: {  	[tilespmem:$0x1FAC0] =	vst v26;
	v26 =	vld [tilespmem:s18+$0x10860];
	v12 =	vadd.f32 v1, v12  }
0x2fb: {  	v30 =	vld [tilespmem:$0x1FB00];
	v3 =	vadd.f32 v5, v3;
	v10 =	vadd.f32 v9, v0;
	v5 =	vmul.f32 v7, v7  }
0x2fc: {  	v43 =	vld [tilespmem:s18+$0x87E0]  }
0x2fd: {  	v50 =	vld [tilespmem:s18+$0x107C0];
	v13 =	vperm.xlane v12, v29;
	v7 =	vperm.xlane v10, v17;
	v3 =	vadd.f32 v5, v3  }
0x2fe: {  	v61 =	vld [tilespmem:s18+$0x87A0]  }
0x2ff: {  	[tilespmem:$0x1FAD0] =	vst v26;
	v26 =	vld [tilespmem:s18+$0x10830];
	v5 =	vadd.f32 v10, v7;
	v7 =	vadd.f32 v12, v13;
	v12 =	vperm.xlane v3, v17  }
0x300: {  	v19 =	vld [tilespmem:s18+$0x10780]  }
0x301: {  	v20 =	vld [tilespmem:$0x1FA30];
	v3 =	vadd.f32 v3, v12  }
0x302: {  	v11 =	vld [tilespmem:s18+$0x7E0]  }
0x303: {  	v37 =	vld [tilespmem:s18+$0x750];
	v12 =	vperm.xlane v3, v29  }
0x304: {  	[tilespmem:$0x1FB20] =	vst v26;
	v26 =	vld [tilespmem:s18+$0x880]  }
0x305: {  	v9 =	vperm.xlane v6, v29;
	v3 =	vadd.f32 v3, v12;
	v12 =	vld [tilespmem:$0x1FA10]  }
0x306: {  	[tilespmem:$0x1FB10] =	vst v45;
	v45 =	vld [tilespmem:s18+$0x107F0];
	v16 =	vperm.xlane v7, v36  }
0x307: {  	v44 =	vld [tilespmem:s18+$0x107D0];
	v6 =	vadd.f32 v6, v9  }
0x308: {  	v8 =	vld [tilespmem:s18+$0x87B0];
	v7 =	vadd.f32 v7, v16;
	v16 =	vadd.f32 v58, v60  }
0x309: {  	v21 =	vadd.f32 v27, v26;
	v26 =	vld [tilespmem:$0x1FA40]  }
0x30a: {  	v10 =	vperm.xlane v6, v36;
	v12 =	vsub.f32 v16, v12;
	v16 =	vld [tilespmem:$0x1FA20]  }
0x30b: {  	[tilespmem:$0x1FB60] =	vst v45;
	v45 =	vld [tilespmem:s18+$0x8800]  }
0x30c: {  	v1 =	vld [tilespmem:s18+$0x87C0];
	v6 =	vadd.f32 v6, v10  }
0x30d: {  	v42 =	vld [tilespmem:s18+$0x760]  }
0x30e: {  	[tilespmem:$0x1FD90] =	vst v6;
	v6 =	vld [tilespmem:s18+$0x8770]  }
0x30f: {  	v26 =	vadd.f32 v20, v26;
	v20 =	vld [tilespmem:$0x1FA50];
	v18 =	vsub.f32 v18, v16  }
0x310: {  	[tilespmem:$0x1FB70] =	vst v8;
	v8 =	vld [tilespmem:s18+$0x7B0]  }
0x311: {  	v4 =	vld [tilespmem:s18+$0x87D0];
	v12 =	vmul.f32 v12, v12;
	v18 =	vmul.f32 v18, v18  }
0x312: {  	v24 =	vadd.f32 v49, v53;
	v10 =	vld [tilespmem:$0x1F9E0];
	v21 =	vsub.f32 v21, v51  }
0x313: {  	[tilespmem:$0x1FB90] =	vst v6;
	v6 =	vld [tilespmem:$0x1F9D0];
	v12 =	vadd.f32 v18, v12  }
0x314: {  	v18 =	vmul.f32 v21, v21;
	v21 =	vmul.f32 v22, v22;
	v22 =	vsub.f32 v24, v20;
	v20 =	vld [tilespmem:$0x1FA60]  }
0x315: {  	v14 =	vperm.xlane v5, v29;
	[tilespmem:$0x1FDB0] =	vst v7;
	v7 =	vld [tilespmem:s18+$0x10760]  }
0x316: {  	v2 =	vld [tilespmem:s18+$0x7D0]  }
0x317: {  	v5 =	vadd.f32 v5, v14;
	v14 =	vld [tilespmem:$0x1FA00]  }
0x318: {  	v0 =	vld [tilespmem:s18+$0x7C0];
	v6 =	vadd.f32 v6, v10;
	v18 =	vadd.f32 v21, v18  }
0x319: {  	v10 =	vld [tilespmem:$0x1F9F0];
	v21 =	vmul.f32 v22, v22;
	v24 =	vsub.f32 v26, v20;
	v26 =	vperm.xlane v3, v36  }
0x31a: {  	[tilespmem:$0x1FBA0] =	vst v7;
	v7 =	vadd.f32 v46, v48;
	v20 =	vld [tilespmem:$0x1FA80]  }
0x31b: {  	v25 =	vperm.xlane v5, v36;
	v49 =	vadd.f32 v3, v26;
	v3 =	vadd.f32 v21, v18;
	v18 =	vld [tilespmem:$0x1FA70]  }
0x31c: {  	v9 =	vld [tilespmem:s18+$0x7A0];
	v7 =	vsub.f32 v7, v14  }
0x31d: {  	v13 =	vld [tilespmem:s18+$0x770];
	v56 =	vadd.f32 v5, v25;
	v5 =	vmul.f32 v24, v24  }
0x31e: {  	v7 =	vmul.f32 v7, v7;
	v6 =	vsub.f32 v6, v10;
	v21 =	vld [tilespmem:$0x1FAC0]  }
0x31f: {  	v3 =	vadd.f32 v5, v3;
	v5 =	vld [tilespmem:$0x1FA90]  }
0x320: {  	v6 =	vmul.f32 v6, v6;
	v7 =	vadd.f32 v7, v12;
	v18 =	vadd.f32 v18, v20;
	v20 =	vld [tilespmem:$0x1FAB0]  }
0x321: {  	v2 =	vadd.f32 v4, v2;
	v4 =	vadd.f32 v43, v11;
	v43 =	vld [tilespmem:s18+$0x86D0]  }
0x322: {  	v60 =	vld [tilespmem:s18+$0x10720];
	v6 =	vadd.f32 v6, v7;
	v7 =	vadd.f32 v57, v59  }
0x323: {  	v51 =	vld [tilespmem:s18+$0x8750]  }
0x324: {  	v5 =	vsub.f32 v7, v5;
	v7 =	vld [tilespmem:$0x1FAA0]  }
0x325: {  	v21 =	vadd.f32 v20, v21;
	v20 =	vadd.f32 v63, v15;
	v15 =	vld [tilespmem:$0x1FAF0]  }
0x326: {  	v48 =	vld [tilespmem:s18+$0x10730]  }
0x327: {  	v16 =	vld [tilespmem:s18+$0x780];
	v12 =	vadd.f32 v52, v54  }
0x328: {  	v46 =	vld [tilespmem:s18+$0x730]  }
0x329: {  	v14 =	vld [tilespmem:s18+$0x790];
	v7 =	vsub.f32 v12, v7  }
0x32a: {  	v25 =	vperm.xlane v6, v17;
	v54 =	vadd.f32 v15, v30;
	v15 =	vld [tilespmem:$0x1FB10]  }
0x32b: {  	v27 =	vmul.f32 v5, v5;
	v5 =	vld [tilespmem:$0x1FAD0];
	v7 =	vmul.f32 v7, v7  }
0x32c: {  	v10 =	vld [tilespmem:s18+$0x8790];
	v16 =	vadd.f32 v55, v16;
	v25 =	vadd.f32 v6, v25  }
0x32d: {  	v55 =	vld [tilespmem:s18+$0x86A0];
	v6 =	vadd.f32 v7, v27;
	v27 =	vadd.f32 v35, v39  }
0x32e: {  	v22 =	vld [tilespmem:s18+$0x740]  }
0x32f: {  	v27 =	vsub.f32 v27, v15;
	v15 =	vld [tilespmem:$0x1FB20]  }
0x330: {  	v18 =	vsub.f32 v18, v5;
	v5 =	vld [tilespmem:$0x1FAE0]  }
0x331: {  	v10 =	vadd.f32 v10, v14;
	v14 =	vld [tilespmem:s18+$0x10670]  }
0x332: {  	v52 =	vld [tilespmem:s18+$0x86C0];
	v24 =	vperm.xlane v3, v17  }
0x333: {  	v20 =	vsub.f32 v20, v38;
	v30 =	vld [tilespmem:$0x1FB40]  }
0x334: {  	v7 =	vmul.f32 v18, v18;
	v18 =	vadd.f32 v3, v24;
	v35 =	vsub.f32 v54, v15;
	v15 =	vld [tilespmem:$0x1FB30]  }
0x335: {  	v12 =	vld [tilespmem:s18+$0x8740];
	v24 =	vadd.f32 v45, v28;
	v53 =	vsub.f32 v21, v5  }
0x336: {  	v26 =	vld [tilespmem:s18+$0x106F0];
	v38 =	vmul.f32 v20, v20  }
0x337: {  	v20 =	vld [tilespmem:s18+$0x106B0];
	v6 =	vadd.f32 v7, v6;
	v24 =	vsub.f32 v24, v41;
	v28 =	vmul.f32 v53, v53  }
0x338: {  	v2 =	vsub.f32 v2, v44;
	v3 =	vld [tilespmem:s18+$0x10700]  }
0x339: {  	v39 =	vadd.f32 v28, v6;
	v28 =	vmul.f32 v24, v24;
	v15 =	vadd.f32 v15, v30;
	v30 =	vld [tilespmem:$0x1FB50]  }
0x33a: {  	v58 =	vperm.xlane v25, v29;
	v45 =	vld [tilespmem:s18+$0x700];
	v12 =	vadd.f32 v12, v22;
	v57 =	vperm.xlane v18, v29  }
0x33b: {  	v22 =	vadd.f32 v51, v37;
	v37 =	vld [tilespmem:s18+$0x660];
	v27 =	vmul.f32 v27, v27;
	v59 =	vadd.f32 v38, v28  }
0x33c: {  	v7 =	vld [tilespmem:s18+$0x86F0];
	v54 =	vadd.f32 v18, v57;
	v18 =	vadd.f32 v25, v58  }
0x33d: {  	v41 =	vld [tilespmem:s18+$0x6B0];
	v57 =	vadd.f32 v1, v0;
	v25 =	vadd.f32 v27, v59;
	v27 =	vmul.f32 v35, v35  }
0x33e: {  	v12 =	vsub.f32 v12, v47;
	v4 =	vsub.f32 v4, v30;
	v30 =	vld [tilespmem:$0x1FB60]  }
0x33f: {  	v5 =	vld [tilespmem:s18+$0x720];
	v11 =	vadd.f32 v27, v25;
	v25 =	vsub.f32 v57, v50  }
0x340: {  	v2 =	vmul.f32 v2, v2;
	v21 =	vld [tilespmem:s18+$0x10710]  }
0x341: {  	v10 =	vsub.f32 v10, v62;
	v62 =	vmul.f32 v12, v12;
	v12 =	vld [tilespmem:$0x1FBA0];
	v25 =	vmul.f32 v25, v25  }
0x342: {  	v6 =	vld [tilespmem:s18+$0x106E0]  }
0x343: {  	v24 =	vld [tilespmem:s18+$0x8710];
	v2 =	vadd.f32 v2, v25;
	v4 =	vmul.f32 v4, v4;
	v15 =	vsub.f32 v15, v30  }
0x344: {  	v5 =	vadd.f32 v33, v5;
	v33 =	vld [tilespmem:s18+$0x640]  }
0x345: {  	v2 =	vadd.f32 v4, v2;
	v4 =	vmul.f32 v15, v15;
	v15 =	vsub.f32 v16, v19;
	v19 =	vld [tilespmem:$0x1FB70]  }
0x346: {  	v28 =	vld [tilespmem:s18+$0x710]  }
0x347: {  	v38 =	vld [tilespmem:s18+$0x8700]  }
0x348: {  	v0 =	vld [tilespmem:s18+$0x86E0]  }
0x349: {  	v9 =	vadd.f32 v61, v9;
	v63 =	vperm.xlane v39, v17;
	v1 =	vld [tilespmem:s18+$0x6E0]  }
0x34a: {  	v8 =	vadd.f32 v19, v8;
	v19 =	vld [tilespmem:$0x1FB80]  }
0x34b: {  	v9 =	vsub.f32 v9, v23;
	v10 =	vmul.f32 v10, v10;
	v53 =	vadd.f32 v39, v63;
	v39 =	vld [tilespmem:s18+$0x106C0]  }
0x34c: {  	v35 =	vld [tilespmem:s18+$0x86B0];
	v58 =	vperm.xlane v11, v17;
	v2 =	vadd.f32 v4, v2;
	v15 =	vmul.f32 v15, v15  }
0x34d: {  	v9 =	vmul.f32 v9, v9;
	v27 =	vld [tilespmem:s18+$0x106D0];
	v59 =	vperm.xlane v53, v29  }
0x34e: {  	v50 =	vld [tilespmem:s18+$0x6D0];
	v11 =	vadd.f32 v11, v58;
	v10 =	vadd.f32 v10, v15;
	v15 =	vperm.xlane v2, v17  }
0x34f: {  	v34 =	vadd.f32 v7, v34;
	v57 =	vld [tilespmem:s18+$0x6A0];
	v16 =	vperm.xlane v18, v36;
	v19 =	vsub.f32 v8, v19  }
0x350: {  	v44 =	vadd.f32 v53, v59;
	v53 =	vld [tilespmem:s18+$0x6C0];
	v4 =	vperm.xlane v11, v29;
	v2 =	vadd.f32 v2, v15  }
0x351: {  	v59 =	vld [tilespmem:s18+$0x10690];
	v8 =	vadd.f32 v18, v16;
	v16 =	vadd.f32 v9, v10;
	v19 =	vmul.f32 v19, v19  }
0x352: {  	v25 =	vld [tilespmem:s18+$0x106A0];
	v58 =	vadd.f32 v24, v28;
	v4 =	vadd.f32 v11, v4;
	v11 =	vperm.xlane v54, v36  }
0x353: {  	v7 =	vsub.f32 v5, v60;
	v24 =	vld [tilespmem:s18+$0x10640];
	v15 =	vadd.f32 v19, v16;
	v16 =	vperm.xlane v2, v29  }
0x354: {  	v28 =	vld [tilespmem:s18+$0x8620];
	v5 =	vsub.f32 v58, v21;
	v23 =	vperm.xlane v4, v36;
	v9 =	vadd.f32 v54, v11  }
0x355: {  	v63 =	vperm.xlane v44, v36;
	v21 =	vld [tilespmem:s18+$0x8650];
	v2 =	vadd.f32 v2, v16;
	v16 =	vsub.f32 v22, v40  }
0x356: {  	v18 =	vld [tilespmem:s18+$0x10680];
	v11 =	vadd.f32 v4, v23;
	v23 =	vadd.f32 v32, v42;
	v61 =	vperm.xlane v15, v17  }
0x357: {  	v17 =	vld [tilespmem:$0x1FB90];
	v30 =	vperm.xlane v2, v36;
	v16 =	vmul.f32 v16, v16  }
0x358: {  	v10 =	vadd.f32 v44, v63;
	v44 =	vld [tilespmem:s18+$0x8670];
	v23 =	vsub.f32 v23, v12  }
0x359: {  	v12 =	vadd.f32 v2, v30;
	v2 =	vadd.f32 v16, v62;
	v16 =	vld [tilespmem:$0x1FBB0]  }
0x35a: {  	v54 =	vld [tilespmem:s18+$0x670];
	v15 =	vadd.f32 v15, v61  }
0x35b: {  	v4 =	vld [tilespmem:s18+$0x8630]  }
0x35c: {  	v32 =	vld [tilespmem:s18+$0x690];
	v51 =	vperm.xlane v15, v29;
	v13 =	vadd.f32 v17, v13  }
0x35d: {  	v63 =	vadd.f32 v31, v46;
	v31 =	vld [tilespmem:s18+$0x8660];
	v23 =	vmul.f32 v23, v23  }
0x35e: {  	v19 =	vld [tilespmem:s18+$0x630];
	v30 =	vsub.f32 v13, v16;
	v13 =	vadd.f32 v15, v51  }
0x35f: {  	v22 =	vld [tilespmem:s18+$0x8690];
	v15 =	vadd.f32 v23, v2;
	v2 =	vadd.f32 v38, v45  }
0x360: {  	v40 =	vld [tilespmem:s18+$0x680];
	v61 =	vadd.f32 v43, v50  }
0x361: {  	v60 =	vadd.f32 v52, v53;
	v36 =	vld [tilespmem:s18+$0x8680];
	v3 =	vsub.f32 v2, v3  }
0x362: {  	v1 =	vadd.f32 v0, v1;
	v29 =	vld [tilespmem:s18+$0x620];
	v38 =	vsub.f32 v61, v27  }
0x363: {  	p0 =	sne.s32 s20, $0x1F000;
	v5 =	vmul.f32 v5, v5;
	v62 =	vsub.f32 v60, v39;
	v23 =	vld [tilespmem:s18+$0x10650];
	v3 =	vmul.f32 v3, v3  }
.Ltmp0:
0x364: {  	v6 =	vsub.f32 v1, v6;
	v27 =	vld [tilespmem:s18+$0x8640];
	v2 =	vsub.f32 v34, v26;
	v38 =	vmul.f32 v38, v38;
	(pc) =	sbr.rel @p0 .LBB2_2-.Ltmp0, $4  }
0x365: {  	v26 =	vld [tilespmem:s18+$0x650];
	v0 =	vadd.f32 v5, v3;
	v3 =	vadd.f32 v35, v41;
	v5 =	vmul.f32 v62, v62  }
0x366: {  	v16 =	vsub.f32 v63, v48;
	v63 =	vadd.f32 v55, v57;
	v34 =	vld [tilespmem:s18+$0x8610]  }
0x367: {  	v35 =	vld [tilespmem:s18+$0x610];
	v1 =	vsub.f32 v3, v20;
	v3 =	vadd.f32 v38, v5  }
0x368: {  	s20 =	sadd.s32 $0x1000, s20;
	v20 =	vld [tilespmem:s18+$0x8600];
	v38 =	vadd.f32 v44, v54;
	v5 =	vsub.f32 v63, v25  }
0x369: {  	v25 =	vld [tilespmem:s18+$0x600];
	v36 =	vadd.f32 v36, v40;
	v22 =	vadd.f32 v22, v32  }
0x36a: {  	v61 =	vld [tilespmem:s18+$0x10610];
	v4 =	vadd.f32 v4, v19;
	v63 =	vadd.f32 v28, v29  }
0x36b: {  	v62 =	vld [tilespmem:s18+$0x10600];
	v40 =	vadd.f32 v31, v37;
	v27 =	vadd.f32 v27, v33  }
0x36c: {  	v41 =	vld [tilespmem:s18+$0x10660];
	v30 =	vmul.f32 v30, v30;
	v14 =	vsub.f32 v38, v14;
	v21 =	vadd.f32 v21, v26  }
0x36d: {  	v42 =	vld [tilespmem:s18+$0x10620];
	v7 =	vmul.f32 v7, v7;
	v18 =	vsub.f32 v36, v18;
	v17 =	vsub.f32 v22, v59  }
0x36e: {  	v46 =	vld [tilespmem:s18+$0x10630];
	v6 =	vmul.f32 v6, v6;
	v45 =	vadd.f32 v34, v35;
	v20 =	vadd.f32 v20, v25  }
0x36f: {  	v5 =	vmul.f32 v5, v5;
	v24 =	vsub.f32 v27, v24;
	v21 =	vsub.f32 v21, v23  }
0x370: {  	v17 =	vmul.f32 v17, v17;
	v47 =	vsub.f32 v45, v61;
	v19 =	vsub.f32 v20, v62  }
0x371: {  	v48 =	vmul.f32 v24, v24;
	v21 =	vmul.f32 v21, v21;
	v50 =	vsub.f32 v40, v41  }
0x372: {  	v22 =	vsub.f32 v63, v42;
	v20 =	vmul.f32 v47, v47;
	v19 =	vmul.f32 v19, v19  }
0x373: {  	v18 =	vmul.f32 v18, v18;
	v4 =	vsub.f32 v4, v46;
	v24 =	vmul.f32 v50, v50  }
0x374: {  	v51 =	vmul.f32 v22, v22;
	v21 =	vadd.f32 v21, v48;
	v19 =	vadd.f32 v20, v19  }
0x375: {  	v57 =	vld [tilespmem:$0x1FFC0];
	v3 =	vadd.f32 v6, v3;
	v14 =	vmul.f32 v14, v14;
	v17 =	vadd.f32 v17, v18  }
0x376: {  	v43 =	vld [tilespmem:$0x1FFE0];
	v4 =	vmul.f32 v4, v4;
	v53 =	vadd.f32 v24, v21;
	v52 =	vadd.f32 v51, v19  }
0x377: {  	v1 =	vmul.f32 v1, v1;
	v0 =	vadd.f32 v7, v0;
	v5 =	vadd.f32 v5, v17  }
0x378: {  	v2 =	vmul.f32 v2, v2;
	v54 =	vadd.f32 v14, v53;
	v4 =	vadd.f32 v4, v52  }
0x379: {  	v55 =	vmul.f32 v16, v16;
	v60 =	vadd.f32 v30, v15;
	v1 =	vadd.f32 v1, v5;
	v20 =	vld [tilespmem:$0x1FFD0]  }
0x37a: {  	v2 =	vadd.f32 v2, v3;
	v14 =	vperm.xlane v54, v57;
	v58 =	vperm.xlane v4, v57  }
0x37b: {  	v0 =	vadd.f32 v55, v0;
	v44 =	vperm.xlane v13, v43;
	v59 =	vperm.xlane v1, v57  }
0x37c: {  	v61 =	vperm.xlane v2, v57;
	v6 =	vadd.f32 v54, v14;
	v4 =	vadd.f32 v4, v58  }
0x37d: {  	v63 =	vperm.xlane v60, v57;
	v62 =	vperm.xlane v0, v57;
	v1 =	vadd.f32 v1, v59  }
0x37e: {  	v2 =	vadd.f32 v2, v61;
	v22 =	vperm.xlane v6, v20;
	v21 =	vperm.xlane v4, v20  }
0x37f: {  	v0 =	vadd.f32 v0, v62;
	v24 =	vadd.f32 v60, v63;
	v23 =	vperm.xlane v1, v20  }
0x380: {  	v27 =	vperm.xlane v2, v20;
	v25 =	vadd.f32 v6, v22;
	v4 =	vadd.f32 v4, v21  }
0x381: {  	v32 =	vld [tilespmem:$0x1FFF0];
	v28 =	vperm.xlane v0, v20;
	v14 =	vperm.xlane v24, v20;
	v1 =	vadd.f32 v1, v23  }
0x382: {  	v2 =	vadd.f32 v2, v27;
	v16 =	vperm.xlane v25, v43;
	v15 =	vperm.xlane v4, v43  }
0x383: {  	v0 =	vadd.f32 v0, v28;
	v3 =	vadd.f32 v24, v14;
	v29 =	vperm.xlane v1, v43  }
0x384: {  	v30 =	vperm.xlane v2, v43;
	v5 =	vadd.f32 v25, v16;
	v4 =	vadd.f32 v4, v15  }
0x385: {  	v31 =	vperm.xlane v0, v43;
	v14 =	vperm.xlane v3, v43;
	v1 =	vadd.f32 v1, v29  }
0x386: {  	v2 =	vadd.f32 v2, v30;
	v16 =	vperm.xlane v5, v32;
	v15 =	vperm.xlane v4, v32  }
0x387: {  	v0 =	vadd.f32 v0, v31;
	v3 =	vadd.f32 v3, v14;
	v33 =	vperm.xlane v1, v32  }
0x388: {  	v34 =	vperm.xlane v2, v32;
	v5 =	vadd.f32 v5, v16;
	v4 =	vadd.f32 v4, v15  }
0x389: {  	v13 =	vadd.f32 v13, v44;
	v35 =	vperm.xlane v0, v32;
	v1 =	vadd.f32 v1, v33  }
0x38a: {  	v36 =	vperm.xlane v3, v32;
	v2 =	vadd.f32 v2, v34;
	v4 =	vsel vm0, v4, v5  }
0x38b: {  	v37 =	vperm.xlane v13, v32;
	v0 =	vadd.f32 v0, v35;
	v1 =	vsel vm1, v4, v1  }
0x38c: {  	v39 =	vperm.xlane v12, v32;
	v38 =	vadd.f32 v3, v36;
	v1 =	vsel vm2, v1, v2  }
0x38d: {  	v41 =	vperm.xlane v11, v32;
	v40 =	vadd.f32 v13, v37;
	v0 =	vsel vm3, v1, v0  }
0x38e: {  	v42 =	vadd.f32 v12, v39;
	v54 =	vld [tilespmem:$0x1FDB0];
	v43 =	vperm.xlane v10, v32;
	v0 =	vsel vm4, v0, v38  }
0x38f: {  	v45 =	vperm.xlane v9, v32;
	v44 =	vadd.f32 v11, v41;
	v58 =	vld [tilespmem:$0x1FD90];
	v0 =	vsel vm5, v0, v40  }
0x390: {  	v47 =	vperm.xlane v8, v32;
	v46 =	vadd.f32 v10, v43;
	v0 =	vsel vm6, v0, v42  }
0x391: {  	v48 =	vadd.f32 v9, v45;
	v50 =	vperm.xlane v49, v32;
	v0 =	vsel vm7, v0, v44  }
0x392: {  	v51 =	vadd.f32 v8, v47;
	v52 =	vperm.xlane v56, v32;
	v0 =	vsel vm8, v0, v46  }
0x393: {  	v53 =	vadd.f32 v49, v50;
	v55 =	vperm.xlane v54, v32;
	v0 =	vsel vm9, v0, v48  }
0x394: {  	v57 =	vadd.f32 v56, v52;
	v59 =	vperm.xlane v58, v32;
	v0 =	vsel vm10, v0, v51  }
0x395: {  	v60 =	vadd.f32 v54, v55;
	v0 =	vsel vm11, v0, v53  }
0x396: {  	v61 =	vadd.f32 v58, v59;
	v0 =	vsel vm12, v0, v57  }
0x397: {  	v0 =	vsel vm13, v0, v60  }
0x398: {  	v0 =	vsel vm14, v0, v61  }
0x399: {  	v62 =	vshra.s32 v0, $0x1;
	v2 =	vmul.f32 $5.000000000e-01, v0  }
0x39a: {  	v1 =	vsub.s32 $0x5F3759DF, v62  }
0x39b: {  	v63 =	vmul.f32 v1, v2;
	_ =	sdelay $0x1  }
0x39c: {  	v3 =	vmul.f32 v1, v63;
	_ =	sdelay $0x1  }
0x39d: {  	v3 =	vsub.f32 $1.500000000e+00, v3;
	_ =	sdelay $0x1  }
0x39e: {  	v1 =	vmul.f32 v1, v3;
	_ =	sdelay $0x1  }
0x39f: {  	v3 =	vmul.f32 v1, v2;
	_ =	sdelay $0x1  }
0x3a0: {  	v3 =	vmul.f32 v3, v1;
	_ =	sdelay $0x1  }
0x3a1: {  	v3 =	vsub.f32 $1.500000000e+00, v3;
	_ =	sdelay $0x1  }
0x3a2: {  	v1 =	vmul.f32 v3, v1;
	_ =	sdelay $0x1  }
0x3a3: {  	v2 =	vmul.f32 v1, v2;
	_ =	sdelay $0x1  }
0x3a4: {  	v2 =	vmul.f32 v2, v1;
	_ =	sdelay $0x1  }
0x3a5: {  	v2 =	vsub.f32 $1.500000000e+00, v2;
	_ =	sdelay $0x1  }
0x3a6: {  	v1 =	vmul.f32 v2, v1;
	_ =	sdelay $0x1  }
0x3a7: {  	s17 =	sadd.s32 $0x1, s17;
	v0 =	vmul.f32 v1, v0  }
0x3a8: {  	s20 =	sadd.s32 $0x10, s19;
	p0 =	sne.s32 s17, s9  }
.Ltmp1:
0x3a9: {  	[tilespmem:s20+$0x0] =	vst v0;
	(pc) =	sbr.rel @p0 .LBB2_1-.Ltmp1, $4  }
0x3aa: {  	[hbm4b:s8+s1] =	stream.linear.scatter [tilespmem:s16], [sflag:$0x2], $0x200, $0x38;
	[tilespmem:$0x18800] =	vst v63  }
0x3ab: {  	_ =	swait.ge [sflag:s10], $0x200  }
0x3ac: {  	[sflag:s10] =	ssyncset.done $0x0  }
0x3ad: {  	[sflag:s10] =	ssyncadd.s32 $0xFFFFFE00  }
0x3ae: {  	_ =	sfence.sel $0x180000  }
0x3af: {  	[bflag:$0x0] =	sbarrier.arrive $0xFFFF  }
0x3b0: {  	_ =	strace $0x90000047  }
0x3b1: {  	s0 =	stileid.u32;
	[bflag:$0x2] =	sbarrier.arrive $0xFFFF  }
0x3b2: {  	p0 =	sne.s32 s0, $0x0;
	s0 =	rddreg [dreg:$0x2]  }
0x3b3: {  	s0 =	sadd.s32 @!p0 $0x100000, s0  }
0x3b4: {  	[sflag:s0] =	ssyncadd.tile.s32 @!p0 $0x1;
	_ =	shalt  }
.Lfunc_end2:
_tile_overlayer_lowered:
.L_overlay_start_2:
0x3b5: {  	(tag) =	ssettag $0x2  }
0x3b6: {  	s0 =	rddreg [dreg:$0x0];
	s2 =	stileid.u32  }
0x3b7: {  	s1 =	rddreg [dreg:$0x1];
	p0 =	sne.s32 s2, $0x0  }
0x3b8: {  	s3 =	rddreg [dreg:$0x2];
	[bflag:$0x3] =	sbarrier.arrive $0xFFFF;
	s2 =	simm.s32 @!p0 $0x1C02  }
0x3b9: {  	[timem:s3], [sflag:s2] =	dma.local @!p0 [hbm:s0], s1  }
0x3ba: {  	s0 =	simm.s32 @!p0 $0x2  }
0x3bb: {  	_ =	swait.ge @!p0 [sflag:s0], s1  }
0x3bc: {  	s1 =	ssub.s32 @!p0 $0x0, s1;
	[sflag:s0] =	ssyncset.done @!p0 $0x0  }
0x3bd: {  	[sflag:s0] =	ssyncadd.s32 @!p0 s1  }
0x3be: {  	[bflag:$0x3] =	sbarrier.arrive $0xFFFF  }
0x3bf: {  	_ =	shalt  }

</sc_bundles>
